<compile_context>
chip_gen: v7x
topology: tpu7x:2x2x1
jax: 0.10.2.dev20260603
libtpu: 0.0.44.dev20260713+nightly
codegen_flags: <defaults>
</compile_context>

<pallas_src>
import functools

import jax
import jax.numpy as jnp
from jax import lax
from jax.experimental import pallas as pl
from jax.experimental.pallas import tpu as pltpu
from jax.experimental.pallas import tpu_sc as plsc

N = 10000
D = 128
E = 320000

NC = 2
NS = 16
NW = NC * NS
EPW = E // NW
CH = 80
NCHUNK = EPW // CH
ZR = 80
NZCH = N // ZR


def _sc_agg_body(x_hbm, ei_hbm, acc_out,
                 src_v, dst_v, rows_v, acc_sh, sem):
    c = lax.axis_index("c")
    s = lax.axis_index("s")
    w = s * NC + c

    zero16 = jnp.zeros((16,), jnp.float32)
    one16 = jnp.ones((16,), jnp.float32)

    def _zrow(i, _):
        for j in range(D // 16):
            rows_v[i, pl.ds(j * 16, 16)] = zero16
        return 0
    lax.fori_loop(0, CH, _zrow, 0)

    lo = s * NZCH // NS
    hi = (s + 1) * NZCH // NS

    def _zero(i, _):
        pltpu.sync_copy(rows_v, acc_sh.at[pl.ds(i * ZR, ZR)])
        return 0
    lax.fori_loop(lo, hi, _zero, 0)
    plsc.subcore_barrier()

    def _edge(i, _):
        base = w * EPW + i * CH
        pltpu.sync_copy(ei_hbm.at[pl.ds(base, CH)], src_v)
        pltpu.sync_copy(ei_hbm.at[pl.ds(E + base, CH)], dst_v)
        pltpu.async_copy(x_hbm.at[src_v], rows_v, sem).wait()
        pltpu.sync_copy(rows_v, acc_sh.at[dst_v], add=True)
        return 0
    lax.fori_loop(0, NCHUNK, _edge, 0)
    plsc.subcore_barrier()


    def _out(i, _):
        r0 = i * ZR
        pltpu.sync_copy(acc_sh.at[pl.ds(r0, ZR)], rows_v)
        pltpu.sync_copy(rows_v, acc_out.at[c, pl.ds(r0, ZR)])
        return 0
    lax.fori_loop(lo, hi, _out, 0)


@functools.lru_cache(maxsize=1)
def _sc_agg():
    return pl.kernel(
        _sc_agg_body,
        out_type=[jax.ShapeDtypeStruct((NC, N, D), jnp.float32)],
        mesh=plsc.VectorSubcoreMesh(core_axis_name="c", subcore_axis_name="s"),
        scratch_types=[
            pltpu.VMEM((CH,), jnp.int32),
            pltpu.VMEM((CH,), jnp.int32),
            pltpu.VMEM((CH, D), jnp.float32),
            pltpu.VMEM_SHARED((N, D), jnp.float32),
            pltpu.SemaphoreType.DMA,
        ],
    )


def _dense_body(acc_ref, cnt_ref, x_ref, wl_ref, wr_ref, b_ref, o_ref, *, act):
    summed = acc_ref[0] + acc_ref[1]
    cnt = cnt_ref[0, :, 0:1] + cnt_ref[1, :, 0:1]
    mean = summed / jnp.maximum(cnt, 1.0)
    out = (jnp.dot(mean, wl_ref[...], preferred_element_type=jnp.float32)
           + jnp.dot(x_ref[...], wr_ref[...], preferred_element_type=jnp.float32)
           + b_ref[...])
    if act == "relu":
        o_ref[...] = jnp.maximum(out, 0.0)
    else:
        m = jnp.max(out, axis=-1, keepdims=True)
        lse = jnp.log(jnp.sum(jnp.exp(out - m), axis=-1, keepdims=True))
        o_ref[...] = out - m - lse


_RB = 2000


def _dense(acc, cnt, x, wl, wr, b, act):
    body = functools.partial(_dense_body, act=act)
    return pl.pallas_call(
        body,
        grid=(N // _RB,),
        in_specs=[
            pl.BlockSpec((NC, _RB, D), lambda i: (0, i, 0)),
            pl.BlockSpec((NC, _RB, D), lambda i: (0, i, 0)),
            pl.BlockSpec((_RB, D), lambda i: (i, 0)),
            pl.BlockSpec((D, D), lambda i: (0, 0)),
            pl.BlockSpec((D, D), lambda i: (0, 0)),
            pl.BlockSpec((1, D), lambda i: (0, 0)),
        ],
        out_specs=pl.BlockSpec((_RB, D), lambda i: (i, 0)),
        out_shape=jax.ShapeDtypeStruct((N, D), jnp.float32),
    )(acc, cnt, x, wl, wr, b)


def kernel(x, edge_index_l0, edge_index_l1, W_l0, b_l0, W_r0, b_r0,
           W_l1, b_l1, W_r1, b_r1):
    b0 = (b_l0 + b_r0).reshape(1, D)
    b1 = (b_l1 + b_r1).reshape(1, D)

    agg = _sc_agg()
    ones_nd = jnp.ones((N, D), jnp.float32)
    ei0 = edge_index_l0.reshape(-1)
    ei1 = edge_index_l1.reshape(-1)
    (acc0,) = agg(x, ei0)
    (cnt0,) = agg(ones_nd, ei0)
    h = _dense(acc0, cnt0, x, W_l0, W_r0, b0, "relu")
    (acc1,) = agg(h, ei1)
    (cnt1,) = agg(ones_nd, ei1)
    return _dense(acc1, cnt1, h, W_l1, W_r1, b1, "logsm")

# --- scband reference (transcript-rebuilt; emitter-appended) ---
"""Pipeline reference for scband-sage-25125558682200 (READ-ONLY COPY).

The authoritative reference and input builder live on the scoring server;
editing this copy changes nothing except your own understanding.
"""

import jax, jax.numpy as jnp
import numpy as np

N = 10000
E = 320000
D_IN = 128
D_HID = 128
D_OUT = 128


def setup_inputs(seed: int = 0) -> dict:
    key = jax.random.key(seed)
    ks = jax.random.split(key, 12)
    x = jax.random.normal(ks[0], (N, D_IN), dtype=jnp.float32)
    edge_index_l0 = jax.random.randint(ks[1], (2, E), 0, N, dtype=jnp.int32)
    edge_index_l1 = jax.random.randint(ks[2], (2, E), 0, N, dtype=jnp.int32)
    # SAGEConv layer 0 params: lin_l (neighbor aggregate), lin_r (root/self)
    W_l0 = jax.random.normal(ks[3], (D_IN, D_HID), dtype=jnp.float32) * 0.05
    b_l0 = jnp.zeros((D_HID,), dtype=jnp.float32)
    W_r0 = jax.random.normal(ks[4], (D_IN, D_HID), dtype=jnp.float32) * 0.05
    b_r0 = jnp.zeros((D_HID,), dtype=jnp.float32)
    # SAGEConv layer 1 params
    W_l1 = jax.random.normal(ks[5], (D_HID, D_OUT), dtype=jnp.float32) * 0.05
    b_l1 = jnp.zeros((D_OUT,), dtype=jnp.float32)
    W_r1 = jax.random.normal(ks[6], (D_HID, D_OUT), dtype=jnp.float32) * 0.05
    b_r1 = jnp.zeros((D_OUT,), dtype=jnp.float32)
    return {
        "x": x,
        "edge_index_l0": edge_index_l0,
        "edge_index_l1": edge_index_l1,
        "W_l0": W_l0, "b_l0": b_l0, "W_r0": W_r0, "b_r0": b_r0,
        "W_l1": W_l1, "b_l1": b_l1, "W_r1": W_r1, "b_r1": b_r1,
    }


def _sage_conv(x_src, x_dst, edge_index, W_l, b_l, W_r, b_r):
    # Bipartite SAGEConv with mean aggregation:
    # out[i] = lin_l(mean_{(j->i) in E} x_src[j]) + lin_r(x_dst[i])
    src = edge_index[0]
    dst = edge_index[1]
    n_dst = x_dst.shape[0]
    msgs = jnp.take(x_src, src, axis=0)                       # gather  [E, d]
    summed = jax.ops.segment_sum(msgs, dst, num_segments=n_dst)  # scatter-add
    ones = jnp.ones((edge_index.shape[1],), dtype=x_src.dtype)
    cnt = jax.ops.segment_sum(ones, dst, num_segments=n_dst)
    mean = summed / jnp.clip(cnt, 1.0)[:, None]
    return mean @ W_l + b_l + x_dst @ W_r + b_r


def reference(x, edge_index_l0, edge_index_l1,
              W_l0, b_l0, W_r0, b_r0,
              W_l1, b_l1, W_r1, b_r1):
    # Layer 0: full-frontier, size=(N, N) so x_target = x[:N] = x
    h = _sage_conv(x, x, edge_index_l0, W_l0, b_l0, W_r0, b_r0)
    h = jax.nn.relu(h)
    # dropout(p=0.5) is identity in eval mode
    # Layer 1
    out = _sage_conv(h, h, edge_index_l1, W_l1, b_l1, W_r1, b_r1)
    return jax.nn.log_softmax(out, axis=-1)

if __name__ == "__main__":
    import jax
    _d = setup_inputs()
    print(jax.jit(kernel)(*tuple(_d.values())))

</pallas_src>

<mosaic_0001>
#map = affine_map<(d0, d1) -> (0, 0)>
#map1 = affine_map<(d0, d1) -> (0)>
#map2 = affine_map<(d0, d1) -> (0, 0, 0)>
module attributes {stable_mosaic.version = 14 : i64} {
  func.func @_sc_agg_body(%arg0: i32, %arg1: i32, %arg2: memref<10000x128xf32, #tpu.memory_space<hbm>>, %arg3: memref<640000xi32, #tpu.memory_space<hbm>>, %arg4: memref<2x10000x128xf32, #tpu.memory_space<hbm>>, %arg5: memref<80xi32, #tpu.memory_space<vmem>>, %arg6: memref<80xi32, #tpu.memory_space<vmem>>, %arg7: memref<80x128xf32, #tpu.memory_space<vmem>>, %arg8: memref<10000x128xf32, #tpu.memory_space<vmem_shared>>, %arg9: memref<!tpu.dma_semaphore, #tpu.memory_space<semaphore_mem>>) attributes {dimension_semantics = [#tpu.dimension_semantics<core_parallel>, #tpu.dimension_semantics<subcore_parallel>], iteration_bounds = array<i64: 2, 16>, scalar_prefetch = 0 : i64, scratch_operands = 5 : i64, tpu.core_type = #tpu.core_type<sc_vector_subcore>, window_params = [{transform_indices = #map}, {transform_indices = #map1}, {transform_indices = #map2}]} {
    %mul3A = arith.constant 2 : i32
    %mul3A_0 = arith.muli %arg1, %mul3A : i32
    %add3A = arith.addi %mul3A_0, %arg0 : i32
    %broadcast_in_dim3A = arith.constant 0.000000e+00 : f32
    %broadcast_in_dim3A_1 = vector.broadcast %broadcast_in_dim3A : f32 to vector<16xf32>
    %broadcast_in_dim3A_2 = arith.constant 1.000000e+00 : f32
    %broadcast_in_dim3A_3 = vector.broadcast %broadcast_in_dim3A_2 : f32 to vector<16xf32>
    %scan3A = arith.constant 0 : i32
    %scan3A_4 = arith.constant 0 : i32
    %scan3A_5 = arith.constant 80 : i32
    %scan3A_6 = arith.addi %scan3A_4, %scan3A_5 : i32
    %scan3A_7 = arith.constant 1 : i32
    %scan3A_8 = scf.for %scan3A_85 = %scan3A_4 to %scan3A_6 step %scan3A_7 iter_args(%scan3A_86 = %scan3A) -> (i32)  : i32 {
      %swap3A = arith.index_cast %scan3A_85 : i32 to index
      %swap3A_87 = arith.constant 0 : index
      %swap3A_88 = tpu.vector_load %arg7[%swap3A, %swap3A_87] {strides = array<i32>} : memref<80x128xf32, #tpu.memory_space<vmem>>, vector<1x16xf32>,
      %swap3A_89 = vector.shape_cast %swap3A_88 : vector<1x16xf32> to vector<16xf32>
      %swap3A_90 = vector.shape_cast %broadcast_in_dim3A_1 : vector<16xf32> to vector<1x16xf32>
      tpu.vector_store %arg7[%swap3A, %swap3A_87], %swap3A_90 {strides = array<i32>} : memref<80x128xf32, #tpu.memory_space<vmem>>, vector<1x16xf32>,
      %swap3A_91 = arith.index_cast %scan3A_85 : i32 to index
      %swap3A_92 = arith.constant 16 : index
      %swap3A_93 = tpu.vector_load %arg7[%swap3A_91, %swap3A_92] {strides = array<i32>} : memref<80x128xf32, #tpu.memory_space<vmem>>, vector<1x16xf32>,
      %swap3A_94 = vector.shape_cast %swap3A_93 : vector<1x16xf32> to vector<16xf32>
      %swap3A_95 = vector.shape_cast %broadcast_in_dim3A_1 : vector<16xf32> to vector<1x16xf32>
      tpu.vector_store %arg7[%swap3A_91, %swap3A_92], %swap3A_95 {strides = array<i32>} : memref<80x128xf32, #tpu.memory_space<vmem>>, vector<1x16xf32>,
      %swap3A_96 = arith.index_cast %scan3A_85 : i32 to index
      %swap3A_97 = arith.constant 32 : index
      %swap3A_98 = tpu.vector_load %arg7[%swap3A_96, %swap3A_97] {strides = array<i32>} : memref<80x128xf32, #tpu.memory_space<vmem>>, vector<1x16xf32>,
      %swap3A_99 = vector.shape_cast %swap3A_98 : vector<1x16xf32> to vector<16xf32>
      %swap3A_100 = vector.shape_cast %broadcast_in_dim3A_1 : vector<16xf32> to vector<1x16xf32>
      tpu.vector_store %arg7[%swap3A_96, %swap3A_97], %swap3A_100 {strides = array<i32>} : memref<80x128xf32, #tpu.memory_space<vmem>>, vector<1x16xf32>,
      %swap3A_101 = arith.index_cast %scan3A_85 : i32 to index
      %swap3A_102 = arith.constant 48 : index
      %swap3A_103 = tpu.vector_load %arg7[%swap3A_101, %swap3A_102] {strides = array<i32>} : memref<80x128xf32, #tpu.memory_space<vmem>>, vector<1x16xf32>,
      %swap3A_104 = vector.shape_cast %swap3A_103 : vector<1x16xf32> to vector<16xf32>
      %swap3A_105 = vector.shape_cast %broadcast_in_dim3A_1 : vector<16xf32> to vector<1x16xf32>
      tpu.vector_store %arg7[%swap3A_101, %swap3A_102], %swap3A_105 {strides = array<i32>} : memref<80x128xf32, #tpu.memory_space<vmem>>, vector<1x16xf32>,
      %swap3A_106 = arith.index_cast %scan3A_85 : i32 to index
      %swap3A_107 = arith.constant 64 : index
      %swap3A_108 = tpu.vector_load %arg7[%swap3A_106, %swap3A_107] {strides = array<i32>} : memref<80x128xf32, #tpu.memory_space<vmem>>, vector<1x16xf32>,
      %swap3A_109 = vector.shape_cast %swap3A_108 : vector<1x16xf32> to vector<16xf32>
      %swap3A_110 = vector.shape_cast %broadcast_in_dim3A_1 : vector<16xf32> to vector<1x16xf32>
      tpu.vector_store %arg7[%swap3A_106, %swap3A_107], %swap3A_110 {strides = array<i32>} : memref<80x128xf32, #tpu.memory_space<vmem>>, vector<1x16xf32>,
      %swap3A_111 = arith.index_cast %scan3A_85 : i32 to index
      %swap3A_112 = arith.constant 80 : index
      %swap3A_113 = tpu.vector_load %arg7[%swap3A_111, %swap3A_112] {strides = array<i32>} : memref<80x128xf32, #tpu.memory_space<vmem>>, vector<1x16xf32>,
      %swap3A_114 = vector.shape_cast %swap3A_113 : vector<1x16xf32> to vector<16xf32>
      %swap3A_115 = vector.shape_cast %broadcast_in_dim3A_1 : vector<16xf32> to vector<1x16xf32>
      tpu.vector_store %arg7[%swap3A_111, %swap3A_112], %swap3A_115 {strides = array<i32>} : memref<80x128xf32, #tpu.memory_space<vmem>>, vector<1x16xf32>,
      %swap3A_116 = arith.index_cast %scan3A_85 : i32 to index
      %swap3A_117 = arith.constant 96 : index
      %swap3A_118 = tpu.vector_load %arg7[%swap3A_116, %swap3A_117] {strides = array<i32>} : memref<80x128xf32, #tpu.memory_space<vmem>>, vector<1x16xf32>,
      %swap3A_119 = vector.shape_cast %swap3A_118 : vector<1x16xf32> to vector<16xf32>
      %swap3A_120 = vector.shape_cast %broadcast_in_dim3A_1 : vector<16xf32> to vector<1x16xf32>
      tpu.vector_store %arg7[%swap3A_116, %swap3A_117], %swap3A_120 {strides = array<i32>} : memref<80x128xf32, #tpu.memory_space<vmem>>, vector<1x16xf32>,
      %swap3A_121 = arith.index_cast %scan3A_85 : i32 to index
      %swap3A_122 = arith.constant 112 : index
      %swap3A_123 = tpu.vector_load %arg7[%swap3A_121, %swap3A_122] {strides = array<i32>} : memref<80x128xf32, #tpu.memory_space<vmem>>, vector<1x16xf32>,
      %swap3A_124 = vector.shape_cast %swap3A_123 : vector<1x16xf32> to vector<16xf32>
      %swap3A_125 = vector.shape_cast %broadcast_in_dim3A_1 : vector<16xf32> to vector<1x16xf32>
      tpu.vector_store %arg7[%swap3A_121, %swap3A_122], %swap3A_125 {strides = array<i32>} : memref<80x128xf32, #tpu.memory_space<vmem>>, vector<1x16xf32>,
      %scan3A_126 = arith.constant 0 : i32
      scf.yield %scan3A_126 : i32
    }
    %scan3A_9 = arith.constant 80 : i32
    %mul3A_10 = arith.constant 125 : i32
    %mul3A_11 = arith.muli %arg1, %mul3A_10 : i32
    %jit3A = arith.constant 16 : i32
    %div3A = arith.divsi %mul3A_11, %jit3A : i32
    %sign3A = arith.constant 0 : i32
    %sign3A_12 = arith.cmpi sgt, %mul3A_11, %sign3A : i32
    %sign3A_13 = arith.extui %sign3A_12 : i1 to i32
    %sign3A_14 = arith.constant 0 : i32
    %sign3A_15 = arith.cmpi slt, %mul3A_11, %sign3A_14 : i32
    %sign3A_16 = arith.extui %sign3A_15 : i1 to i32
    %sign3A_17 = arith.subi %sign3A_13, %sign3A_16 : i32
    %sign3A_18 = arith.constant 0 : i32
    %sign3A_19 = arith.cmpi sgt, %jit3A, %sign3A_18 : i32
    %sign3A_20 = arith.extui %sign3A_19 : i1 to i32
    %sign3A_21 = arith.constant 0 : i32
    %sign3A_22 = arith.cmpi slt, %jit3A, %sign3A_21 : i32
    %sign3A_23 = arith.extui %sign3A_22 : i1 to i32
    %sign3A_24 = arith.subi %sign3A_20, %sign3A_23 : i32
    %ne3A = arith.cmpi ne, %sign3A_17, %sign3A_24 : i32
    %rem3A = arith.remsi %mul3A_11, %jit3A : i32
    %ne3A_25 = arith.constant 0 : i32
    %ne3A_26 = arith.cmpi ne, %rem3A, %ne3A_25 : i32
    %and3A = arith.andi %ne3A, %ne3A_26 : i1
    %sub3A = arith.constant 1 : i32
    %sub3A_27 = arith.subi %div3A, %sub3A : i32
    %select_n3A = arith.select %and3A, %sub3A_27, %div3A : i32
    %add3A_28 = arith.constant 1 : i32
    %add3A_29 = arith.addi %arg1, %add3A_28 : i32
    %mul3A_30 = arith.constant 125 : i32
    %mul3A_31 = arith.muli %add3A_29, %mul3A_30 : i32
    %jit3A_32 = arith.constant 16 : i32
    %div3A_33 = arith.divsi %mul3A_31, %jit3A_32 : i32
    %sign3A_34 = arith.constant 0 : i32
    %sign3A_35 = arith.cmpi sgt, %mul3A_31, %sign3A_34 : i32
    %sign3A_36 = arith.extui %sign3A_35 : i1 to i32
    %sign3A_37 = arith.constant 0 : i32
    %sign3A_38 = arith.cmpi slt, %mul3A_31, %sign3A_37 : i32
    %sign3A_39 = arith.extui %sign3A_38 : i1 to i32
    %sign3A_40 = arith.subi %sign3A_36, %sign3A_39 : i32
    %sign3A_41 = arith.constant 0 : i32
    %sign3A_42 = arith.cmpi sgt, %jit3A_32, %sign3A_41 : i32
    %sign3A_43 = arith.extui %sign3A_42 : i1 to i32
    %sign3A_44 = arith.constant 0 : i32
    %sign3A_45 = arith.cmpi slt, %jit3A_32, %sign3A_44 : i32
    %sign3A_46 = arith.extui %sign3A_45 : i1 to i32
    %sign3A_47 = arith.subi %sign3A_43, %sign3A_46 : i32
    %ne3A_48 = arith.cmpi ne, %sign3A_40, %sign3A_47 : i32
    %rem3A_49 = arith.remsi %mul3A_31, %jit3A_32 : i32
    %ne3A_50 = arith.constant 0 : i32
    %ne3A_51 = arith.cmpi ne, %rem3A_49, %ne3A_50 : i32
    %and3A_52 = arith.andi %ne3A_48, %ne3A_51 : i1
    %sub3A_53 = arith.constant 1 : i32
    %sub3A_54 = arith.subi %div3A_33, %sub3A_53 : i32
    %select_n3A_55 = arith.select %and3A_52, %sub3A_54, %div3A_33 : i32
    %while3A = arith.constant 0 : i32
    %while3A_56 = arith.subi %select_n3A_55, %select_n3A : i32
    %while3A_57 = arith.addi %select_n3A, %while3A_56 : i32
    %while3A_58 = arith.constant 1 : i32
    %while3A_59 = arith.divsi %while3A_56, %while3A_58 : i32
    %while3A_60 = arith.muli %while3A_59, %while3A_58 : i32
    %while3A_61 = arith.addi %select_n3A, %while3A_60 : i32
    %while3A_62 = arith.constant 1 : i32
    %while3A_63 = scf.for %while3A_85 = %select_n3A to %while3A_61 step %while3A_62 iter_args(%while3A_86 = %while3A) -> (i32)  : i32 {
      %mul3A_87 = arith.constant 80 : i32
      %mul3A_88 = arith.muli %while3A_85, %mul3A_87 : i32
      "tpu.region"() ({
        %run_scoped3A = tpu.sem_alloc : memref<!tpu.dma_semaphore, #tpu.memory_space<semaphore_mem>>
        %dma_start3A = arith.constant 0 : i32
        %dma_start3A_90 = tpu.memref_slice %arg8[%mul3A_88, %dma_start3A] : memref<10000x128xf32, #tpu.memory_space<vmem_shared>> -> memref<80x128xf32, #tpu.memory_space<vmem_shared>>
        %dma_start3A_91 = arith.constant 0 : i32
        %dma_start3A_92 = tpu.memref_slice %arg8[%mul3A_88, %dma_start3A_91] : memref<10000x128xf32, #tpu.memory_space<vmem_shared>> -> memref<80x128xf32, #tpu.memory_space<vmem_shared>>
        tpu.enqueue_dma source(%arg7 : memref<80x128xf32, #tpu.memory_space<vmem>>) target(%dma_start3A_92 : memref<80x128xf32, #tpu.memory_space<vmem_shared>>) target_semaphore(%run_scoped3A : memref<!tpu.dma_semaphore, #tpu.memory_space<semaphore_mem>>)
        %dma_wait3A = arith.constant 0 : i32
        %dma_wait3A_93 = tpu.memref_slice %arg8[%mul3A_88, %dma_wait3A] : memref<10000x128xf32, #tpu.memory_space<vmem_shared>> -> memref<80x128xf32, #tpu.memory_space<vmem_shared>>
        %dma_wait3A_94 = arith.constant 0 : i32
        %dma_wait3A_95 = tpu.memref_slice %arg8[%mul3A_88, %dma_wait3A_94] : memref<10000x128xf32, #tpu.memory_space<vmem_shared>> -> memref<80x128xf32, #tpu.memory_space<vmem_shared>>
        tpu.wait_dma2 semaphore(%run_scoped3A : memref<!tpu.dma_semaphore, #tpu.memory_space<semaphore_mem>>) src(%arg7 : memref<80x128xf32, #tpu.memory_space<vmem>>) dst(%dma_wait3A_95 : memref<80x128xf32, #tpu.memory_space<vmem_shared>>)
        tpu.yield
      }) : () -> ()
      %while3A_89 = arith.constant 0 : i32
      scf.yield %while3A_89 : i32
    }
    %while3A_64 = arith.constant 1 : i32
    %while3A_65 = scf.for %while3A_85 = %while3A_61 to %while3A_57 step %while3A_64 iter_args(%while3A_86 = %while3A_63) -> (i32)  : i32 {
      %mul3A_87 = arith.constant 80 : i32
      %mul3A_88 = arith.muli %while3A_85, %mul3A_87 : i32
      "tpu.region"() ({
        %run_scoped3A = tpu.sem_alloc : memref<!tpu.dma_semaphore, #tpu.memory_space<semaphore_mem>>
        %dma_start3A = arith.constant 0 : i32
        %dma_start3A_90 = tpu.memref_slice %arg8[%mul3A_88, %dma_start3A] : memref<10000x128xf32, #tpu.memory_space<vmem_shared>> -> memref<80x128xf32, #tpu.memory_space<vmem_shared>>
        %dma_start3A_91 = arith.constant 0 : i32
        %dma_start3A_92 = tpu.memref_slice %arg8[%mul3A_88, %dma_start3A_91] : memref<10000x128xf32, #tpu.memory_space<vmem_shared>> -> memref<80x128xf32, #tpu.memory_space<vmem_shared>>
        tpu.enqueue_dma source(%arg7 : memref<80x128xf32, #tpu.memory_space<vmem>>) target(%dma_start3A_92 : memref<80x128xf32, #tpu.memory_space<vmem_shared>>) target_semaphore(%run_scoped3A : memref<!tpu.dma_semaphore, #tpu.memory_space<semaphore_mem>>)
        %dma_wait3A = arith.constant 0 : i32
        %dma_wait3A_93 = tpu.memref_slice %arg8[%mul3A_88, %dma_wait3A] : memref<10000x128xf32, #tpu.memory_space<vmem_shared>> -> memref<80x128xf32, #tpu.memory_space<vmem_shared>>
        %dma_wait3A_94 = arith.constant 0 : i32
        %dma_wait3A_95 = tpu.memref_slice %arg8[%mul3A_88, %dma_wait3A_94] : memref<10000x128xf32, #tpu.memory_space<vmem_shared>> -> memref<80x128xf32, #tpu.memory_space<vmem_shared>>
        tpu.wait_dma2 semaphore(%run_scoped3A : memref<!tpu.dma_semaphore, #tpu.memory_space<semaphore_mem>>) src(%arg7 : memref<80x128xf32, #tpu.memory_space<vmem>>) dst(%dma_wait3A_95 : memref<80x128xf32, #tpu.memory_space<vmem_shared>>)
        tpu.yield
      }) : () -> ()
      %while3A_89 = arith.constant 0 : i32
      scf.yield %while3A_89 : i32
    }
    %barrier3A = arith.constant 0 : index
    tpu.barrier barrier_id(%barrier3A)
    %scan3A_66 = arith.constant 0 : i32
    %scan3A_67 = arith.constant 0 : i32
    %scan3A_68 = arith.constant 125 : i32
    %scan3A_69 = arith.addi %scan3A_67, %scan3A_68 : i32
    %scan3A_70 = arith.constant 1 : i32
    %scan3A_71 = scf.for %scan3A_85 = %scan3A_67 to %scan3A_69 step %scan3A_70 iter_args(%scan3A_86 = %scan3A_66) -> (i32)  : i32 {
      %mul3A_87 = arith.constant 10000 : i32
      %mul3A_88 = arith.muli %add3A, %mul3A_87 : i32
      %mul3A_89 = arith.constant 80 : i32
      %mul3A_90 = arith.muli %scan3A_85, %mul3A_89 : i32
      %add3A_91 = arith.addi %mul3A_88, %mul3A_90 : i32
      "tpu.region"() ({
        %run_scoped3A = tpu.sem_alloc : memref<!tpu.dma_semaphore, #tpu.memory_space<semaphore_mem>>
        %dma_start3A_99 = tpu.memref_slice %arg3[%add3A_91] : memref<640000xi32, #tpu.memory_space<hbm>> -> memref<80xi32, #tpu.memory_space<hbm>>
        %dma_start3A_100 = tpu.memref_slice %arg3[%add3A_91] : memref<640000xi32, #tpu.memory_space<hbm>> -> memref<80xi32, #tpu.memory_space<hbm>>
        tpu.enqueue_dma source(%dma_start3A_100 : memref<80xi32, #tpu.memory_space<hbm>>) target(%arg5 : memref<80xi32, #tpu.memory_space<vmem>>) target_semaphore(%run_scoped3A : memref<!tpu.dma_semaphore, #tpu.memory_space<semaphore_mem>>)
        %dma_wait3A_101 = tpu.memref_slice %arg3[%add3A_91] : memref<640000xi32, #tpu.memory_space<hbm>> -> memref<80xi32, #tpu.memory_space<hbm>>
        %dma_wait3A_102 = tpu.memref_slice %arg3[%add3A_91] : memref<640000xi32, #tpu.memory_space<hbm>> -> memref<80xi32, #tpu.memory_space<hbm>>
        tpu.wait_dma2 semaphore(%run_scoped3A : memref<!tpu.dma_semaphore, #tpu.memory_space<semaphore_mem>>) src(%dma_wait3A_102 : memref<80xi32, #tpu.memory_space<hbm>>) dst(%arg5 : memref<80xi32, #tpu.memory_space<vmem>>)
        tpu.yield
      }) : () -> ()
      %add3A_92 = arith.constant 320000 : i32
      %add3A_93 = arith.addi %add3A_92, %add3A_91 : i32
      "tpu.region"() ({
        %run_scoped3A = tpu.sem_alloc : memref<!tpu.dma_semaphore, #tpu.memory_space<semaphore_mem>>
        %dma_start3A_99 = tpu.memref_slice %arg3[%add3A_93] : memref<640000xi32, #tpu.memory_space<hbm>> -> memref<80xi32, #tpu.memory_space<hbm>>
        %dma_start3A_100 = tpu.memref_slice %arg3[%add3A_93] : memref<640000xi32, #tpu.memory_space<hbm>> -> memref<80xi32, #tpu.memory_space<hbm>>
        tpu.enqueue_dma source(%dma_start3A_100 : memref<80xi32, #tpu.memory_space<hbm>>) target(%arg6 : memref<80xi32, #tpu.memory_space<vmem>>) target_semaphore(%run_scoped3A : memref<!tpu.dma_semaphore, #tpu.memory_space<semaphore_mem>>)
        %dma_wait3A_101 = tpu.memref_slice %arg3[%add3A_93] : memref<640000xi32, #tpu.memory_space<hbm>> -> memref<80xi32, #tpu.memory_space<hbm>>
        %dma_wait3A_102 = tpu.memref_slice %arg3[%add3A_93] : memref<640000xi32, #tpu.memory_space<hbm>> -> memref<80xi32, #tpu.memory_space<hbm>>
        tpu.wait_dma2 semaphore(%run_scoped3A : memref<!tpu.dma_semaphore, #tpu.memory_space<semaphore_mem>>) src(%dma_wait3A_102 : memref<80xi32, #tpu.memory_space<hbm>>) dst(%arg6 : memref<80xi32, #tpu.memory_space<vmem>>)
        tpu.yield
      }) : () -> ()
      %dma_start3A = arith.constant 0 : i32
      %dma_start3A_94 = arith.constant 0 : i32
      %dma_start3A_95 = tpu.memref_slice %arg2[%dma_start3A, %dma_start3A_94] : memref<10000x128xf32, #tpu.memory_space<hbm>> -> memref<10000x128xf32, #tpu.memory_space<hbm>>
      tpu.enqueue_indirect_dma source(%dma_start3A_95 : memref<10000x128xf32, #tpu.memory_space<hbm>>) target(%arg7 : memref<80x128xf32, #tpu.memory_space<vmem>>) offsets(%arg5 : memref<80xi32, #tpu.memory_space<vmem>>) semaphore(%arg9 : memref<!tpu.dma_semaphore, #tpu.memory_space<semaphore_mem>>)
      %dma_wait3A = arith.constant 0 : i32
      %dma_wait3A_96 = arith.constant 0 : i32
      %dma_wait3A_97 = tpu.memref_slice %arg2[%dma_wait3A, %dma_wait3A_96] : memref<10000x128xf32, #tpu.memory_space<hbm>> -> memref<10000x128xf32, #tpu.memory_space<hbm>>
      tpu.wait_indirect_dma semaphore(%arg9 : memref<!tpu.dma_semaphore, #tpu.memory_space<semaphore_mem>>) src(%dma_wait3A_97 : memref<10000x128xf32, #tpu.memory_space<hbm>>) dst(%arg7 : memref<80x128xf32, #tpu.memory_space<vmem>>)
      "tpu.region"() ({
        %run_scoped3A = tpu.sem_alloc : memref<!tpu.dma_semaphore, #tpu.memory_space<semaphore_mem>>
        %dma_start3A_99 = arith.constant 0 : i32
        %dma_start3A_100 = arith.constant 0 : i32
        %dma_start3A_101 = tpu.memref_slice %arg8[%dma_start3A_99, %dma_start3A_100] : memref<10000x128xf32, #tpu.memory_space<vmem_shared>> -> memref<10000x128xf32, #tpu.memory_space<vmem_shared>>
        tpu.enqueue_indirect_dma source(%arg7 : memref<80x128xf32, #tpu.memory_space<vmem>>) target(%dma_start3A_101 : memref<10000x128xf32, #tpu.memory_space<vmem_shared>>) offsets(%arg6 : memref<80xi32, #tpu.memory_space<vmem>>) semaphore(%run_scoped3A : memref<!tpu.dma_semaphore, #tpu.memory_space<semaphore_mem>>) {add = true}
        %dma_wait3A_102 = arith.constant 0 : i32
        %dma_wait3A_103 = arith.constant 0 : i32
        %dma_wait3A_104 = tpu.memref_slice %arg8[%dma_wait3A_102, %dma_wait3A_103] : memref<10000x128xf32, #tpu.memory_space<vmem_shared>> -> memref<10000x128xf32, #tpu.memory_space<vmem_shared>>
        tpu.wait_indirect_dma semaphore(%run_scoped3A : memref<!tpu.dma_semaphore, #tpu.memory_space<semaphore_mem>>) src(%arg7 : memref<80x128xf32, #tpu.memory_space<vmem>>) dst(%dma_wait3A_104 : memref<10000x128xf32, #tpu.memory_space<vmem_shared>>)
        tpu.yield
      }) : () -> ()
      %scan3A_98 = arith.constant 0 : i32
      scf.yield %scan3A_98 : i32
    }
    %scan3A_72 = arith.constant 125 : i32
    %barrier3A_73 = arith.constant 0 : index
    tpu.barrier barrier_id(%barrier3A_73)
    %while3A_74 = arith.constant 0 : i32
    %while3A_75 = arith.subi %select_n3A_55, %select_n3A : i32
    %while3A_76 = arith.addi %select_n3A, %while3A_75 : i32
    %while3A_77 = arith.constant 1 : i32
    %while3A_78 = arith.divsi %while3A_75, %while3A_77 : i32
    %while3A_79 = arith.muli %while3A_78, %while3A_77 : i32
    %while3A_80 = arith.addi %select_n3A, %while3A_79 : i32
    %while3A_81 = arith.constant 1 : i32
    %while3A_82 = scf.for %while3A_85 = %select_n3A to %while3A_80 step %while3A_81 iter_args(%while3A_86 = %while3A_74) -> (i32)  : i32 {
      %mul3A_87 = arith.constant 80 : i32
      %mul3A_88 = arith.muli %while3A_85, %mul3A_87 : i32
      "tpu.region"() ({
        %run_scoped3A = tpu.sem_alloc : memref<!tpu.dma_semaphore, #tpu.memory_space<semaphore_mem>>
        %dma_start3A = arith.constant 0 : i32
        %dma_start3A_90 = tpu.memref_slice %arg8[%mul3A_88, %dma_start3A] : memref<10000x128xf32, #tpu.memory_space<vmem_shared>> -> memref<80x128xf32, #tpu.memory_space<vmem_shared>>
        %dma_start3A_91 = arith.constant 0 : i32
        %dma_start3A_92 = tpu.memref_slice %arg8[%mul3A_88, %dma_start3A_91] : memref<10000x128xf32, #tpu.memory_space<vmem_shared>> -> memref<80x128xf32, #tpu.memory_space<vmem_shared>>
        tpu.enqueue_dma source(%dma_start3A_92 : memref<80x128xf32, #tpu.memory_space<vmem_shared>>) target(%arg7 : memref<80x128xf32, #tpu.memory_space<vmem>>) target_semaphore(%run_scoped3A : memref<!tpu.dma_semaphore, #tpu.memory_space<semaphore_mem>>)
        %dma_wait3A = arith.constant 0 : i32
        %dma_wait3A_93 = tpu.memref_slice %arg8[%mul3A_88, %dma_wait3A] : memref<10000x128xf32, #tpu.memory_space<vmem_shared>> -> memref<80x128xf32, #tpu.memory_space<vmem_shared>>
        %dma_wait3A_94 = arith.constant 0 : i32
        %dma_wait3A_95 = tpu.memref_slice %arg8[%mul3A_88, %dma_wait3A_94] : memref<10000x128xf32, #tpu.memory_space<vmem_shared>> -> memref<80x128xf32, #tpu.memory_space<vmem_shared>>
        tpu.wait_dma2 semaphore(%run_scoped3A : memref<!tpu.dma_semaphore, #tpu.memory_space<semaphore_mem>>) src(%dma_wait3A_95 : memref<80x128xf32, #tpu.memory_space<vmem_shared>>) dst(%arg7 : memref<80x128xf32, #tpu.memory_space<vmem>>)
        tpu.yield
      }) : () -> ()
      "tpu.region"() ({
        %run_scoped3A = tpu.sem_alloc : memref<!tpu.dma_semaphore, #tpu.memory_space<semaphore_mem>>
        %dma_start3A = arith.constant 0 : i32
        %dma_start3A_90 = tpu.memref_slice %arg4[%arg0, %mul3A_88, %dma_start3A] : memref<2x10000x128xf32, #tpu.memory_space<hbm>> -> memref<1x80x128xf32, #tpu.memory_space<hbm>>
        %dma_start3A_91 = tpu.memref_squeeze %dma_start3A_90 : memref<1x80x128xf32, #tpu.memory_space<hbm>> -> memref<80x128xf32, #tpu.memory_space<hbm>>
        %dma_start3A_92 = arith.constant 0 : i32
        %dma_start3A_93 = tpu.memref_slice %arg4[%arg0, %mul3A_88, %dma_start3A_92] : memref<2x10000x128xf32, #tpu.memory_space<hbm>> -> memref<1x80x128xf32, #tpu.memory_space<hbm>>
        %dma_start3A_94 = tpu.memref_squeeze %dma_start3A_93 : memref<1x80x128xf32, #tpu.memory_space<hbm>> -> memref<80x128xf32, #tpu.memory_space<hbm>>
        tpu.enqueue_dma source(%arg7 : memref<80x128xf32, #tpu.memory_space<vmem>>) target(%dma_start3A_94 : memref<80x128xf32, #tpu.memory_space<hbm>>) target_semaphore(%run_scoped3A : memref<!tpu.dma_semaphore, #tpu.memory_space<semaphore_mem>>)
        %dma_wait3A = arith.constant 0 : i32
        %dma_wait3A_95 = tpu.memref_slice %arg4[%arg0, %mul3A_88, %dma_wait3A] : memref<2x10000x128xf32, #tpu.memory_space<hbm>> -> memref<1x80x128xf32, #tpu.memory_space<hbm>>
        %dma_wait3A_96 = tpu.memref_squeeze %dma_wait3A_95 : memref<1x80x128xf32, #tpu.memory_space<hbm>> -> memref<80x128xf32, #tpu.memory_space<hbm>>
        %dma_wait3A_97 = arith.constant 0 : i32
        %dma_wait3A_98 = tpu.memref_slice %arg4[%arg0, %mul3A_88, %dma_wait3A_97] : memref<2x10000x128xf32, #tpu.memory_space<hbm>> -> memref<1x80x128xf32, #tpu.memory_space<hbm>>
        %dma_wait3A_99 = tpu.memref_squeeze %dma_wait3A_98 : memref<1x80x128xf32, #tpu.memory_space<hbm>> -> memref<80x128xf32, #tpu.memory_space<hbm>>
        tpu.wait_dma2 semaphore(%run_scoped3A : memref<!tpu.dma_semaphore, #tpu.memory_space<semaphore_mem>>) src(%arg7 : memref<80x128xf32, #tpu.memory_space<vmem>>) dst(%dma_wait3A_99 : memref<80x128xf32, #tpu.memory_space<hbm>>)
        tpu.yield
      }) : () -> ()
      %while3A_89 = arith.constant 0 : i32
      scf.yield %while3A_89 : i32
    }
    %while3A_83 = arith.constant 1 : i32
    %while3A_84 = scf.for %while3A_85 = %while3A_80 to %while3A_76 step %while3A_83 iter_args(%while3A_86 = %while3A_82) -> (i32)  : i32 {
      %mul3A_87 = arith.constant 80 : i32
      %mul3A_88 = arith.muli %while3A_85, %mul3A_87 : i32
      "tpu.region"() ({
        %run_scoped3A = tpu.sem_alloc : memref<!tpu.dma_semaphore, #tpu.memory_space<semaphore_mem>>
        %dma_start3A = arith.constant 0 : i32
        %dma_start3A_90 = tpu.memref_slice %arg8[%mul3A_88, %dma_start3A] : memref<10000x128xf32, #tpu.memory_space<vmem_shared>> -> memref<80x128xf32, #tpu.memory_space<vmem_shared>>
        %dma_start3A_91 = arith.constant 0 : i32
        %dma_start3A_92 = tpu.memref_slice %arg8[%mul3A_88, %dma_start3A_91] : memref<10000x128xf32, #tpu.memory_space<vmem_shared>> -> memref<80x128xf32, #tpu.memory_space<vmem_shared>>
        tpu.enqueue_dma source(%dma_start3A_92 : memref<80x128xf32, #tpu.memory_space<vmem_shared>>) target(%arg7 : memref<80x128xf32, #tpu.memory_space<vmem>>) target_semaphore(%run_scoped3A : memref<!tpu.dma_semaphore, #tpu.memory_space<semaphore_mem>>)
        %dma_wait3A = arith.constant 0 : i32
        %dma_wait3A_93 = tpu.memref_slice %arg8[%mul3A_88, %dma_wait3A] : memref<10000x128xf32, #tpu.memory_space<vmem_shared>> -> memref<80x128xf32, #tpu.memory_space<vmem_shared>>
        %dma_wait3A_94 = arith.constant 0 : i32
        %dma_wait3A_95 = tpu.memref_slice %arg8[%mul3A_88, %dma_wait3A_94] : memref<10000x128xf32, #tpu.memory_space<vmem_shared>> -> memref<80x128xf32, #tpu.memory_space<vmem_shared>>
        tpu.wait_dma2 semaphore(%run_scoped3A : memref<!tpu.dma_semaphore, #tpu.memory_space<semaphore_mem>>) src(%dma_wait3A_95 : memref<80x128xf32, #tpu.memory_space<vmem_shared>>) dst(%arg7 : memref<80x128xf32, #tpu.memory_space<vmem>>)
        tpu.yield
      }) : () -> ()
      "tpu.region"() ({
        %run_scoped3A = tpu.sem_alloc : memref<!tpu.dma_semaphore, #tpu.memory_space<semaphore_mem>>
        %dma_start3A = arith.constant 0 : i32
        %dma_start3A_90 = tpu.memref_slice %arg4[%arg0, %mul3A_88, %dma_start3A] : memref<2x10000x128xf32, #tpu.memory_space<hbm>> -> memref<1x80x128xf32, #tpu.memory_space<hbm>>
        %dma_start3A_91 = tpu.memref_squeeze %dma_start3A_90 : memref<1x80x128xf32, #tpu.memory_space<hbm>> -> memref<80x128xf32, #tpu.memory_space<hbm>>
        %dma_start3A_92 = arith.constant 0 : i32
        %dma_start3A_93 = tpu.memref_slice %arg4[%arg0, %mul3A_88, %dma_start3A_92] : memref<2x10000x128xf32, #tpu.memory_space<hbm>> -> memref<1x80x128xf32, #tpu.memory_space<hbm>>
        %dma_start3A_94 = tpu.memref_squeeze %dma_start3A_93 : memref<1x80x128xf32, #tpu.memory_space<hbm>> -> memref<80x128xf32, #tpu.memory_space<hbm>>
        tpu.enqueue_dma source(%arg7 : memref<80x128xf32, #tpu.memory_space<vmem>>) target(%dma_start3A_94 : memref<80x128xf32, #tpu.memory_space<hbm>>) target_semaphore(%run_scoped3A : memref<!tpu.dma_semaphore, #tpu.memory_space<semaphore_mem>>)
        %dma_wait3A = arith.constant 0 : i32
        %dma_wait3A_95 = tpu.memref_slice %arg4[%arg0, %mul3A_88, %dma_wait3A] : memref<2x10000x128xf32, #tpu.memory_space<hbm>> -> memref<1x80x128xf32, #tpu.memory_space<hbm>>
        %dma_wait3A_96 = tpu.memref_squeeze %dma_wait3A_95 : memref<1x80x128xf32, #tpu.memory_space<hbm>> -> memref<80x128xf32, #tpu.memory_space<hbm>>
        %dma_wait3A_97 = arith.constant 0 : i32
        %dma_wait3A_98 = tpu.memref_slice %arg4[%arg0, %mul3A_88, %dma_wait3A_97] : memref<2x10000x128xf32, #tpu.memory_space<hbm>> -> memref<1x80x128xf32, #tpu.memory_space<hbm>>
        %dma_wait3A_99 = tpu.memref_squeeze %dma_wait3A_98 : memref<1x80x128xf32, #tpu.memory_space<hbm>> -> memref<80x128xf32, #tpu.memory_space<hbm>>
        tpu.wait_dma2 semaphore(%run_scoped3A : memref<!tpu.dma_semaphore, #tpu.memory_space<semaphore_mem>>) src(%arg7 : memref<80x128xf32, #tpu.memory_space<vmem>>) dst(%dma_wait3A_99 : memref<80x128xf32, #tpu.memory_space<hbm>>)
        tpu.yield
      }) : () -> ()
      %while3A_89 = arith.constant 0 : i32
      scf.yield %while3A_89 : i32
    }
    return
  }
}

#map = affine_map<(d0, d1) -> (0, 0)>
#map1 = affine_map<(d0, d1) -> (0)>
#map2 = affine_map<(d0, d1) -> (0, 0, 0)>
module attributes {stable_mosaic.version = 14 : i64} {
  func.func @_sc_agg_body(%arg0: i32, %arg1: i32, %arg2: memref<10000x128xf32, #tpu.memory_space<hbm>>, %arg3: memref<640000xi32, #tpu.memory_space<hbm>>, %arg4: memref<2x10000x128xf32, #tpu.memory_space<hbm>>, %arg5: memref<80xi32, #tpu.memory_space<vmem>>, %arg6: memref<80xi32, #tpu.memory_space<vmem>>, %arg7: memref<80x128xf32, #tpu.memory_space<vmem>>, %arg8: memref<10000x128xf32, #tpu.memory_space<vmem_shared>>, %arg9: memref<!tpu.dma_semaphore, #tpu.memory_space<semaphore_mem>>) attributes {dimension_semantics = [#tpu.dimension_semantics<core_parallel>, #tpu.dimension_semantics<subcore_parallel>], iteration_bounds = array<i64: 2, 16>, scalar_prefetch = 0 : i64, scratch_operands = 5 : i64, tpu.core_type = #tpu.core_type<sc_vector_subcore>, window_params = [{transform_indices = #map}, {transform_indices = #map1}, {transform_indices = #map2}]} {
    %mul3A = arith.constant 2 : i32
    %mul3A_0 = arith.muli %arg1, %mul3A : i32
    %add3A = arith.addi %mul3A_0, %arg0 : i32
    %broadcast_in_dim3A = arith.constant 0.000000e+00 : f32
    %broadcast_in_dim3A_1 = vector.broadcast %broadcast_in_dim3A : f32 to vector<16xf32>
    %broadcast_in_dim3A_2 = arith.constant 1.000000e+00 : f32
    %broadcast_in_dim3A_3 = vector.broadcast %broadcast_in_dim3A_2 : f32 to vector<16xf32>
    %scan3A = arith.constant 0 : i32
    %scan3A_4 = arith.constant 0 : i32
    %scan3A_5 = arith.constant 80 : i32
    %scan3A_6 = arith.addi %scan3A_4, %scan3A_5 : i32
    %scan3A_7 = arith.constant 1 : i32
    %scan3A_8 = scf.for %scan3A_85 = %scan3A_4 to %scan3A_6 step %scan3A_7 iter_args(%scan3A_86 = %scan3A) -> (i32)  : i32 {
      %swap3A = arith.index_cast %scan3A_85 : i32 to index
      %swap3A_87 = arith.constant 0 : index
      %swap3A_88 = tpu.vector_load %arg7[%swap3A, %swap3A_87] {strides = array<i32>} : memref<80x128xf32, #tpu.memory_space<vmem>>, vector<1x16xf32>,
      %swap3A_89 = vector.shape_cast %swap3A_88 : vector<1x16xf32> to vector<16xf32>
      %swap3A_90 = vector.shape_cast %broadcast_in_dim3A_1 : vector<16xf32> to vector<1x16xf32>
      tpu.vector_store %arg7[%swap3A, %swap3A_87], %swap3A_90 {strides = array<i32>} : memref<80x128xf32, #tpu.memory_space<vmem>>, vector<1x16xf32>,
      %swap3A_91 = arith.index_cast %scan3A_85 : i32 to index
      %swap3A_92 = arith.constant 16 : index
      %swap3A_93 = tpu.vector_load %arg7[%swap3A_91, %swap3A_92] {strides = array<i32>} : memref<80x128xf32, #tpu.memory_space<vmem>>, vector<1x16xf32>,
      %swap3A_94 = vector.shape_cast %swap3A_93 : vector<1x16xf32> to vector<16xf32>
      %swap3A_95 = vector.shape_cast %broadcast_in_dim3A_1 : vector<16xf32> to vector<1x16xf32>
      tpu.vector_store %arg7[%swap3A_91, %swap3A_92], %swap3A_95 {strides = array<i32>} : memref<80x128xf32, #tpu.memory_space<vmem>>, vector<1x16xf32>,
      %swap3A_96 = arith.index_cast %scan3A_85 : i32 to index
      %swap3A_97 = arith.constant 32 : index
      %swap3A_98 = tpu.vector_load %arg7[%swap3A_96, %swap3A_97] {strides = array<i32>} : memref<80x128xf32, #tpu.memory_space<vmem>>, vector<1x16xf32>,
      %swap3A_99 = vector.shape_cast %swap3A_98 : vector<1x16xf32> to vector<16xf32>
      %swap3A_100 = vector.shape_cast %broadcast_in_dim3A_1 : vector<16xf32> to vector<1x16xf32>
      tpu.vector_store %arg7[%swap3A_96, %swap3A_97], %swap3A_100 {strides = array<i32>} : memref<80x128xf32, #tpu.memory_space<vmem>>, vector<1x16xf32>,
      %swap3A_101 = arith.index_cast %scan3A_85 : i32 to index
      %swap3A_102 = arith.constant 48 : index
      %swap3A_103 = tpu.vector_load %arg7[%swap3A_101, %swap3A_102] {strides = array<i32>} : memref<80x128xf32, #tpu.memory_space<vmem>>, vector<1x16xf32>,
      %swap3A_104 = vector.shape_cast %swap3A_103 : vector<1x16xf32> to vector<16xf32>
      %swap3A_105 = vector.shape_cast %broadcast_in_dim3A_1 : vector<16xf32> to vector<1x16xf32>
      tpu.vector_store %arg7[%swap3A_101, %swap3A_102], %swap3A_105 {strides = array<i32>} : memref<80x128xf32, #tpu.memory_space<vmem>>, vector<1x16xf32>,
      %swap3A_106 = arith.index_cast %scan3A_85 : i32 to index
      %swap3A_107 = arith.constant 64 : index
      %swap3A_108 = tpu.vector_load %arg7[%swap3A_106, %swap3A_107] {strides = array<i32>} : memref<80x128xf32, #tpu.memory_space<vmem>>, vector<1x16xf32>,
      %swap3A_109 = vector.shape_cast %swap3A_108 : vector<1x16xf32> to vector<16xf32>
      %swap3A_110 = vector.shape_cast %broadcast_in_dim3A_1 : vector<16xf32> to vector<1x16xf32>
      tpu.vector_store %arg7[%swap3A_106, %swap3A_107], %swap3A_110 {strides = array<i32>} : memref<80x128xf32, #tpu.memory_space<vmem>>, vector<1x16xf32>,
      %swap3A_111 = arith.index_cast %scan3A_85 : i32 to index
      %swap3A_112 = arith.constant 80 : index
      %swap3A_113 = tpu.vector_load %arg7[%swap3A_111, %swap3A_112] {strides = array<i32>} : memref<80x128xf32, #tpu.memory_space<vmem>>, vector<1x16xf32>,
      %swap3A_114 = vector.shape_cast %swap3A_113 : vector<1x16xf32> to vector<16xf32>
      %swap3A_115 = vector.shape_cast %broadcast_in_dim3A_1 : vector<16xf32> to vector<1x16xf32>
      tpu.vector_store %arg7[%swap3A_111, %swap3A_112], %swap3A_115 {strides = array<i32>} : memref<80x128xf32, #tpu.memory_space<vmem>>, vector<1x16xf32>,
      %swap3A_116 = arith.index_cast %scan3A_85 : i32 to index
      %swap3A_117 = arith.constant 96 : index
      %swap3A_118 = tpu.vector_load %arg7[%swap3A_116, %swap3A_117] {strides = array<i32>} : memref<80x128xf32, #tpu.memory_space<vmem>>, vector<1x16xf32>,
      %swap3A_119 = vector.shape_cast %swap3A_118 : vector<1x16xf32> to vector<16xf32>
      %swap3A_120 = vector.shape_cast %broadcast_in_dim3A_1 : vector<16xf32> to vector<1x16xf32>
      tpu.vector_store %arg7[%swap3A_116, %swap3A_117], %swap3A_120 {strides = array<i32>} : memref<80x128xf32, #tpu.memory_space<vmem>>, vector<1x16xf32>,
      %swap3A_121 = arith.index_cast %scan3A_85 : i32 to index
      %swap3A_122 = arith.constant 112 : index
      %swap3A_123 = tpu.vector_load %arg7[%swap3A_121, %swap3A_122] {strides = array<i32>} : memref<80x128xf32, #tpu.memory_space<vmem>>, vector<1x16xf32>,
      %swap3A_124 = vector.shape_cast %swap3A_123 : vector<1x16xf32> to vector<16xf32>
      %swap3A_125 = vector.shape_cast %broadcast_in_dim3A_1 : vector<16xf32> to vector<1x16xf32>
      tpu.vector_store %arg7[%swap3A_121, %swap3A_122], %swap3A_125 {strides = array<i32>} : memref<80x128xf32, #tpu.memory_space<vmem>>, vector<1x16xf32>,
      %scan3A_126 = arith.constant 0 : i32
      scf.yield %scan3A_126 : i32
    }
    %scan3A_9 = arith.constant 80 : i32
    %mul3A_10 = arith.constant 125 : i32
    %mul3A_11 = arith.muli %arg1, %mul3A_10 : i32
    %jit3A = arith.constant 16 : i32
    %div3A = arith.divsi %mul3A_11, %jit3A : i32
    %sign3A = arith.constant 0 : i32
    %sign3A_12 = arith.cmpi sgt, %mul3A_11, %sign3A : i32
    %sign3A_13 = arith.extui %sign3A_12 : i1 to i32
    %sign3A_14 = arith.constant 0 : i32
    %sign3A_15 = arith.cmpi slt, %mul3A_11, %sign3A_14 : i32
    %sign3A_16 = arith.extui %sign3A_15 : i1 to i32
    %sign3A_17 = arith.subi %sign3A_13, %sign3A_16 : i32
    %sign3A_18 = arith.constant 0 : i32
    %sign3A_19 = arith.cmpi sgt, %jit3A, %sign3A_18 : i32
    %sign3A_20 = arith.extui %sign3A_19 : i1 to i32
    %sign3A_21 = arith.constant 0 : i32
    %sign3A_22 = arith.cmpi slt, %jit3A, %sign3A_21 : i32
    %sign3A_23 = arith.extui %sign3A_22 : i1 to i32
    %sign3A_24 = arith.subi %sign3A_20, %sign3A_23 : i32
    %ne3A = arith.cmpi ne, %sign3A_17, %sign3A_24 : i32
    %rem3A = arith.remsi %mul3A_11, %jit3A : i32
    %ne3A_25 = arith.constant 0 : i32
    %ne3A_26 = arith.cmpi ne, %rem3A, %ne3A_25 : i32
    %and3A = arith.andi %ne3A, %ne3A_26 : i1
    %sub3A = arith.constant 1 : i32
    %sub3A_27 = arith.subi %div3A, %sub3A : i32
    %select_n3A = arith.select %and3A, %sub3A_27, %div3A : i32
    %add3A_28 = arith.constant 1 : i32
    %add3A_29 = arith.addi %arg1, %add3A_28 : i32
    %mul3A_30 = arith.constant 125 : i32
    %mul3A_31 = arith.muli %add3A_29, %mul3A_30 : i32
    %jit3A_32 = arith.constant 16 : i32
    %div3A_33 = arith.divsi %mul3A_31, %jit3A_32 : i32
    %sign3A_34 = arith.constant 0 : i32
    %sign3A_35 = arith.cmpi sgt, %mul3A_31, %sign3A_34 : i32
    %sign3A_36 = arith.extui %sign3A_35 : i1 to i32
    %sign3A_37 = arith.constant 0 : i32
    %sign3A_38 = arith.cmpi slt, %mul3A_31, %sign3A_37 : i32
    %sign3A_39 = arith.extui %sign3A_38 : i1 to i32
    %sign3A_40 = arith.subi %sign3A_36, %sign3A_39 : i32
    %sign3A_41 = arith.constant 0 : i32
    %sign3A_42 = arith.cmpi sgt, %jit3A_32, %sign3A_41 : i32
    %sign3A_43 = arith.extui %sign3A_42 : i1 to i32
    %sign3A_44 = arith.constant 0 : i32
    %sign3A_45 = arith.cmpi slt, %jit3A_32, %sign3A_44 : i32
    %sign3A_46 = arith.extui %sign3A_45 : i1 to i32
    %sign3A_47 = arith.subi %sign3A_43, %sign3A_46 : i32
    %ne3A_48 = arith.cmpi ne, %sign3A_40, %sign3A_47 : i32
    %rem3A_49 = arith.remsi %mul3A_31, %jit3A_32 : i32
    %ne3A_50 = arith.constant 0 : i32
    %ne3A_51 = arith.cmpi ne, %rem3A_49, %ne3A_50 : i32
    %and3A_52 = arith.andi %ne3A_48, %ne3A_51 : i1
    %sub3A_53 = arith.constant 1 : i32
    %sub3A_54 = arith.subi %div3A_33, %sub3A_53 : i32
    %select_n3A_55 = arith.select %and3A_52, %sub3A_54, %div3A_33 : i32
    %while3A = arith.constant 0 : i32
    %while3A_56 = arith.subi %select_n3A_55, %select_n3A : i32
    %while3A_57 = arith.addi %select_n3A, %while3A_56 : i32
    %while3A_58 = arith.constant 1 : i32
    %while3A_59 = arith.divsi %while3A_56, %while3A_58 : i32
    %while3A_60 = arith.muli %while3A_59, %while3A_58 : i32
    %while3A_61 = arith.addi %select_n3A, %while3A_60 : i32
    %while3A_62 = arith.constant 1 : i32
    %while3A_63 = scf.for %while3A_85 = %select_n3A to %while3A_61 step %while3A_62 iter_args(%while3A_86 = %while3A) -> (i32)  : i32 {
      %mul3A_87 = arith.constant 80 : i32
      %mul3A_88 = arith.muli %while3A_85, %mul3A_87 : i32
      "tpu.region"() ({
        %run_scoped3A = tpu.sem_alloc : memref<!tpu.dma_semaphore, #tpu.memory_space<semaphore_mem>>
        %dma_start3A = arith.constant 0 : i32
        %dma_start3A_90 = tpu.memref_slice %arg8[%mul3A_88, %dma_start3A] : memref<10000x128xf32, #tpu.memory_space<vmem_shared>> -> memref<80x128xf32, #tpu.memory_space<vmem_shared>>
        %dma_start3A_91 = arith.constant 0 : i32
        %dma_start3A_92 = tpu.memref_slice %arg8[%mul3A_88, %dma_start3A_91] : memref<10000x128xf32, #tpu.memory_space<vmem_shared>> -> memref<80x128xf32, #tpu.memory_space<vmem_shared>>
        tpu.enqueue_dma source(%arg7 : memref<80x128xf32, #tpu.memory_space<vmem>>) target(%dma_start3A_92 : memref<80x128xf32, #tpu.memory_space<vmem_shared>>) target_semaphore(%run_scoped3A : memref<!tpu.dma_semaphore, #tpu.memory_space<semaphore_mem>>)
        %dma_wait3A = arith.constant 0 : i32
        %dma_wait3A_93 = tpu.memref_slice %arg8[%mul3A_88, %dma_wait3A] : memref<10000x128xf32, #tpu.memory_space<vmem_shared>> -> memref<80x128xf32, #tpu.memory_space<vmem_shared>>
        %dma_wait3A_94 = arith.constant 0 : i32
        %dma_wait3A_95 = tpu.memref_slice %arg8[%mul3A_88, %dma_wait3A_94] : memref<10000x128xf32, #tpu.memory_space<vmem_shared>> -> memref<80x128xf32, #tpu.memory_space<vmem_shared>>
        tpu.wait_dma2 semaphore(%run_scoped3A : memref<!tpu.dma_semaphore, #tpu.memory_space<semaphore_mem>>) src(%arg7 : memref<80x128xf32, #tpu.memory_space<vmem>>) dst(%dma_wait3A_95 : memref<80x128xf32, #tpu.memory_space<vmem_shared>>)
        tpu.yield
      }) : () -> ()
      %while3A_89 = arith.constant 0 : i32
      scf.yield %while3A_89 : i32
    }
    %while3A_64 = arith.constant 1 : i32
    %while3A_65 = scf.for %while3A_85 = %while3A_61 to %while3A_57 step %while3A_64 iter_args(%while3A_86 = %while3A_63) -> (i32)  : i32 {
      %mul3A_87 = arith.constant 80 : i32
      %mul3A_88 = arith.muli %while3A_85, %mul3A_87 : i32
      "tpu.region"() ({
        %run_scoped3A = tpu.sem_alloc : memref<!tpu.dma_semaphore, #tpu.memory_space<semaphore_mem>>
        %dma_start3A = arith.constant 0 : i32
        %dma_start3A_90 = tpu.memref_slice %arg8[%mul3A_88, %dma_start3A] : memref<10000x128xf32, #tpu.memory_space<vmem_shared>> -> memref<80x128xf32, #tpu.memory_space<vmem_shared>>
        %dma_start3A_91 = arith.constant 0 : i32
        %dma_start3A_92 = tpu.memref_slice %arg8[%mul3A_88, %dma_start3A_91] : memref<10000x128xf32, #tpu.memory_space<vmem_shared>> -> memref<80x128xf32, #tpu.memory_space<vmem_shared>>
        tpu.enqueue_dma source(%arg7 : memref<80x128xf32, #tpu.memory_space<vmem>>) target(%dma_start3A_92 : memref<80x128xf32, #tpu.memory_space<vmem_shared>>) target_semaphore(%run_scoped3A : memref<!tpu.dma_semaphore, #tpu.memory_space<semaphore_mem>>)
        %dma_wait3A = arith.constant 0 : i32
        %dma_wait3A_93 = tpu.memref_slice %arg8[%mul3A_88, %dma_wait3A] : memref<10000x128xf32, #tpu.memory_space<vmem_shared>> -> memref<80x128xf32, #tpu.memory_space<vmem_shared>>
        %dma_wait3A_94 = arith.constant 0 : i32
        %dma_wait3A_95 = tpu.memref_slice %arg8[%mul3A_88, %dma_wait3A_94] : memref<10000x128xf32, #tpu.memory_space<vmem_shared>> -> memref<80x128xf32, #tpu.memory_space<vmem_shared>>
        tpu.wait_dma2 semaphore(%run_scoped3A : memref<!tpu.dma_semaphore, #tpu.memory_space<semaphore_mem>>) src(%arg7 : memref<80x128xf32, #tpu.memory_space<vmem>>) dst(%dma_wait3A_95 : memref<80x128xf32, #tpu.memory_space<vmem_shared>>)
        tpu.yield
      }) : () -> ()
      %while3A_89 = arith.constant 0 : i32
      scf.yield %while3A_89 : i32
    }
    %barrier3A = arith.constant 0 : index
    tpu.barrier barrier_id(%barrier3A)
    %scan3A_66 = arith.constant 0 : i32
    %scan3A_67 = arith.constant 0 : i32
    %scan3A_68 = arith.constant 125 : i32
    %scan3A_69 = arith.addi %scan3A_67, %scan3A_68 : i32
    %scan3A_70 = arith.constant 1 : i32
    %scan3A_71 = scf.for %scan3A_85 = %scan3A_67 to %scan3A_69 step %scan3A_70 iter_args(%scan3A_86 = %scan3A_66) -> (i32)  : i32 {
      %mul3A_87 = arith.constant 10000 : i32
      %mul3A_88 = arith.muli %add3A, %mul3A_87 : i32
      %mul3A_89 = arith.constant 80 : i32
      %mul3A_90 = arith.muli %scan3A_85, %mul3A_89 : i32
      %add3A_91 = arith.addi %mul3A_88, %mul3A_90 : i32
      "tpu.region"() ({
        %run_scoped3A = tpu.sem_alloc : memref<!tpu.dma_semaphore, #tpu.memory_space<semaphore_mem>>
        %dma_start3A_99 = tpu.memref_slice %arg3[%add3A_91] : memref<640000xi32, #tpu.memory_space<hbm>> -> memref<80xi32, #tpu.memory_space<hbm>>
        %dma_start3A_100 = tpu.memref_slice %arg3[%add3A_91] : memref<640000xi32, #tpu.memory_space<hbm>> -> memref<80xi32, #tpu.memory_space<hbm>>
        tpu.enqueue_dma source(%dma_start3A_100 : memref<80xi32, #tpu.memory_space<hbm>>) target(%arg5 : memref<80xi32, #tpu.memory_space<vmem>>) target_semaphore(%run_scoped3A : memref<!tpu.dma_semaphore, #tpu.memory_space<semaphore_mem>>)
        %dma_wait3A_101 = tpu.memref_slice %arg3[%add3A_91] : memref<640000xi32, #tpu.memory_space<hbm>> -> memref<80xi32, #tpu.memory_space<hbm>>
        %dma_wait3A_102 = tpu.memref_slice %arg3[%add3A_91] : memref<640000xi32, #tpu.memory_space<hbm>> -> memref<80xi32, #tpu.memory_space<hbm>>
        tpu.wait_dma2 semaphore(%run_scoped3A : memref<!tpu.dma_semaphore, #tpu.memory_space<semaphore_mem>>) src(%dma_wait3A_102 : memref<80xi32, #tpu.memory_space<hbm>>) dst(%arg5 : memref<80xi32, #tpu.memory_space<vmem>>)
        tpu.yield
      }) : () -> ()
      %add3A_92 = arith.constant 320000 : i32
      %add3A_93 = arith.addi %add3A_92, %add3A_91 : i32
      "tpu.region"() ({
        %run_scoped3A = tpu.sem_alloc : memref<!tpu.dma_semaphore, #tpu.memory_space<semaphore_mem>>
        %dma_start3A_99 = tpu.memref_slice %arg3[%add3A_93] : memref<640000xi32, #tpu.memory_space<hbm>> -> memref<80xi32, #tpu.memory_space<hbm>>
        %dma_start3A_100 = tpu.memref_slice %arg3[%add3A_93] : memref<640000xi32, #tpu.memory_space<hbm>> -> memref<80xi32, #tpu.memory_space<hbm>>
        tpu.enqueue_dma source(%dma_start3A_100 : memref<80xi32, #tpu.memory_space<hbm>>) target(%arg6 : memref<80xi32, #tpu.memory_space<vmem>>) target_semaphore(%run_scoped3A : memref<!tpu.dma_semaphore, #tpu.memory_space<semaphore_mem>>)
        %dma_wait3A_101 = tpu.memref_slice %arg3[%add3A_93] : memref<640000xi32, #tpu.memory_space<hbm>> -> memref<80xi32, #tpu.memory_space<hbm>>
        %dma_wait3A_102 = tpu.memref_slice %arg3[%add3A_93] : memref<640000xi32, #tpu.memory_space<hbm>> -> memref<80xi32, #tpu.memory_space<hbm>>
        tpu.wait_dma2 semaphore(%run_scoped3A : memref<!tpu.dma_semaphore, #tpu.memory_space<semaphore_mem>>) src(%dma_wait3A_102 : memref<80xi32, #tpu.memory_space<hbm>>) dst(%arg6 : memref<80xi32, #tpu.memory_space<vmem>>)
        tpu.yield
      }) : () -> ()
      %dma_start3A = arith.constant 0 : i32
      %dma_start3A_94 = arith.constant 0 : i32
      %dma_start3A_95 = tpu.memref_slice %arg2[%dma_start3A, %dma_start3A_94] : memref<10000x128xf32, #tpu.memory_space<hbm>> -> memref<10000x128xf32, #tpu.memory_space<hbm>>
      tpu.enqueue_indirect_dma source(%dma_start3A_95 : memref<10000x128xf32, #tpu.memory_space<hbm>>) target(%arg7 : memref<80x128xf32, #tpu.memory_space<vmem>>) offsets(%arg5 : memref<80xi32, #tpu.memory_space<vmem>>) semaphore(%arg9 : memref<!tpu.dma_semaphore, #tpu.memory_space<semaphore_mem>>)
      %dma_wait3A = arith.constant 0 : i32
      %dma_wait3A_96 = arith.constant 0 : i32
      %dma_wait3A_97 = tpu.memref_slice %arg2[%dma_wait3A, %dma_wait3A_96] : memref<10000x128xf32, #tpu.memory_space<hbm>> -> memref<10000x128xf32, #tpu.memory_space<hbm>>
      tpu.wait_indirect_dma semaphore(%arg9 : memref<!tpu.dma_semaphore, #tpu.memory_space<semaphore_mem>>) src(%dma_wait3A_97 : memref<10000x128xf32, #tpu.memory_space<hbm>>) dst(%arg7 : memref<80x128xf32, #tpu.memory_space<vmem>>)
      "tpu.region"() ({
        %run_scoped3A = tpu.sem_alloc : memref<!tpu.dma_semaphore, #tpu.memory_space<semaphore_mem>>
        %dma_start3A_99 = arith.constant 0 : i32
        %dma_start3A_100 = arith.constant 0 : i32
        %dma_start3A_101 = tpu.memref_slice %arg8[%dma_start3A_99, %dma_start3A_100] : memref<10000x128xf32, #tpu.memory_space<vmem_shared>> -> memref<10000x128xf32, #tpu.memory_space<vmem_shared>>
        tpu.enqueue_indirect_dma source(%arg7 : memref<80x128xf32, #tpu.memory_space<vmem>>) target(%dma_start3A_101 : memref<10000x128xf32, #tpu.memory_space<vmem_shared>>) offsets(%arg6 : memref<80xi32, #tpu.memory_space<vmem>>) semaphore(%run_scoped3A : memref<!tpu.dma_semaphore, #tpu.memory_space<semaphore_mem>>) {add = true}
        %dma_wait3A_102 = arith.constant 0 : i32
        %dma_wait3A_103 = arith.constant 0 : i32
        %dma_wait3A_104 = tpu.memref_slice %arg8[%dma_wait3A_102, %dma_wait3A_103] : memref<10000x128xf32, #tpu.memory_space<vmem_shared>> -> memref<10000x128xf32, #tpu.memory_space<vmem_shared>>
        tpu.wait_indirect_dma semaphore(%run_scoped3A : memref<!tpu.dma_semaphore, #tpu.memory_space<semaphore_mem>>) src(%arg7 : memref<80x128xf32, #tpu.memory_space<vmem>>) dst(%dma_wait3A_104 : memref<10000x128xf32, #tpu.memory_space<vmem_shared>>)
        tpu.yield
      }) : () -> ()
      %scan3A_98 = arith.constant 0 : i32
      scf.yield %scan3A_98 : i32
    }
    %scan3A_72 = arith.constant 125 : i32
    %barrier3A_73 = arith.constant 0 : index
    tpu.barrier barrier_id(%barrier3A_73)
    %while3A_74 = arith.constant 0 : i32
    %while3A_75 = arith.subi %select_n3A_55, %select_n3A : i32
    %while3A_76 = arith.addi %select_n3A, %while3A_75 : i32
    %while3A_77 = arith.constant 1 : i32
    %while3A_78 = arith.divsi %while3A_75, %while3A_77 : i32
    %while3A_79 = arith.muli %while3A_78, %while3A_77 : i32
    %while3A_80 = arith.addi %select_n3A, %while3A_79 : i32
    %while3A_81 = arith.constant 1 : i32
    %while3A_82 = scf.for %while3A_85 = %select_n3A to %while3A_80 step %while3A_81 iter_args(%while3A_86 = %while3A_74) -> (i32)  : i32 {
      %mul3A_87 = arith.constant 80 : i32
      %mul3A_88 = arith.muli %while3A_85, %mul3A_87 : i32
      "tpu.region"() ({
        %run_scoped3A = tpu.sem_alloc : memref<!tpu.dma_semaphore, #tpu.memory_space<semaphore_mem>>
        %dma_start3A = arith.constant 0 : i32
        %dma_start3A_90 = tpu.memref_slice %arg8[%mul3A_88, %dma_start3A] : memref<10000x128xf32, #tpu.memory_space<vmem_shared>> -> memref<80x128xf32, #tpu.memory_space<vmem_shared>>
        %dma_start3A_91 = arith.constant 0 : i32
        %dma_start3A_92 = tpu.memref_slice %arg8[%mul3A_88, %dma_start3A_91] : memref<10000x128xf32, #tpu.memory_space<vmem_shared>> -> memref<80x128xf32, #tpu.memory_space<vmem_shared>>
        tpu.enqueue_dma source(%dma_start3A_92 : memref<80x128xf32, #tpu.memory_space<vmem_shared>>) target(%arg7 : memref<80x128xf32, #tpu.memory_space<vmem>>) target_semaphore(%run_scoped3A : memref<!tpu.dma_semaphore, #tpu.memory_space<semaphore_mem>>)
        %dma_wait3A = arith.constant 0 : i32
        %dma_wait3A_93 = tpu.memref_slice %arg8[%mul3A_88, %dma_wait3A] : memref<10000x128xf32, #tpu.memory_space<vmem_shared>> -> memref<80x128xf32, #tpu.memory_space<vmem_shared>>
        %dma_wait3A_94 = arith.constant 0 : i32
        %dma_wait3A_95 = tpu.memref_slice %arg8[%mul3A_88, %dma_wait3A_94] : memref<10000x128xf32, #tpu.memory_space<vmem_shared>> -> memref<80x128xf32, #tpu.memory_space<vmem_shared>>
        tpu.wait_dma2 semaphore(%run_scoped3A : memref<!tpu.dma_semaphore, #tpu.memory_space<semaphore_mem>>) src(%dma_wait3A_95 : memref<80x128xf32, #tpu.memory_space<vmem_shared>>) dst(%arg7 : memref<80x128xf32, #tpu.memory_space<vmem>>)
        tpu.yield
      }) : () -> ()
      "tpu.region"() ({
        %run_scoped3A = tpu.sem_alloc : memref<!tpu.dma_semaphore, #tpu.memory_space<semaphore_mem>>
        %dma_start3A = arith.constant 0 : i32
        %dma_start3A_90 = tpu.memref_slice %arg4[%arg0, %mul3A_88, %dma_start3A] : memref<2x10000x128xf32, #tpu.memory_space<hbm>> -> memref<1x80x128xf32, #tpu.memory_space<hbm>>
        %dma_start3A_91 = tpu.memref_squeeze %dma_start3A_90 : memref<1x80x128xf32, #tpu.memory_space<hbm>> -> memref<80x128xf32, #tpu.memory_space<hbm>>
        %dma_start3A_92 = arith.constant 0 : i32
        %dma_start3A_93 = tpu.memref_slice %arg4[%arg0, %mul3A_88, %dma_start3A_92] : memref<2x10000x128xf32, #tpu.memory_space<hbm>> -> memref<1x80x128xf32, #tpu.memory_space<hbm>>
        %dma_start3A_94 = tpu.memref_squeeze %dma_start3A_93 : memref<1x80x128xf32, #tpu.memory_space<hbm>> -> memref<80x128xf32, #tpu.memory_space<hbm>>
        tpu.enqueue_dma source(%arg7 : memref<80x128xf32, #tpu.memory_space<vmem>>) target(%dma_start3A_94 : memref<80x128xf32, #tpu.memory_space<hbm>>) target_semaphore(%run_scoped3A : memref<!tpu.dma_semaphore, #tpu.memory_space<semaphore_mem>>)
        %dma_wait3A = arith.constant 0 : i32
        %dma_wait3A_95 = tpu.memref_slice %arg4[%arg0, %mul3A_88, %dma_wait3A] : memref<2x10000x128xf32, #tpu.memory_space<hbm>> -> memref<1x80x128xf32, #tpu.memory_space<hbm>>
        %dma_wait3A_96 = tpu.memref_squeeze %dma_wait3A_95 : memref<1x80x128xf32, #tpu.memory_space<hbm>> -> memref<80x128xf32, #tpu.memory_space<hbm>>
        %dma_wait3A_97 = arith.constant 0 : i32
        %dma_wait3A_98 = tpu.memref_slice %arg4[%arg0, %mul3A_88, %dma_wait3A_97] : memref<2x10000x128xf32, #tpu.memory_space<hbm>> -> memref<1x80x128xf32, #tpu.memory_space<hbm>>
        %dma_wait3A_99 = tpu.memref_squeeze %dma_wait3A_98 : memref<1x80x128xf32, #tpu.memory_space<hbm>> -> memref<80x128xf32, #tpu.memory_space<hbm>>
        tpu.wait_dma2 semaphore(%run_scoped3A : memref<!tpu.dma_semaphore, #tpu.memory_space<semaphore_mem>>) src(%arg7 : memref<80x128xf32, #tpu.memory_space<vmem>>) dst(%dma_wait3A_99 : memref<80x128xf32, #tpu.memory_space<hbm>>)
        tpu.yield
      }) : () -> ()
      %while3A_89 = arith.constant 0 : i32
      scf.yield %while3A_89 : i32
    }
    %while3A_83 = arith.constant 1 : i32
    %while3A_84 = scf.for %while3A_85 = %while3A_80 to %while3A_76 step %while3A_83 iter_args(%while3A_86 = %while3A_82) -> (i32)  : i32 {
      %mul3A_87 = arith.constant 80 : i32
      %mul3A_88 = arith.muli %while3A_85, %mul3A_87 : i32
      "tpu.region"() ({
        %run_scoped3A = tpu.sem_alloc : memref<!tpu.dma_semaphore, #tpu.memory_space<semaphore_mem>>
        %dma_start3A = arith.constant 0 : i32
        %dma_start3A_90 = tpu.memref_slice %arg8[%mul3A_88, %dma_start3A] : memref<10000x128xf32, #tpu.memory_space<vmem_shared>> -> memref<80x128xf32, #tpu.memory_space<vmem_shared>>
        %dma_start3A_91 = arith.constant 0 : i32
        %dma_start3A_92 = tpu.memref_slice %arg8[%mul3A_88, %dma_start3A_91] : memref<10000x128xf32, #tpu.memory_space<vmem_shared>> -> memref<80x128xf32, #tpu.memory_space<vmem_shared>>
        tpu.enqueue_dma source(%dma_start3A_92 : memref<80x128xf32, #tpu.memory_space<vmem_shared>>) target(%arg7 : memref<80x128xf32, #tpu.memory_space<vmem>>) target_semaphore(%run_scoped3A : memref<!tpu.dma_semaphore, #tpu.memory_space<semaphore_mem>>)
        %dma_wait3A = arith.constant 0 : i32
        %dma_wait3A_93 = tpu.memref_slice %arg8[%mul3A_88, %dma_wait3A] : memref<10000x128xf32, #tpu.memory_space<vmem_shared>> -> memref<80x128xf32, #tpu.memory_space<vmem_shared>>
        %dma_wait3A_94 = arith.constant 0 : i32
        %dma_wait3A_95 = tpu.memref_slice %arg8[%mul3A_88, %dma_wait3A_94] : memref<10000x128xf32, #tpu.memory_space<vmem_shared>> -> memref<80x128xf32, #tpu.memory_space<vmem_shared>>
        tpu.wait_dma2 semaphore(%run_scoped3A : memref<!tpu.dma_semaphore, #tpu.memory_space<semaphore_mem>>) src(%dma_wait3A_95 : memref<80x128xf32, #tpu.memory_space<vmem_shared>>) dst(%arg7 : memref<80x128xf32, #tpu.memory_space<vmem>>)
        tpu.yield
      }) : () -> ()
      "tpu.region"() ({
        %run_scoped3A = tpu.sem_alloc : memref<!tpu.dma_semaphore, #tpu.memory_space<semaphore_mem>>
        %dma_start3A = arith.constant 0 : i32
        %dma_start3A_90 = tpu.memref_slice %arg4[%arg0, %mul3A_88, %dma_start3A] : memref<2x10000x128xf32, #tpu.memory_space<hbm>> -> memref<1x80x128xf32, #tpu.memory_space<hbm>>
        %dma_start3A_91 = tpu.memref_squeeze %dma_start3A_90 : memref<1x80x128xf32, #tpu.memory_space<hbm>> -> memref<80x128xf32, #tpu.memory_space<hbm>>
        %dma_start3A_92 = arith.constant 0 : i32
        %dma_start3A_93 = tpu.memref_slice %arg4[%arg0, %mul3A_88, %dma_start3A_92] : memref<2x10000x128xf32, #tpu.memory_space<hbm>> -> memref<1x80x128xf32, #tpu.memory_space<hbm>>
        %dma_start3A_94 = tpu.memref_squeeze %dma_start3A_93 : memref<1x80x128xf32, #tpu.memory_space<hbm>> -> memref<80x128xf32, #tpu.memory_space<hbm>>
        tpu.enqueue_dma source(%arg7 : memref<80x128xf32, #tpu.memory_space<vmem>>) target(%dma_start3A_94 : memref<80x128xf32, #tpu.memory_space<hbm>>) target_semaphore(%run_scoped3A : memref<!tpu.dma_semaphore, #tpu.memory_space<semaphore_mem>>)
        %dma_wait3A = arith.constant 0 : i32
        %dma_wait3A_95 = tpu.memref_slice %arg4[%arg0, %mul3A_88, %dma_wait3A] : memref<2x10000x128xf32, #tpu.memory_space<hbm>> -> memref<1x80x128xf32, #tpu.memory_space<hbm>>
        %dma_wait3A_96 = tpu.memref_squeeze %dma_wait3A_95 : memref<1x80x128xf32, #tpu.memory_space<hbm>> -> memref<80x128xf32, #tpu.memory_space<hbm>>
        %dma_wait3A_97 = arith.constant 0 : i32
        %dma_wait3A_98 = tpu.memref_slice %arg4[%arg0, %mul3A_88, %dma_wait3A_97] : memref<2x10000x128xf32, #tpu.memory_space<hbm>> -> memref<1x80x128xf32, #tpu.memory_space<hbm>>
        %dma_wait3A_99 = tpu.memref_squeeze %dma_wait3A_98 : memref<1x80x128xf32, #tpu.memory_space<hbm>> -> memref<80x128xf32, #tpu.memory_space<hbm>>
        tpu.wait_dma2 semaphore(%run_scoped3A : memref<!tpu.dma_semaphore, #tpu.memory_space<semaphore_mem>>) src(%arg7 : memref<80x128xf32, #tpu.memory_space<vmem>>) dst(%dma_wait3A_99 : memref<80x128xf32, #tpu.memory_space<hbm>>)
        tpu.yield
      }) : () -> ()
      %while3A_89 = arith.constant 0 : i32
      scf.yield %while3A_89 : i32
    }
    return
  }
}

#map = affine_map<(d0, d1) -> (0, 0)>
#map1 = affine_map<(d0, d1) -> (0)>
#map2 = affine_map<(d0, d1) -> (0, 0, 0)>
module attributes {stable_mosaic.version = 14 : i64} {
  func.func @_sc_agg_body(%arg0: i32, %arg1: i32, %arg2: memref<10000x128xf32, #tpu.memory_space<hbm>>, %arg3: memref<640000xi32, #tpu.memory_space<hbm>>, %arg4: memref<2x10000x128xf32, #tpu.memory_space<hbm>>, %arg5: memref<80xi32, #tpu.memory_space<vmem>>, %arg6: memref<80xi32, #tpu.memory_space<vmem>>, %arg7: memref<80x128xf32, #tpu.memory_space<vmem>>, %arg8: memref<10000x128xf32, #tpu.memory_space<vmem_shared>>, %arg9: memref<!tpu.dma_semaphore, #tpu.memory_space<semaphore_mem>>) attributes {dimension_semantics = [#tpu.dimension_semantics<core_parallel>, #tpu.dimension_semantics<subcore_parallel>], iteration_bounds = array<i64: 2, 16>, scalar_prefetch = 0 : i64, scratch_operands = 5 : i64, tpu.core_type = #tpu.core_type<sc_vector_subcore>, window_params = [{transform_indices = #map}, {transform_indices = #map1}, {transform_indices = #map2}]} {
    %mul3A = arith.constant 2 : i32
    %mul3A_0 = arith.muli %arg1, %mul3A : i32
    %add3A = arith.addi %mul3A_0, %arg0 : i32
    %broadcast_in_dim3A = arith.constant 0.000000e+00 : f32
    %broadcast_in_dim3A_1 = vector.broadcast %broadcast_in_dim3A : f32 to vector<16xf32>
    %broadcast_in_dim3A_2 = arith.constant 1.000000e+00 : f32
    %broadcast_in_dim3A_3 = vector.broadcast %broadcast_in_dim3A_2 : f32 to vector<16xf32>
    %scan3A = arith.constant 0 : i32
    %scan3A_4 = arith.constant 0 : i32
    %scan3A_5 = arith.constant 80 : i32
    %scan3A_6 = arith.addi %scan3A_4, %scan3A_5 : i32
    %scan3A_7 = arith.constant 1 : i32
    %scan3A_8 = scf.for %scan3A_85 = %scan3A_4 to %scan3A_6 step %scan3A_7 iter_args(%scan3A_86 = %scan3A) -> (i32)  : i32 {
      %swap3A = arith.index_cast %scan3A_85 : i32 to index
      %swap3A_87 = arith.constant 0 : index
      %swap3A_88 = tpu.vector_load %arg7[%swap3A, %swap3A_87] {strides = array<i32>} : memref<80x128xf32, #tpu.memory_space<vmem>>, vector<1x16xf32>,
      %swap3A_89 = vector.shape_cast %swap3A_88 : vector<1x16xf32> to vector<16xf32>
      %swap3A_90 = vector.shape_cast %broadcast_in_dim3A_1 : vector<16xf32> to vector<1x16xf32>
      tpu.vector_store %arg7[%swap3A, %swap3A_87], %swap3A_90 {strides = array<i32>} : memref<80x128xf32, #tpu.memory_space<vmem>>, vector<1x16xf32>,
      %swap3A_91 = arith.index_cast %scan3A_85 : i32 to index
      %swap3A_92 = arith.constant 16 : index
      %swap3A_93 = tpu.vector_load %arg7[%swap3A_91, %swap3A_92] {strides = array<i32>} : memref<80x128xf32, #tpu.memory_space<vmem>>, vector<1x16xf32>,
      %swap3A_94 = vector.shape_cast %swap3A_93 : vector<1x16xf32> to vector<16xf32>
      %swap3A_95 = vector.shape_cast %broadcast_in_dim3A_1 : vector<16xf32> to vector<1x16xf32>
      tpu.vector_store %arg7[%swap3A_91, %swap3A_92], %swap3A_95 {strides = array<i32>} : memref<80x128xf32, #tpu.memory_space<vmem>>, vector<1x16xf32>,
      %swap3A_96 = arith.index_cast %scan3A_85 : i32 to index
      %swap3A_97 = arith.constant 32 : index
      %swap3A_98 = tpu.vector_load %arg7[%swap3A_96, %swap3A_97] {strides = array<i32>} : memref<80x128xf32, #tpu.memory_space<vmem>>, vector<1x16xf32>,
      %swap3A_99 = vector.shape_cast %swap3A_98 : vector<1x16xf32> to vector<16xf32>
      %swap3A_100 = vector.shape_cast %broadcast_in_dim3A_1 : vector<16xf32> to vector<1x16xf32>
      tpu.vector_store %arg7[%swap3A_96, %swap3A_97], %swap3A_100 {strides = array<i32>} : memref<80x128xf32, #tpu.memory_space<vmem>>, vector<1x16xf32>,
      %swap3A_101 = arith.index_cast %scan3A_85 : i32 to index
      %swap3A_102 = arith.constant 48 : index
      %swap3A_103 = tpu.vector_load %arg7[%swap3A_101, %swap3A_102] {strides = array<i32>} : memref<80x128xf32, #tpu.memory_space<vmem>>, vector<1x16xf32>,
      %swap3A_104 = vector.shape_cast %swap3A_103 : vector<1x16xf32> to vector<16xf32>
      %swap3A_105 = vector.shape_cast %broadcast_in_dim3A_1 : vector<16xf32> to vector<1x16xf32>
      tpu.vector_store %arg7[%swap3A_101, %swap3A_102], %swap3A_105 {strides = array<i32>} : memref<80x128xf32, #tpu.memory_space<vmem>>, vector<1x16xf32>,
      %swap3A_106 = arith.index_cast %scan3A_85 : i32 to index
      %swap3A_107 = arith.constant 64 : index
      %swap3A_108 = tpu.vector_load %arg7[%swap3A_106, %swap3A_107] {strides = array<i32>} : memref<80x128xf32, #tpu.memory_space<vmem>>, vector<1x16xf32>,
      %swap3A_109 = vector.shape_cast %swap3A_108 : vector<1x16xf32> to vector<16xf32>
      %swap3A_110 = vector.shape_cast %broadcast_in_dim3A_1 : vector<16xf32> to vector<1x16xf32>
      tpu.vector_store %arg7[%swap3A_106, %swap3A_107], %swap3A_110 {strides = array<i32>} : memref<80x128xf32, #tpu.memory_space<vmem>>, vector<1x16xf32>,
      %swap3A_111 = arith.index_cast %scan3A_85 : i32 to index
      %swap3A_112 = arith.constant 80 : index
      %swap3A_113 = tpu.vector_load %arg7[%swap3A_111, %swap3A_112] {strides = array<i32>} : memref<80x128xf32, #tpu.memory_space<vmem>>, vector<1x16xf32>,
      %swap3A_114 = vector.shape_cast %swap3A_113 : vector<1x16xf32> to vector<16xf32>
      %swap3A_115 = vector.shape_cast %broadcast_in_dim3A_1 : vector<16xf32> to vector<1x16xf32>
      tpu.vector_store %arg7[%swap3A_111, %swap3A_112], %swap3A_115 {strides = array<i32>} : memref<80x128xf32, #tpu.memory_space<vmem>>, vector<1x16xf32>,
      %swap3A_116 = arith.index_cast %scan3A_85 : i32 to index
      %swap3A_117 = arith.constant 96 : index
      %swap3A_118 = tpu.vector_load %arg7[%swap3A_116, %swap3A_117] {strides = array<i32>} : memref<80x128xf32, #tpu.memory_space<vmem>>, vector<1x16xf32>,
      %swap3A_119 = vector.shape_cast %swap3A_118 : vector<1x16xf32> to vector<16xf32>
      %swap3A_120 = vector.shape_cast %broadcast_in_dim3A_1 : vector<16xf32> to vector<1x16xf32>
      tpu.vector_store %arg7[%swap3A_116, %swap3A_117], %swap3A_120 {strides = array<i32>} : memref<80x128xf32, #tpu.memory_space<vmem>>, vector<1x16xf32>,
      %swap3A_121 = arith.index_cast %scan3A_85 : i32 to index
      %swap3A_122 = arith.constant 112 : index
      %swap3A_123 = tpu.vector_load %arg7[%swap3A_121, %swap3A_122] {strides = array<i32>} : memref<80x128xf32, #tpu.memory_space<vmem>>, vector<1x16xf32>,
      %swap3A_124 = vector.shape_cast %swap3A_123 : vector<1x16xf32> to vector<16xf32>
      %swap3A_125 = vector.shape_cast %broadcast_in_dim3A_1 : vector<16xf32> to vector<1x16xf32>
      tpu.vector_store %arg7[%swap3A_121, %swap3A_122], %swap3A_125 {strides = array<i32>} : memref<80x128xf32, #tpu.memory_space<vmem>>, vector<1x16xf32>,
      %scan3A_126 = arith.constant 0 : i32
      scf.yield %scan3A_126 : i32
    }
    %scan3A_9 = arith.constant 80 : i32
    %mul3A_10 = arith.constant 125 : i32
    %mul3A_11 = arith.muli %arg1, %mul3A_10 : i32
    %jit3A = arith.constant 16 : i32
    %div3A = arith.divsi %mul3A_11, %jit3A : i32
    %sign3A = arith.constant 0 : i32
    %sign3A_12 = arith.cmpi sgt, %mul3A_11, %sign3A : i32
    %sign3A_13 = arith.extui %sign3A_12 : i1 to i32
    %sign3A_14 = arith.constant 0 : i32
    %sign3A_15 = arith.cmpi slt, %mul3A_11, %sign3A_14 : i32
    %sign3A_16 = arith.extui %sign3A_15 : i1 to i32
    %sign3A_17 = arith.subi %sign3A_13, %sign3A_16 : i32
    %sign3A_18 = arith.constant 0 : i32
    %sign3A_19 = arith.cmpi sgt, %jit3A, %sign3A_18 : i32
    %sign3A_20 = arith.extui %sign3A_19 : i1 to i32
    %sign3A_21 = arith.constant 0 : i32
    %sign3A_22 = arith.cmpi slt, %jit3A, %sign3A_21 : i32
    %sign3A_23 = arith.extui %sign3A_22 : i1 to i32
    %sign3A_24 = arith.subi %sign3A_20, %sign3A_23 : i32
    %ne3A = arith.cmpi ne, %sign3A_17, %sign3A_24 : i32
    %rem3A = arith.remsi %mul3A_11, %jit3A : i32
    %ne3A_25 = arith.constant 0 : i32
    %ne3A_26 = arith.cmpi ne, %rem3A, %ne3A_25 : i32
    %and3A = arith.andi %ne3A, %ne3A_26 : i1
    %sub3A = arith.constant 1 : i32
    %sub3A_27 = arith.subi %div3A, %sub3A : i32
    %select_n3A = arith.select %and3A, %sub3A_27, %div3A : i32
    %add3A_28 = arith.constant 1 : i32
    %add3A_29 = arith.addi %arg1, %add3A_28 : i32
    %mul3A_30 = arith.constant 125 : i32
    %mul3A_31 = arith.muli %add3A_29, %mul3A_30 : i32
    %jit3A_32 = arith.constant 16 : i32
    %div3A_33 = arith.divsi %mul3A_31, %jit3A_32 : i32
    %sign3A_34 = arith.constant 0 : i32
    %sign3A_35 = arith.cmpi sgt, %mul3A_31, %sign3A_34 : i32
    %sign3A_36 = arith.extui %sign3A_35 : i1 to i32
    %sign3A_37 = arith.constant 0 : i32
    %sign3A_38 = arith.cmpi slt, %mul3A_31, %sign3A_37 : i32
    %sign3A_39 = arith.extui %sign3A_38 : i1 to i32
    %sign3A_40 = arith.subi %sign3A_36, %sign3A_39 : i32
    %sign3A_41 = arith.constant 0 : i32
    %sign3A_42 = arith.cmpi sgt, %jit3A_32, %sign3A_41 : i32
    %sign3A_43 = arith.extui %sign3A_42 : i1 to i32
    %sign3A_44 = arith.constant 0 : i32
    %sign3A_45 = arith.cmpi slt, %jit3A_32, %sign3A_44 : i32
    %sign3A_46 = arith.extui %sign3A_45 : i1 to i32
    %sign3A_47 = arith.subi %sign3A_43, %sign3A_46 : i32
    %ne3A_48 = arith.cmpi ne, %sign3A_40, %sign3A_47 : i32
    %rem3A_49 = arith.remsi %mul3A_31, %jit3A_32 : i32
    %ne3A_50 = arith.constant 0 : i32
    %ne3A_51 = arith.cmpi ne, %rem3A_49, %ne3A_50 : i32
    %and3A_52 = arith.andi %ne3A_48, %ne3A_51 : i1
    %sub3A_53 = arith.constant 1 : i32
    %sub3A_54 = arith.subi %div3A_33, %sub3A_53 : i32
    %select_n3A_55 = arith.select %and3A_52, %sub3A_54, %div3A_33 : i32
    %while3A = arith.constant 0 : i32
    %while3A_56 = arith.subi %select_n3A_55, %select_n3A : i32
    %while3A_57 = arith.addi %select_n3A, %while3A_56 : i32
    %while3A_58 = arith.constant 1 : i32
    %while3A_59 = arith.divsi %while3A_56, %while3A_58 : i32
    %while3A_60 = arith.muli %while3A_59, %while3A_58 : i32
    %while3A_61 = arith.addi %select_n3A, %while3A_60 : i32
    %while3A_62 = arith.constant 1 : i32
    %while3A_63 = scf.for %while3A_85 = %select_n3A to %while3A_61 step %while3A_62 iter_args(%while3A_86 = %while3A) -> (i32)  : i32 {
      %mul3A_87 = arith.constant 80 : i32
      %mul3A_88 = arith.muli %while3A_85, %mul3A_87 : i32
      "tpu.region"() ({
        %run_scoped3A = tpu.sem_alloc : memref<!tpu.dma_semaphore, #tpu.memory_space<semaphore_mem>>
        %dma_start3A = arith.constant 0 : i32
        %dma_start3A_90 = tpu.memref_slice %arg8[%mul3A_88, %dma_start3A] : memref<10000x128xf32, #tpu.memory_space<vmem_shared>> -> memref<80x128xf32, #tpu.memory_space<vmem_shared>>
        %dma_start3A_91 = arith.constant 0 : i32
        %dma_start3A_92 = tpu.memref_slice %arg8[%mul3A_88, %dma_start3A_91] : memref<10000x128xf32, #tpu.memory_space<vmem_shared>> -> memref<80x128xf32, #tpu.memory_space<vmem_shared>>
        tpu.enqueue_dma source(%arg7 : memref<80x128xf32, #tpu.memory_space<vmem>>) target(%dma_start3A_92 : memref<80x128xf32, #tpu.memory_space<vmem_shared>>) target_semaphore(%run_scoped3A : memref<!tpu.dma_semaphore, #tpu.memory_space<semaphore_mem>>)
        %dma_wait3A = arith.constant 0 : i32
        %dma_wait3A_93 = tpu.memref_slice %arg8[%mul3A_88, %dma_wait3A] : memref<10000x128xf32, #tpu.memory_space<vmem_shared>> -> memref<80x128xf32, #tpu.memory_space<vmem_shared>>
        %dma_wait3A_94 = arith.constant 0 : i32
        %dma_wait3A_95 = tpu.memref_slice %arg8[%mul3A_88, %dma_wait3A_94] : memref<10000x128xf32, #tpu.memory_space<vmem_shared>> -> memref<80x128xf32, #tpu.memory_space<vmem_shared>>
        tpu.wait_dma2 semaphore(%run_scoped3A : memref<!tpu.dma_semaphore, #tpu.memory_space<semaphore_mem>>) src(%arg7 : memref<80x128xf32, #tpu.memory_space<vmem>>) dst(%dma_wait3A_95 : memref<80x128xf32, #tpu.memory_space<vmem_shared>>)
        tpu.yield
      }) : () -> ()
      %while3A_89 = arith.constant 0 : i32
      scf.yield %while3A_89 : i32
    }
    %while3A_64 = arith.constant 1 : i32
    %while3A_65 = scf.for %while3A_85 = %while3A_61 to %while3A_57 step %while3A_64 iter_args(%while3A_86 = %while3A_63) -> (i32)  : i32 {
      %mul3A_87 = arith.constant 80 : i32
      %mul3A_88 = arith.muli %while3A_85, %mul3A_87 : i32
      "tpu.region"() ({
        %run_scoped3A = tpu.sem_alloc : memref<!tpu.dma_semaphore, #tpu.memory_space<semaphore_mem>>
        %dma_start3A = arith.constant 0 : i32
        %dma_start3A_90 = tpu.memref_slice %arg8[%mul3A_88, %dma_start3A] : memref<10000x128xf32, #tpu.memory_space<vmem_shared>> -> memref<80x128xf32, #tpu.memory_space<vmem_shared>>
        %dma_start3A_91 = arith.constant 0 : i32
        %dma_start3A_92 = tpu.memref_slice %arg8[%mul3A_88, %dma_start3A_91] : memref<10000x128xf32, #tpu.memory_space<vmem_shared>> -> memref<80x128xf32, #tpu.memory_space<vmem_shared>>
        tpu.enqueue_dma source(%arg7 : memref<80x128xf32, #tpu.memory_space<vmem>>) target(%dma_start3A_92 : memref<80x128xf32, #tpu.memory_space<vmem_shared>>) target_semaphore(%run_scoped3A : memref<!tpu.dma_semaphore, #tpu.memory_space<semaphore_mem>>)
        %dma_wait3A = arith.constant 0 : i32
        %dma_wait3A_93 = tpu.memref_slice %arg8[%mul3A_88, %dma_wait3A] : memref<10000x128xf32, #tpu.memory_space<vmem_shared>> -> memref<80x128xf32, #tpu.memory_space<vmem_shared>>
        %dma_wait3A_94 = arith.constant 0 : i32
        %dma_wait3A_95 = tpu.memref_slice %arg8[%mul3A_88, %dma_wait3A_94] : memref<10000x128xf32, #tpu.memory_space<vmem_shared>> -> memref<80x128xf32, #tpu.memory_space<vmem_shared>>
        tpu.wait_dma2 semaphore(%run_scoped3A : memref<!tpu.dma_semaphore, #tpu.memory_space<semaphore_mem>>) src(%arg7 : memref<80x128xf32, #tpu.memory_space<vmem>>) dst(%dma_wait3A_95 : memref<80x128xf32, #tpu.memory_space<vmem_shared>>)
        tpu.yield
      }) : () -> ()
      %while3A_89 = arith.constant 0 : i32
      scf.yield %while3A_89 : i32
    }
    %barrier3A = arith.constant 0 : index
    tpu.barrier barrier_id(%barrier3A)
    %scan3A_66 = arith.constant 0 : i32
    %scan3A_67 = arith.constant 0 : i32
    %scan3A_68 = arith.constant 125 : i32
    %scan3A_69 = arith.addi %scan3A_67, %scan3A_68 : i32
    %scan3A_70 = arith.constant 1 : i32
    %scan3A_71 = scf.for %scan3A_85 = %scan3A_67 to %scan3A_69 step %scan3A_70 iter_args(%scan3A_86 = %scan3A_66) -> (i32)  : i32 {
      %mul3A_87 = arith.constant 10000 : i32
      %mul3A_88 = arith.muli %add3A, %mul3A_87 : i32
      %mul3A_89 = arith.constant 80 : i32
      %mul3A_90 = arith.muli %scan3A_85, %mul3A_89 : i32
      %add3A_91 = arith.addi %mul3A_88, %mul3A_90 : i32
      "tpu.region"() ({
        %run_scoped3A = tpu.sem_alloc : memref<!tpu.dma_semaphore, #tpu.memory_space<semaphore_mem>>
        %dma_start3A_99 = tpu.memref_slice %arg3[%add3A_91] : memref<640000xi32, #tpu.memory_space<hbm>> -> memref<80xi32, #tpu.memory_space<hbm>>
        %dma_start3A_100 = tpu.memref_slice %arg3[%add3A_91] : memref<640000xi32, #tpu.memory_space<hbm>> -> memref<80xi32, #tpu.memory_space<hbm>>
        tpu.enqueue_dma source(%dma_start3A_100 : memref<80xi32, #tpu.memory_space<hbm>>) target(%arg5 : memref<80xi32, #tpu.memory_space<vmem>>) target_semaphore(%run_scoped3A : memref<!tpu.dma_semaphore, #tpu.memory_space<semaphore_mem>>)
        %dma_wait3A_101 = tpu.memref_slice %arg3[%add3A_91] : memref<640000xi32, #tpu.memory_space<hbm>> -> memref<80xi32, #tpu.memory_space<hbm>>
        %dma_wait3A_102 = tpu.memref_slice %arg3[%add3A_91] : memref<640000xi32, #tpu.memory_space<hbm>> -> memref<80xi32, #tpu.memory_space<hbm>>
        tpu.wait_dma2 semaphore(%run_scoped3A : memref<!tpu.dma_semaphore, #tpu.memory_space<semaphore_mem>>) src(%dma_wait3A_102 : memref<80xi32, #tpu.memory_space<hbm>>) dst(%arg5 : memref<80xi32, #tpu.memory_space<vmem>>)
        tpu.yield
      }) : () -> ()
      %add3A_92 = arith.constant 320000 : i32
      %add3A_93 = arith.addi %add3A_92, %add3A_91 : i32
      "tpu.region"() ({
        %run_scoped3A = tpu.sem_alloc : memref<!tpu.dma_semaphore, #tpu.memory_space<semaphore_mem>>
        %dma_start3A_99 = tpu.memref_slice %arg3[%add3A_93] : memref<640000xi32, #tpu.memory_space<hbm>> -> memref<80xi32, #tpu.memory_space<hbm>>
        %dma_start3A_100 = tpu.memref_slice %arg3[%add3A_93] : memref<640000xi32, #tpu.memory_space<hbm>> -> memref<80xi32, #tpu.memory_space<hbm>>
        tpu.enqueue_dma source(%dma_start3A_100 : memref<80xi32, #tpu.memory_space<hbm>>) target(%arg6 : memref<80xi32, #tpu.memory_space<vmem>>) target_semaphore(%run_scoped3A : memref<!tpu.dma_semaphore, #tpu.memory_space<semaphore_mem>>)
        %dma_wait3A_101 = tpu.memref_slice %arg3[%add3A_93] : memref<640000xi32, #tpu.memory_space<hbm>> -> memref<80xi32, #tpu.memory_space<hbm>>
        %dma_wait3A_102 = tpu.memref_slice %arg3[%add3A_93] : memref<640000xi32, #tpu.memory_space<hbm>> -> memref<80xi32, #tpu.memory_space<hbm>>
        tpu.wait_dma2 semaphore(%run_scoped3A : memref<!tpu.dma_semaphore, #tpu.memory_space<semaphore_mem>>) src(%dma_wait3A_102 : memref<80xi32, #tpu.memory_space<hbm>>) dst(%arg6 : memref<80xi32, #tpu.memory_space<vmem>>)
        tpu.yield
      }) : () -> ()
      %dma_start3A = arith.constant 0 : i32
      %dma_start3A_94 = arith.constant 0 : i32
      %dma_start3A_95 = tpu.memref_slice %arg2[%dma_start3A, %dma_start3A_94] : memref<10000x128xf32, #tpu.memory_space<hbm>> -> memref<10000x128xf32, #tpu.memory_space<hbm>>
      tpu.enqueue_indirect_dma source(%dma_start3A_95 : memref<10000x128xf32, #tpu.memory_space<hbm>>) target(%arg7 : memref<80x128xf32, #tpu.memory_space<vmem>>) offsets(%arg5 : memref<80xi32, #tpu.memory_space<vmem>>) semaphore(%arg9 : memref<!tpu.dma_semaphore, #tpu.memory_space<semaphore_mem>>)
      %dma_wait3A = arith.constant 0 : i32
      %dma_wait3A_96 = arith.constant 0 : i32
      %dma_wait3A_97 = tpu.memref_slice %arg2[%dma_wait3A, %dma_wait3A_96] : memref<10000x128xf32, #tpu.memory_space<hbm>> -> memref<10000x128xf32, #tpu.memory_space<hbm>>
      tpu.wait_indirect_dma semaphore(%arg9 : memref<!tpu.dma_semaphore, #tpu.memory_space<semaphore_mem>>) src(%dma_wait3A_97 : memref<10000x128xf32, #tpu.memory_space<hbm>>) dst(%arg7 : memref<80x128xf32, #tpu.memory_space<vmem>>)
      "tpu.region"() ({
        %run_scoped3A = tpu.sem_alloc : memref<!tpu.dma_semaphore, #tpu.memory_space<semaphore_mem>>
        %dma_start3A_99 = arith.constant 0 : i32
        %dma_start3A_100 = arith.constant 0 : i32
        %dma_start3A_101 = tpu.memref_slice %arg8[%dma_start3A_99, %dma_start3A_100] : memref<10000x128xf32, #tpu.memory_space<vmem_shared>> -> memref<10000x128xf32, #tpu.memory_space<vmem_shared>>
        tpu.enqueue_indirect_dma source(%arg7 : memref<80x128xf32, #tpu.memory_space<vmem>>) target(%dma_start3A_101 : memref<10000x128xf32, #tpu.memory_space<vmem_shared>>) offsets(%arg6 : memref<80xi32, #tpu.memory_space<vmem>>) semaphore(%run_scoped3A : memref<!tpu.dma_semaphore, #tpu.memory_space<semaphore_mem>>) {add = true}
        %dma_wait3A_102 = arith.constant 0 : i32
        %dma_wait3A_103 = arith.constant 0 : i32
        %dma_wait3A_104 = tpu.memref_slice %arg8[%dma_wait3A_102, %dma_wait3A_103] : memref<10000x128xf32, #tpu.memory_space<vmem_shared>> -> memref<10000x128xf32, #tpu.memory_space<vmem_shared>>
        tpu.wait_indirect_dma semaphore(%run_scoped3A : memref<!tpu.dma_semaphore, #tpu.memory_space<semaphore_mem>>) src(%arg7 : memref<80x128xf32, #tpu.memory_space<vmem>>) dst(%dma_wait3A_104 : memref<10000x128xf32, #tpu.memory_space<vmem_shared>>)
        tpu.yield
      }) : () -> ()
      %scan3A_98 = arith.constant 0 : i32
      scf.yield %scan3A_98 : i32
    }
    %scan3A_72 = arith.constant 125 : i32
    %barrier3A_73 = arith.constant 0 : index
    tpu.barrier barrier_id(%barrier3A_73)
    %while3A_74 = arith.constant 0 : i32
    %while3A_75 = arith.subi %select_n3A_55, %select_n3A : i32
    %while3A_76 = arith.addi %select_n3A, %while3A_75 : i32
    %while3A_77 = arith.constant 1 : i32
    %while3A_78 = arith.divsi %while3A_75, %while3A_77 : i32
    %while3A_79 = arith.muli %while3A_78, %while3A_77 : i32
    %while3A_80 = arith.addi %select_n3A, %while3A_79 : i32
    %while3A_81 = arith.constant 1 : i32
    %while3A_82 = scf.for %while3A_85 = %select_n3A to %while3A_80 step %while3A_81 iter_args(%while3A_86 = %while3A_74) -> (i32)  : i32 {
      %mul3A_87 = arith.constant 80 : i32
      %mul3A_88 = arith.muli %while3A_85, %mul3A_87 : i32
      "tpu.region"() ({
        %run_scoped3A = tpu.sem_alloc : memref<!tpu.dma_semaphore, #tpu.memory_space<semaphore_mem>>
        %dma_start3A = arith.constant 0 : i32
        %dma_start3A_90 = tpu.memref_slice %arg8[%mul3A_88, %dma_start3A] : memref<10000x128xf32, #tpu.memory_space<vmem_shared>> -> memref<80x128xf32, #tpu.memory_space<vmem_shared>>
        %dma_start3A_91 = arith.constant 0 : i32
        %dma_start3A_92 = tpu.memref_slice %arg8[%mul3A_88, %dma_start3A_91] : memref<10000x128xf32, #tpu.memory_space<vmem_shared>> -> memref<80x128xf32, #tpu.memory_space<vmem_shared>>
        tpu.enqueue_dma source(%dma_start3A_92 : memref<80x128xf32, #tpu.memory_space<vmem_shared>>) target(%arg7 : memref<80x128xf32, #tpu.memory_space<vmem>>) target_semaphore(%run_scoped3A : memref<!tpu.dma_semaphore, #tpu.memory_space<semaphore_mem>>)
        %dma_wait3A = arith.constant 0 : i32
        %dma_wait3A_93 = tpu.memref_slice %arg8[%mul3A_88, %dma_wait3A] : memref<10000x128xf32, #tpu.memory_space<vmem_shared>> -> memref<80x128xf32, #tpu.memory_space<vmem_shared>>
        %dma_wait3A_94 = arith.constant 0 : i32
        %dma_wait3A_95 = tpu.memref_slice %arg8[%mul3A_88, %dma_wait3A_94] : memref<10000x128xf32, #tpu.memory_space<vmem_shared>> -> memref<80x128xf32, #tpu.memory_space<vmem_shared>>
        tpu.wait_dma2 semaphore(%run_scoped3A : memref<!tpu.dma_semaphore, #tpu.memory_space<semaphore_mem>>) src(%dma_wait3A_95 : memref<80x128xf32, #tpu.memory_space<vmem_shared>>) dst(%arg7 : memref<80x128xf32, #tpu.memory_space<vmem>>)
        tpu.yield
      }) : () -> ()
      "tpu.region"() ({
        %run_scoped3A = tpu.sem_alloc : memref<!tpu.dma_semaphore, #tpu.memory_space<semaphore_mem>>
        %dma_start3A = arith.constant 0 : i32
        %dma_start3A_90 = tpu.memref_slice %arg4[%arg0, %mul3A_88, %dma_start3A] : memref<2x10000x128xf32, #tpu.memory_space<hbm>> -> memref<1x80x128xf32, #tpu.memory_space<hbm>>
        %dma_start3A_91 = tpu.memref_squeeze %dma_start3A_90 : memref<1x80x128xf32, #tpu.memory_space<hbm>> -> memref<80x128xf32, #tpu.memory_space<hbm>>
        %dma_start3A_92 = arith.constant 0 : i32
        %dma_start3A_93 = tpu.memref_slice %arg4[%arg0, %mul3A_88, %dma_start3A_92] : memref<2x10000x128xf32, #tpu.memory_space<hbm>> -> memref<1x80x128xf32, #tpu.memory_space<hbm>>
        %dma_start3A_94 = tpu.memref_squeeze %dma_start3A_93 : memref<1x80x128xf32, #tpu.memory_space<hbm>> -> memref<80x128xf32, #tpu.memory_space<hbm>>
        tpu.enqueue_dma source(%arg7 : memref<80x128xf32, #tpu.memory_space<vmem>>) target(%dma_start3A_94 : memref<80x128xf32, #tpu.memory_space<hbm>>) target_semaphore(%run_scoped3A : memref<!tpu.dma_semaphore, #tpu.memory_space<semaphore_mem>>)
        %dma_wait3A = arith.constant 0 : i32
        %dma_wait3A_95 = tpu.memref_slice %arg4[%arg0, %mul3A_88, %dma_wait3A] : memref<2x10000x128xf32, #tpu.memory_space<hbm>> -> memref<1x80x128xf32, #tpu.memory_space<hbm>>
        %dma_wait3A_96 = tpu.memref_squeeze %dma_wait3A_95 : memref<1x80x128xf32, #tpu.memory_space<hbm>> -> memref<80x128xf32, #tpu.memory_space<hbm>>
        %dma_wait3A_97 = arith.constant 0 : i32
        %dma_wait3A_98 = tpu.memref_slice %arg4[%arg0, %mul3A_88, %dma_wait3A_97] : memref<2x10000x128xf32, #tpu.memory_space<hbm>> -> memref<1x80x128xf32, #tpu.memory_space<hbm>>
        %dma_wait3A_99 = tpu.memref_squeeze %dma_wait3A_98 : memref<1x80x128xf32, #tpu.memory_space<hbm>> -> memref<80x128xf32, #tpu.memory_space<hbm>>
        tpu.wait_dma2 semaphore(%run_scoped3A : memref<!tpu.dma_semaphore, #tpu.memory_space<semaphore_mem>>) src(%arg7 : memref<80x128xf32, #tpu.memory_space<vmem>>) dst(%dma_wait3A_99 : memref<80x128xf32, #tpu.memory_space<hbm>>)
        tpu.yield
      }) : () -> ()
      %while3A_89 = arith.constant 0 : i32
      scf.yield %while3A_89 : i32
    }
    %while3A_83 = arith.constant 1 : i32
    %while3A_84 = scf.for %while3A_85 = %while3A_80 to %while3A_76 step %while3A_83 iter_args(%while3A_86 = %while3A_82) -> (i32)  : i32 {
      %mul3A_87 = arith.constant 80 : i32
      %mul3A_88 = arith.muli %while3A_85, %mul3A_87 : i32
      "tpu.region"() ({
        %run_scoped3A = tpu.sem_alloc : memref<!tpu.dma_semaphore, #tpu.memory_space<semaphore_mem>>
        %dma_start3A = arith.constant 0 : i32
        %dma_start3A_90 = tpu.memref_slice %arg8[%mul3A_88, %dma_start3A] : memref<10000x128xf32, #tpu.memory_space<vmem_shared>> -> memref<80x128xf32, #tpu.memory_space<vmem_shared>>
        %dma_start3A_91 = arith.constant 0 : i32
        %dma_start3A_92 = tpu.memref_slice %arg8[%mul3A_88, %dma_start3A_91] : memref<10000x128xf32, #tpu.memory_space<vmem_shared>> -> memref<80x128xf32, #tpu.memory_space<vmem_shared>>
        tpu.enqueue_dma source(%dma_start3A_92 : memref<80x128xf32, #tpu.memory_space<vmem_shared>>) target(%arg7 : memref<80x128xf32, #tpu.memory_space<vmem>>) target_semaphore(%run_scoped3A : memref<!tpu.dma_semaphore, #tpu.memory_space<semaphore_mem>>)
        %dma_wait3A = arith.constant 0 : i32
        %dma_wait3A_93 = tpu.memref_slice %arg8[%mul3A_88, %dma_wait3A] : memref<10000x128xf32, #tpu.memory_space<vmem_shared>> -> memref<80x128xf32, #tpu.memory_space<vmem_shared>>
        %dma_wait3A_94 = arith.constant 0 : i32
        %dma_wait3A_95 = tpu.memref_slice %arg8[%mul3A_88, %dma_wait3A_94] : memref<10000x128xf32, #tpu.memory_space<vmem_shared>> -> memref<80x128xf32, #tpu.memory_space<vmem_shared>>
        tpu.wait_dma2 semaphore(%run_scoped3A : memref<!tpu.dma_semaphore, #tpu.memory_space<semaphore_mem>>) src(%dma_wait3A_95 : memref<80x128xf32, #tpu.memory_space<vmem_shared>>) dst(%arg7 : memref<80x128xf32, #tpu.memory_space<vmem>>)
        tpu.yield
      }) : () -> ()
      "tpu.region"() ({
        %run_scoped3A = tpu.sem_alloc : memref<!tpu.dma_semaphore, #tpu.memory_space<semaphore_mem>>
        %dma_start3A = arith.constant 0 : i32
        %dma_start3A_90 = tpu.memref_slice %arg4[%arg0, %mul3A_88, %dma_start3A] : memref<2x10000x128xf32, #tpu.memory_space<hbm>> -> memref<1x80x128xf32, #tpu.memory_space<hbm>>
        %dma_start3A_91 = tpu.memref_squeeze %dma_start3A_90 : memref<1x80x128xf32, #tpu.memory_space<hbm>> -> memref<80x128xf32, #tpu.memory_space<hbm>>
        %dma_start3A_92 = arith.constant 0 : i32
        %dma_start3A_93 = tpu.memref_slice %arg4[%arg0, %mul3A_88, %dma_start3A_92] : memref<2x10000x128xf32, #tpu.memory_space<hbm>> -> memref<1x80x128xf32, #tpu.memory_space<hbm>>
        %dma_start3A_94 = tpu.memref_squeeze %dma_start3A_93 : memref<1x80x128xf32, #tpu.memory_space<hbm>> -> memref<80x128xf32, #tpu.memory_space<hbm>>
        tpu.enqueue_dma source(%arg7 : memref<80x128xf32, #tpu.memory_space<vmem>>) target(%dma_start3A_94 : memref<80x128xf32, #tpu.memory_space<hbm>>) target_semaphore(%run_scoped3A : memref<!tpu.dma_semaphore, #tpu.memory_space<semaphore_mem>>)
        %dma_wait3A = arith.constant 0 : i32
        %dma_wait3A_95 = tpu.memref_slice %arg4[%arg0, %mul3A_88, %dma_wait3A] : memref<2x10000x128xf32, #tpu.memory_space<hbm>> -> memref<1x80x128xf32, #tpu.memory_space<hbm>>
        %dma_wait3A_96 = tpu.memref_squeeze %dma_wait3A_95 : memref<1x80x128xf32, #tpu.memory_space<hbm>> -> memref<80x128xf32, #tpu.memory_space<hbm>>
        %dma_wait3A_97 = arith.constant 0 : i32
        %dma_wait3A_98 = tpu.memref_slice %arg4[%arg0, %mul3A_88, %dma_wait3A_97] : memref<2x10000x128xf32, #tpu.memory_space<hbm>> -> memref<1x80x128xf32, #tpu.memory_space<hbm>>
        %dma_wait3A_99 = tpu.memref_squeeze %dma_wait3A_98 : memref<1x80x128xf32, #tpu.memory_space<hbm>> -> memref<80x128xf32, #tpu.memory_space<hbm>>
        tpu.wait_dma2 semaphore(%run_scoped3A : memref<!tpu.dma_semaphore, #tpu.memory_space<semaphore_mem>>) src(%arg7 : memref<80x128xf32, #tpu.memory_space<vmem>>) dst(%dma_wait3A_99 : memref<80x128xf32, #tpu.memory_space<hbm>>)
        tpu.yield
      }) : () -> ()
      %while3A_89 = arith.constant 0 : i32
      scf.yield %while3A_89 : i32
    }
    return
  }
}

#map = affine_map<(d0, d1) -> (0, 0)>
#map1 = affine_map<(d0, d1) -> (0)>
#map2 = affine_map<(d0, d1) -> (0, 0, 0)>
module attributes {stable_mosaic.version = 14 : i64} {
  func.func @_sc_agg_body(%arg0: i32, %arg1: i32, %arg2: memref<10000x128xf32, #tpu.memory_space<hbm>>, %arg3: memref<640000xi32, #tpu.memory_space<hbm>>, %arg4: memref<2x10000x128xf32, #tpu.memory_space<hbm>>, %arg5: memref<80xi32, #tpu.memory_space<vmem>>, %arg6: memref<80xi32, #tpu.memory_space<vmem>>, %arg7: memref<80x128xf32, #tpu.memory_space<vmem>>, %arg8: memref<10000x128xf32, #tpu.memory_space<vmem_shared>>, %arg9: memref<!tpu.dma_semaphore, #tpu.memory_space<semaphore_mem>>) attributes {dimension_semantics = [#tpu.dimension_semantics<core_parallel>, #tpu.dimension_semantics<subcore_parallel>], iteration_bounds = array<i64: 2, 16>, scalar_prefetch = 0 : i64, scratch_operands = 5 : i64, tpu.core_type = #tpu.core_type<sc_vector_subcore>, window_params = [{transform_indices = #map}, {transform_indices = #map1}, {transform_indices = #map2}]} {
    %mul3A = arith.constant 2 : i32
    %mul3A_0 = arith.muli %arg1, %mul3A : i32
    %add3A = arith.addi %mul3A_0, %arg0 : i32
    %broadcast_in_dim3A = arith.constant 0.000000e+00 : f32
    %broadcast_in_dim3A_1 = vector.broadcast %broadcast_in_dim3A : f32 to vector<16xf32>
    %broadcast_in_dim3A_2 = arith.constant 1.000000e+00 : f32
    %broadcast_in_dim3A_3 = vector.broadcast %broadcast_in_dim3A_2 : f32 to vector<16xf32>
    %scan3A = arith.constant 0 : i32
    %scan3A_4 = arith.constant 0 : i32
    %scan3A_5 = arith.constant 80 : i32
    %scan3A_6 = arith.addi %scan3A_4, %scan3A_5 : i32
    %scan3A_7 = arith.constant 1 : i32
    %scan3A_8 = scf.for %scan3A_85 = %scan3A_4 to %scan3A_6 step %scan3A_7 iter_args(%scan3A_86 = %scan3A) -> (i32)  : i32 {
      %swap3A = arith.index_cast %scan3A_85 : i32 to index
      %swap3A_87 = arith.constant 0 : index
      %swap3A_88 = tpu.vector_load %arg7[%swap3A, %swap3A_87] {strides = array<i32>} : memref<80x128xf32, #tpu.memory_space<vmem>>, vector<1x16xf32>,
      %swap3A_89 = vector.shape_cast %swap3A_88 : vector<1x16xf32> to vector<16xf32>
      %swap3A_90 = vector.shape_cast %broadcast_in_dim3A_1 : vector<16xf32> to vector<1x16xf32>
      tpu.vector_store %arg7[%swap3A, %swap3A_87], %swap3A_90 {strides = array<i32>} : memref<80x128xf32, #tpu.memory_space<vmem>>, vector<1x16xf32>,
      %swap3A_91 = arith.index_cast %scan3A_85 : i32 to index
      %swap3A_92 = arith.constant 16 : index
      %swap3A_93 = tpu.vector_load %arg7[%swap3A_91, %swap3A_92] {strides = array<i32>} : memref<80x128xf32, #tpu.memory_space<vmem>>, vector<1x16xf32>,
      %swap3A_94 = vector.shape_cast %swap3A_93 : vector<1x16xf32> to vector<16xf32>
      %swap3A_95 = vector.shape_cast %broadcast_in_dim3A_1 : vector<16xf32> to vector<1x16xf32>
      tpu.vector_store %arg7[%swap3A_91, %swap3A_92], %swap3A_95 {strides = array<i32>} : memref<80x128xf32, #tpu.memory_space<vmem>>, vector<1x16xf32>,
      %swap3A_96 = arith.index_cast %scan3A_85 : i32 to index
      %swap3A_97 = arith.constant 32 : index
      %swap3A_98 = tpu.vector_load %arg7[%swap3A_96, %swap3A_97] {strides = array<i32>} : memref<80x128xf32, #tpu.memory_space<vmem>>, vector<1x16xf32>,
      %swap3A_99 = vector.shape_cast %swap3A_98 : vector<1x16xf32> to vector<16xf32>
      %swap3A_100 = vector.shape_cast %broadcast_in_dim3A_1 : vector<16xf32> to vector<1x16xf32>
      tpu.vector_store %arg7[%swap3A_96, %swap3A_97], %swap3A_100 {strides = array<i32>} : memref<80x128xf32, #tpu.memory_space<vmem>>, vector<1x16xf32>,
      %swap3A_101 = arith.index_cast %scan3A_85 : i32 to index
      %swap3A_102 = arith.constant 48 : index
      %swap3A_103 = tpu.vector_load %arg7[%swap3A_101, %swap3A_102] {strides = array<i32>} : memref<80x128xf32, #tpu.memory_space<vmem>>, vector<1x16xf32>,
      %swap3A_104 = vector.shape_cast %swap3A_103 : vector<1x16xf32> to vector<16xf32>
      %swap3A_105 = vector.shape_cast %broadcast_in_dim3A_1 : vector<16xf32> to vector<1x16xf32>
      tpu.vector_store %arg7[%swap3A_101, %swap3A_102], %swap3A_105 {strides = array<i32>} : memref<80x128xf32, #tpu.memory_space<vmem>>, vector<1x16xf32>,
      %swap3A_106 = arith.index_cast %scan3A_85 : i32 to index
      %swap3A_107 = arith.constant 64 : index
      %swap3A_108 = tpu.vector_load %arg7[%swap3A_106, %swap3A_107] {strides = array<i32>} : memref<80x128xf32, #tpu.memory_space<vmem>>, vector<1x16xf32>,
      %swap3A_109 = vector.shape_cast %swap3A_108 : vector<1x16xf32> to vector<16xf32>
      %swap3A_110 = vector.shape_cast %broadcast_in_dim3A_1 : vector<16xf32> to vector<1x16xf32>
      tpu.vector_store %arg7[%swap3A_106, %swap3A_107], %swap3A_110 {strides = array<i32>} : memref<80x128xf32, #tpu.memory_space<vmem>>, vector<1x16xf32>,
      %swap3A_111 = arith.index_cast %scan3A_85 : i32 to index
      %swap3A_112 = arith.constant 80 : index
      %swap3A_113 = tpu.vector_load %arg7[%swap3A_111, %swap3A_112] {strides = array<i32>} : memref<80x128xf32, #tpu.memory_space<vmem>>, vector<1x16xf32>,
      %swap3A_114 = vector.shape_cast %swap3A_113 : vector<1x16xf32> to vector<16xf32>
      %swap3A_115 = vector.shape_cast %broadcast_in_dim3A_1 : vector<16xf32> to vector<1x16xf32>
      tpu.vector_store %arg7[%swap3A_111, %swap3A_112], %swap3A_115 {strides = array<i32>} : memref<80x128xf32, #tpu.memory_space<vmem>>, vector<1x16xf32>,
      %swap3A_116 = arith.index_cast %scan3A_85 : i32 to index
      %swap3A_117 = arith.constant 96 : index
      %swap3A_118 = tpu.vector_load %arg7[%swap3A_116, %swap3A_117] {strides = array<i32>} : memref<80x128xf32, #tpu.memory_space<vmem>>, vector<1x16xf32>,
      %swap3A_119 = vector.shape_cast %swap3A_118 : vector<1x16xf32> to vector<16xf32>
      %swap3A_120 = vector.shape_cast %broadcast_in_dim3A_1 : vector<16xf32> to vector<1x16xf32>
      tpu.vector_store %arg7[%swap3A_116, %swap3A_117], %swap3A_120 {strides = array<i32>} : memref<80x128xf32, #tpu.memory_space<vmem>>, vector<1x16xf32>,
      %swap3A_121 = arith.index_cast %scan3A_85 : i32 to index
      %swap3A_122 = arith.constant 112 : index
      %swap3A_123 = tpu.vector_load %arg7[%swap3A_121, %swap3A_122] {strides = array<i32>} : memref<80x128xf32, #tpu.memory_space<vmem>>, vector<1x16xf32>,
      %swap3A_124 = vector.shape_cast %swap3A_123 : vector<1x16xf32> to vector<16xf32>
      %swap3A_125 = vector.shape_cast %broadcast_in_dim3A_1 : vector<16xf32> to vector<1x16xf32>
      tpu.vector_store %arg7[%swap3A_121, %swap3A_122], %swap3A_125 {strides = array<i32>} : memref<80x128xf32, #tpu.memory_space<vmem>>, vector<1x16xf32>,
      %scan3A_126 = arith.constant 0 : i32
      scf.yield %scan3A_126 : i32
    }
    %scan3A_9 = arith.constant 80 : i32
    %mul3A_10 = arith.constant 125 : i32
    %mul3A_11 = arith.muli %arg1, %mul3A_10 : i32
    %jit3A = arith.constant 16 : i32
    %div3A = arith.divsi %mul3A_11, %jit3A : i32
    %sign3A = arith.constant 0 : i32
    %sign3A_12 = arith.cmpi sgt, %mul3A_11, %sign3A : i32
    %sign3A_13 = arith.extui %sign3A_12 : i1 to i32
    %sign3A_14 = arith.constant 0 : i32
    %sign3A_15 = arith.cmpi slt, %mul3A_11, %sign3A_14 : i32
    %sign3A_16 = arith.extui %sign3A_15 : i1 to i32
    %sign3A_17 = arith.subi %sign3A_13, %sign3A_16 : i32
    %sign3A_18 = arith.constant 0 : i32
    %sign3A_19 = arith.cmpi sgt, %jit3A, %sign3A_18 : i32
    %sign3A_20 = arith.extui %sign3A_19 : i1 to i32
    %sign3A_21 = arith.constant 0 : i32
    %sign3A_22 = arith.cmpi slt, %jit3A, %sign3A_21 : i32
    %sign3A_23 = arith.extui %sign3A_22 : i1 to i32
    %sign3A_24 = arith.subi %sign3A_20, %sign3A_23 : i32
    %ne3A = arith.cmpi ne, %sign3A_17, %sign3A_24 : i32
    %rem3A = arith.remsi %mul3A_11, %jit3A : i32
    %ne3A_25 = arith.constant 0 : i32
    %ne3A_26 = arith.cmpi ne, %rem3A, %ne3A_25 : i32
    %and3A = arith.andi %ne3A, %ne3A_26 : i1
    %sub3A = arith.constant 1 : i32
    %sub3A_27 = arith.subi %div3A, %sub3A : i32
    %select_n3A = arith.select %and3A, %sub3A_27, %div3A : i32
    %add3A_28 = arith.constant 1 : i32
    %add3A_29 = arith.addi %arg1, %add3A_28 : i32
    %mul3A_30 = arith.constant 125 : i32
    %mul3A_31 = arith.muli %add3A_29, %mul3A_30 : i32
    %jit3A_32 = arith.constant 16 : i32
    %div3A_33 = arith.divsi %mul3A_31, %jit3A_32 : i32
    %sign3A_34 = arith.constant 0 : i32
    %sign3A_35 = arith.cmpi sgt, %mul3A_31, %sign3A_34 : i32
    %sign3A_36 = arith.extui %sign3A_35 : i1 to i32
    %sign3A_37 = arith.constant 0 : i32
    %sign3A_38 = arith.cmpi slt, %mul3A_31, %sign3A_37 : i32
    %sign3A_39 = arith.extui %sign3A_38 : i1 to i32
    %sign3A_40 = arith.subi %sign3A_36, %sign3A_39 : i32
    %sign3A_41 = arith.constant 0 : i32
    %sign3A_42 = arith.cmpi sgt, %jit3A_32, %sign3A_41 : i32
    %sign3A_43 = arith.extui %sign3A_42 : i1 to i32
    %sign3A_44 = arith.constant 0 : i32
    %sign3A_45 = arith.cmpi slt, %jit3A_32, %sign3A_44 : i32
    %sign3A_46 = arith.extui %sign3A_45 : i1 to i32
    %sign3A_47 = arith.subi %sign3A_43, %sign3A_46 : i32
    %ne3A_48 = arith.cmpi ne, %sign3A_40, %sign3A_47 : i32
    %rem3A_49 = arith.remsi %mul3A_31, %jit3A_32 : i32
    %ne3A_50 = arith.constant 0 : i32
    %ne3A_51 = arith.cmpi ne, %rem3A_49, %ne3A_50 : i32
    %and3A_52 = arith.andi %ne3A_48, %ne3A_51 : i1
    %sub3A_53 = arith.constant 1 : i32
    %sub3A_54 = arith.subi %div3A_33, %sub3A_53 : i32
    %select_n3A_55 = arith.select %and3A_52, %sub3A_54, %div3A_33 : i32
    %while3A = arith.constant 0 : i32
    %while3A_56 = arith.subi %select_n3A_55, %select_n3A : i32
    %while3A_57 = arith.addi %select_n3A, %while3A_56 : i32
    %while3A_58 = arith.constant 1 : i32
    %while3A_59 = arith.divsi %while3A_56, %while3A_58 : i32
    %while3A_60 = arith.muli %while3A_59, %while3A_58 : i32
    %while3A_61 = arith.addi %select_n3A, %while3A_60 : i32
    %while3A_62 = arith.constant 1 : i32
    %while3A_63 = scf.for %while3A_85 = %select_n3A to %while3A_61 step %while3A_62 iter_args(%while3A_86 = %while3A) -> (i32)  : i32 {
      %mul3A_87 = arith.constant 80 : i32
      %mul3A_88 = arith.muli %while3A_85, %mul3A_87 : i32
      "tpu.region"() ({
        %run_scoped3A = tpu.sem_alloc : memref<!tpu.dma_semaphore, #tpu.memory_space<semaphore_mem>>
        %dma_start3A = arith.constant 0 : i32
        %dma_start3A_90 = tpu.memref_slice %arg8[%mul3A_88, %dma_start3A] : memref<10000x128xf32, #tpu.memory_space<vmem_shared>> -> memref<80x128xf32, #tpu.memory_space<vmem_shared>>
        %dma_start3A_91 = arith.constant 0 : i32
        %dma_start3A_92 = tpu.memref_slice %arg8[%mul3A_88, %dma_start3A_91] : memref<10000x128xf32, #tpu.memory_space<vmem_shared>> -> memref<80x128xf32, #tpu.memory_space<vmem_shared>>
        tpu.enqueue_dma source(%arg7 : memref<80x128xf32, #tpu.memory_space<vmem>>) target(%dma_start3A_92 : memref<80x128xf32, #tpu.memory_space<vmem_shared>>) target_semaphore(%run_scoped3A : memref<!tpu.dma_semaphore, #tpu.memory_space<semaphore_mem>>)
        %dma_wait3A = arith.constant 0 : i32
        %dma_wait3A_93 = tpu.memref_slice %arg8[%mul3A_88, %dma_wait3A] : memref<10000x128xf32, #tpu.memory_space<vmem_shared>> -> memref<80x128xf32, #tpu.memory_space<vmem_shared>>
        %dma_wait3A_94 = arith.constant 0 : i32
        %dma_wait3A_95 = tpu.memref_slice %arg8[%mul3A_88, %dma_wait3A_94] : memref<10000x128xf32, #tpu.memory_space<vmem_shared>> -> memref<80x128xf32, #tpu.memory_space<vmem_shared>>
        tpu.wait_dma2 semaphore(%run_scoped3A : memref<!tpu.dma_semaphore, #tpu.memory_space<semaphore_mem>>) src(%arg7 : memref<80x128xf32, #tpu.memory_space<vmem>>) dst(%dma_wait3A_95 : memref<80x128xf32, #tpu.memory_space<vmem_shared>>)
        tpu.yield
      }) : () -> ()
      %while3A_89 = arith.constant 0 : i32
      scf.yield %while3A_89 : i32
    }
    %while3A_64 = arith.constant 1 : i32
    %while3A_65 = scf.for %while3A_85 = %while3A_61 to %while3A_57 step %while3A_64 iter_args(%while3A_86 = %while3A_63) -> (i32)  : i32 {
      %mul3A_87 = arith.constant 80 : i32
      %mul3A_88 = arith.muli %while3A_85, %mul3A_87 : i32
      "tpu.region"() ({
        %run_scoped3A = tpu.sem_alloc : memref<!tpu.dma_semaphore, #tpu.memory_space<semaphore_mem>>
        %dma_start3A = arith.constant 0 : i32
        %dma_start3A_90 = tpu.memref_slice %arg8[%mul3A_88, %dma_start3A] : memref<10000x128xf32, #tpu.memory_space<vmem_shared>> -> memref<80x128xf32, #tpu.memory_space<vmem_shared>>
        %dma_start3A_91 = arith.constant 0 : i32
        %dma_start3A_92 = tpu.memref_slice %arg8[%mul3A_88, %dma_start3A_91] : memref<10000x128xf32, #tpu.memory_space<vmem_shared>> -> memref<80x128xf32, #tpu.memory_space<vmem_shared>>
        tpu.enqueue_dma source(%arg7 : memref<80x128xf32, #tpu.memory_space<vmem>>) target(%dma_start3A_92 : memref<80x128xf32, #tpu.memory_space<vmem_shared>>) target_semaphore(%run_scoped3A : memref<!tpu.dma_semaphore, #tpu.memory_space<semaphore_mem>>)
        %dma_wait3A = arith.constant 0 : i32
        %dma_wait3A_93 = tpu.memref_slice %arg8[%mul3A_88, %dma_wait3A] : memref<10000x128xf32, #tpu.memory_space<vmem_shared>> -> memref<80x128xf32, #tpu.memory_space<vmem_shared>>
        %dma_wait3A_94 = arith.constant 0 : i32
        %dma_wait3A_95 = tpu.memref_slice %arg8[%mul3A_88, %dma_wait3A_94] : memref<10000x128xf32, #tpu.memory_space<vmem_shared>> -> memref<80x128xf32, #tpu.memory_space<vmem_shared>>
        tpu.wait_dma2 semaphore(%run_scoped3A : memref<!tpu.dma_semaphore, #tpu.memory_space<semaphore_mem>>) src(%arg7 : memref<80x128xf32, #tpu.memory_space<vmem>>) dst(%dma_wait3A_95 : memref<80x128xf32, #tpu.memory_space<vmem_shared>>)
        tpu.yield
      }) : () -> ()
      %while3A_89 = arith.constant 0 : i32
      scf.yield %while3A_89 : i32
    }
    %barrier3A = arith.constant 0 : index
    tpu.barrier barrier_id(%barrier3A)
    %scan3A_66 = arith.constant 0 : i32
    %scan3A_67 = arith.constant 0 : i32
    %scan3A_68 = arith.constant 125 : i32
    %scan3A_69 = arith.addi %scan3A_67, %scan3A_68 : i32
    %scan3A_70 = arith.constant 1 : i32
    %scan3A_71 = scf.for %scan3A_85 = %scan3A_67 to %scan3A_69 step %scan3A_70 iter_args(%scan3A_86 = %scan3A_66) -> (i32)  : i32 {
      %mul3A_87 = arith.constant 10000 : i32
      %mul3A_88 = arith.muli %add3A, %mul3A_87 : i32
      %mul3A_89 = arith.constant 80 : i32
      %mul3A_90 = arith.muli %scan3A_85, %mul3A_89 : i32
      %add3A_91 = arith.addi %mul3A_88, %mul3A_90 : i32
      "tpu.region"() ({
        %run_scoped3A = tpu.sem_alloc : memref<!tpu.dma_semaphore, #tpu.memory_space<semaphore_mem>>
        %dma_start3A_99 = tpu.memref_slice %arg3[%add3A_91] : memref<640000xi32, #tpu.memory_space<hbm>> -> memref<80xi32, #tpu.memory_space<hbm>>
        %dma_start3A_100 = tpu.memref_slice %arg3[%add3A_91] : memref<640000xi32, #tpu.memory_space<hbm>> -> memref<80xi32, #tpu.memory_space<hbm>>
        tpu.enqueue_dma source(%dma_start3A_100 : memref<80xi32, #tpu.memory_space<hbm>>) target(%arg5 : memref<80xi32, #tpu.memory_space<vmem>>) target_semaphore(%run_scoped3A : memref<!tpu.dma_semaphore, #tpu.memory_space<semaphore_mem>>)
        %dma_wait3A_101 = tpu.memref_slice %arg3[%add3A_91] : memref<640000xi32, #tpu.memory_space<hbm>> -> memref<80xi32, #tpu.memory_space<hbm>>
        %dma_wait3A_102 = tpu.memref_slice %arg3[%add3A_91] : memref<640000xi32, #tpu.memory_space<hbm>> -> memref<80xi32, #tpu.memory_space<hbm>>
        tpu.wait_dma2 semaphore(%run_scoped3A : memref<!tpu.dma_semaphore, #tpu.memory_space<semaphore_mem>>) src(%dma_wait3A_102 : memref<80xi32, #tpu.memory_space<hbm>>) dst(%arg5 : memref<80xi32, #tpu.memory_space<vmem>>)
        tpu.yield
      }) : () -> ()
      %add3A_92 = arith.constant 320000 : i32
      %add3A_93 = arith.addi %add3A_92, %add3A_91 : i32
      "tpu.region"() ({
        %run_scoped3A = tpu.sem_alloc : memref<!tpu.dma_semaphore, #tpu.memory_space<semaphore_mem>>
        %dma_start3A_99 = tpu.memref_slice %arg3[%add3A_93] : memref<640000xi32, #tpu.memory_space<hbm>> -> memref<80xi32, #tpu.memory_space<hbm>>
        %dma_start3A_100 = tpu.memref_slice %arg3[%add3A_93] : memref<640000xi32, #tpu.memory_space<hbm>> -> memref<80xi32, #tpu.memory_space<hbm>>
        tpu.enqueue_dma source(%dma_start3A_100 : memref<80xi32, #tpu.memory_space<hbm>>) target(%arg6 : memref<80xi32, #tpu.memory_space<vmem>>) target_semaphore(%run_scoped3A : memref<!tpu.dma_semaphore, #tpu.memory_space<semaphore_mem>>)
        %dma_wait3A_101 = tpu.memref_slice %arg3[%add3A_93] : memref<640000xi32, #tpu.memory_space<hbm>> -> memref<80xi32, #tpu.memory_space<hbm>>
        %dma_wait3A_102 = tpu.memref_slice %arg3[%add3A_93] : memref<640000xi32, #tpu.memory_space<hbm>> -> memref<80xi32, #tpu.memory_space<hbm>>
        tpu.wait_dma2 semaphore(%run_scoped3A : memref<!tpu.dma_semaphore, #tpu.memory_space<semaphore_mem>>) src(%dma_wait3A_102 : memref<80xi32, #tpu.memory_space<hbm>>) dst(%arg6 : memref<80xi32, #tpu.memory_space<vmem>>)
        tpu.yield
      }) : () -> ()
      %dma_start3A = arith.constant 0 : i32
      %dma_start3A_94 = arith.constant 0 : i32
      %dma_start3A_95 = tpu.memref_slice %arg2[%dma_start3A, %dma_start3A_94] : memref<10000x128xf32, #tpu.memory_space<hbm>> -> memref<10000x128xf32, #tpu.memory_space<hbm>>
      tpu.enqueue_indirect_dma source(%dma_start3A_95 : memref<10000x128xf32, #tpu.memory_space<hbm>>) target(%arg7 : memref<80x128xf32, #tpu.memory_space<vmem>>) offsets(%arg5 : memref<80xi32, #tpu.memory_space<vmem>>) semaphore(%arg9 : memref<!tpu.dma_semaphore, #tpu.memory_space<semaphore_mem>>)
      %dma_wait3A = arith.constant 0 : i32
      %dma_wait3A_96 = arith.constant 0 : i32
      %dma_wait3A_97 = tpu.memref_slice %arg2[%dma_wait3A, %dma_wait3A_96] : memref<10000x128xf32, #tpu.memory_space<hbm>> -> memref<10000x128xf32, #tpu.memory_space<hbm>>
      tpu.wait_indirect_dma semaphore(%arg9 : memref<!tpu.dma_semaphore, #tpu.memory_space<semaphore_mem>>) src(%dma_wait3A_97 : memref<10000x128xf32, #tpu.memory_space<hbm>>) dst(%arg7 : memref<80x128xf32, #tpu.memory_space<vmem>>)
      "tpu.region"() ({
        %run_scoped3A = tpu.sem_alloc : memref<!tpu.dma_semaphore, #tpu.memory_space<semaphore_mem>>
        %dma_start3A_99 = arith.constant 0 : i32
        %dma_start3A_100 = arith.constant 0 : i32
        %dma_start3A_101 = tpu.memref_slice %arg8[%dma_start3A_99, %dma_start3A_100] : memref<10000x128xf32, #tpu.memory_space<vmem_shared>> -> memref<10000x128xf32, #tpu.memory_space<vmem_shared>>
        tpu.enqueue_indirect_dma source(%arg7 : memref<80x128xf32, #tpu.memory_space<vmem>>) target(%dma_start3A_101 : memref<10000x128xf32, #tpu.memory_space<vmem_shared>>) offsets(%arg6 : memref<80xi32, #tpu.memory_space<vmem>>) semaphore(%run_scoped3A : memref<!tpu.dma_semaphore, #tpu.memory_space<semaphore_mem>>) {add = true}
        %dma_wait3A_102 = arith.constant 0 : i32
        %dma_wait3A_103 = arith.constant 0 : i32
        %dma_wait3A_104 = tpu.memref_slice %arg8[%dma_wait3A_102, %dma_wait3A_103] : memref<10000x128xf32, #tpu.memory_space<vmem_shared>> -> memref<10000x128xf32, #tpu.memory_space<vmem_shared>>
        tpu.wait_indirect_dma semaphore(%run_scoped3A : memref<!tpu.dma_semaphore, #tpu.memory_space<semaphore_mem>>) src(%arg7 : memref<80x128xf32, #tpu.memory_space<vmem>>) dst(%dma_wait3A_104 : memref<10000x128xf32, #tpu.memory_space<vmem_shared>>)
        tpu.yield
      }) : () -> ()
      %scan3A_98 = arith.constant 0 : i32
      scf.yield %scan3A_98 : i32
    }
    %scan3A_72 = arith.constant 125 : i32
    %barrier3A_73 = arith.constant 0 : index
    tpu.barrier barrier_id(%barrier3A_73)
    %while3A_74 = arith.constant 0 : i32
    %while3A_75 = arith.subi %select_n3A_55, %select_n3A : i32
    %while3A_76 = arith.addi %select_n3A, %while3A_75 : i32
    %while3A_77 = arith.constant 1 : i32
    %while3A_78 = arith.divsi %while3A_75, %while3A_77 : i32
    %while3A_79 = arith.muli %while3A_78, %while3A_77 : i32
    %while3A_80 = arith.addi %select_n3A, %while3A_79 : i32
    %while3A_81 = arith.constant 1 : i32
    %while3A_82 = scf.for %while3A_85 = %select_n3A to %while3A_80 step %while3A_81 iter_args(%while3A_86 = %while3A_74) -> (i32)  : i32 {
      %mul3A_87 = arith.constant 80 : i32
      %mul3A_88 = arith.muli %while3A_85, %mul3A_87 : i32
      "tpu.region"() ({
        %run_scoped3A = tpu.sem_alloc : memref<!tpu.dma_semaphore, #tpu.memory_space<semaphore_mem>>
        %dma_start3A = arith.constant 0 : i32
        %dma_start3A_90 = tpu.memref_slice %arg8[%mul3A_88, %dma_start3A] : memref<10000x128xf32, #tpu.memory_space<vmem_shared>> -> memref<80x128xf32, #tpu.memory_space<vmem_shared>>
        %dma_start3A_91 = arith.constant 0 : i32
        %dma_start3A_92 = tpu.memref_slice %arg8[%mul3A_88, %dma_start3A_91] : memref<10000x128xf32, #tpu.memory_space<vmem_shared>> -> memref<80x128xf32, #tpu.memory_space<vmem_shared>>
        tpu.enqueue_dma source(%dma_start3A_92 : memref<80x128xf32, #tpu.memory_space<vmem_shared>>) target(%arg7 : memref<80x128xf32, #tpu.memory_space<vmem>>) target_semaphore(%run_scoped3A : memref<!tpu.dma_semaphore, #tpu.memory_space<semaphore_mem>>)
        %dma_wait3A = arith.constant 0 : i32
        %dma_wait3A_93 = tpu.memref_slice %arg8[%mul3A_88, %dma_wait3A] : memref<10000x128xf32, #tpu.memory_space<vmem_shared>> -> memref<80x128xf32, #tpu.memory_space<vmem_shared>>
        %dma_wait3A_94 = arith.constant 0 : i32
        %dma_wait3A_95 = tpu.memref_slice %arg8[%mul3A_88, %dma_wait3A_94] : memref<10000x128xf32, #tpu.memory_space<vmem_shared>> -> memref<80x128xf32, #tpu.memory_space<vmem_shared>>
        tpu.wait_dma2 semaphore(%run_scoped3A : memref<!tpu.dma_semaphore, #tpu.memory_space<semaphore_mem>>) src(%dma_wait3A_95 : memref<80x128xf32, #tpu.memory_space<vmem_shared>>) dst(%arg7 : memref<80x128xf32, #tpu.memory_space<vmem>>)
        tpu.yield
      }) : () -> ()
      "tpu.region"() ({
        %run_scoped3A = tpu.sem_alloc : memref<!tpu.dma_semaphore, #tpu.memory_space<semaphore_mem>>
        %dma_start3A = arith.constant 0 : i32
        %dma_start3A_90 = tpu.memref_slice %arg4[%arg0, %mul3A_88, %dma_start3A] : memref<2x10000x128xf32, #tpu.memory_space<hbm>> -> memref<1x80x128xf32, #tpu.memory_space<hbm>>
        %dma_start3A_91 = tpu.memref_squeeze %dma_start3A_90 : memref<1x80x128xf32, #tpu.memory_space<hbm>> -> memref<80x128xf32, #tpu.memory_space<hbm>>
        %dma_start3A_92 = arith.constant 0 : i32
        %dma_start3A_93 = tpu.memref_slice %arg4[%arg0, %mul3A_88, %dma_start3A_92] : memref<2x10000x128xf32, #tpu.memory_space<hbm>> -> memref<1x80x128xf32, #tpu.memory_space<hbm>>
        %dma_start3A_94 = tpu.memref_squeeze %dma_start3A_93 : memref<1x80x128xf32, #tpu.memory_space<hbm>> -> memref<80x128xf32, #tpu.memory_space<hbm>>
        tpu.enqueue_dma source(%arg7 : memref<80x128xf32, #tpu.memory_space<vmem>>) target(%dma_start3A_94 : memref<80x128xf32, #tpu.memory_space<hbm>>) target_semaphore(%run_scoped3A : memref<!tpu.dma_semaphore, #tpu.memory_space<semaphore_mem>>)
        %dma_wait3A = arith.constant 0 : i32
        %dma_wait3A_95 = tpu.memref_slice %arg4[%arg0, %mul3A_88, %dma_wait3A] : memref<2x10000x128xf32, #tpu.memory_space<hbm>> -> memref<1x80x128xf32, #tpu.memory_space<hbm>>
        %dma_wait3A_96 = tpu.memref_squeeze %dma_wait3A_95 : memref<1x80x128xf32, #tpu.memory_space<hbm>> -> memref<80x128xf32, #tpu.memory_space<hbm>>
        %dma_wait3A_97 = arith.constant 0 : i32
        %dma_wait3A_98 = tpu.memref_slice %arg4[%arg0, %mul3A_88, %dma_wait3A_97] : memref<2x10000x128xf32, #tpu.memory_space<hbm>> -> memref<1x80x128xf32, #tpu.memory_space<hbm>>
        %dma_wait3A_99 = tpu.memref_squeeze %dma_wait3A_98 : memref<1x80x128xf32, #tpu.memory_space<hbm>> -> memref<80x128xf32, #tpu.memory_space<hbm>>
        tpu.wait_dma2 semaphore(%run_scoped3A : memref<!tpu.dma_semaphore, #tpu.memory_space<semaphore_mem>>) src(%arg7 : memref<80x128xf32, #tpu.memory_space<vmem>>) dst(%dma_wait3A_99 : memref<80x128xf32, #tpu.memory_space<hbm>>)
        tpu.yield
      }) : () -> ()
      %while3A_89 = arith.constant 0 : i32
      scf.yield %while3A_89 : i32
    }
    %while3A_83 = arith.constant 1 : i32
    %while3A_84 = scf.for %while3A_85 = %while3A_80 to %while3A_76 step %while3A_83 iter_args(%while3A_86 = %while3A_82) -> (i32)  : i32 {
      %mul3A_87 = arith.constant 80 : i32
      %mul3A_88 = arith.muli %while3A_85, %mul3A_87 : i32
      "tpu.region"() ({
        %run_scoped3A = tpu.sem_alloc : memref<!tpu.dma_semaphore, #tpu.memory_space<semaphore_mem>>
        %dma_start3A = arith.constant 0 : i32
        %dma_start3A_90 = tpu.memref_slice %arg8[%mul3A_88, %dma_start3A] : memref<10000x128xf32, #tpu.memory_space<vmem_shared>> -> memref<80x128xf32, #tpu.memory_space<vmem_shared>>
        %dma_start3A_91 = arith.constant 0 : i32
        %dma_start3A_92 = tpu.memref_slice %arg8[%mul3A_88, %dma_start3A_91] : memref<10000x128xf32, #tpu.memory_space<vmem_shared>> -> memref<80x128xf32, #tpu.memory_space<vmem_shared>>
        tpu.enqueue_dma source(%dma_start3A_92 : memref<80x128xf32, #tpu.memory_space<vmem_shared>>) target(%arg7 : memref<80x128xf32, #tpu.memory_space<vmem>>) target_semaphore(%run_scoped3A : memref<!tpu.dma_semaphore, #tpu.memory_space<semaphore_mem>>)
        %dma_wait3A = arith.constant 0 : i32
        %dma_wait3A_93 = tpu.memref_slice %arg8[%mul3A_88, %dma_wait3A] : memref<10000x128xf32, #tpu.memory_space<vmem_shared>> -> memref<80x128xf32, #tpu.memory_space<vmem_shared>>
        %dma_wait3A_94 = arith.constant 0 : i32
        %dma_wait3A_95 = tpu.memref_slice %arg8[%mul3A_88, %dma_wait3A_94] : memref<10000x128xf32, #tpu.memory_space<vmem_shared>> -> memref<80x128xf32, #tpu.memory_space<vmem_shared>>
        tpu.wait_dma2 semaphore(%run_scoped3A : memref<!tpu.dma_semaphore, #tpu.memory_space<semaphore_mem>>) src(%dma_wait3A_95 : memref<80x128xf32, #tpu.memory_space<vmem_shared>>) dst(%arg7 : memref<80x128xf32, #tpu.memory_space<vmem>>)
        tpu.yield
      }) : () -> ()
      "tpu.region"() ({
        %run_scoped3A = tpu.sem_alloc : memref<!tpu.dma_semaphore, #tpu.memory_space<semaphore_mem>>
        %dma_start3A = arith.constant 0 : i32
        %dma_start3A_90 = tpu.memref_slice %arg4[%arg0, %mul3A_88, %dma_start3A] : memref<2x10000x128xf32, #tpu.memory_space<hbm>> -> memref<1x80x128xf32, #tpu.memory_space<hbm>>
        %dma_start3A_91 = tpu.memref_squeeze %dma_start3A_90 : memref<1x80x128xf32, #tpu.memory_space<hbm>> -> memref<80x128xf32, #tpu.memory_space<hbm>>
        %dma_start3A_92 = arith.constant 0 : i32
        %dma_start3A_93 = tpu.memref_slice %arg4[%arg0, %mul3A_88, %dma_start3A_92] : memref<2x10000x128xf32, #tpu.memory_space<hbm>> -> memref<1x80x128xf32, #tpu.memory_space<hbm>>
        %dma_start3A_94 = tpu.memref_squeeze %dma_start3A_93 : memref<1x80x128xf32, #tpu.memory_space<hbm>> -> memref<80x128xf32, #tpu.memory_space<hbm>>
        tpu.enqueue_dma source(%arg7 : memref<80x128xf32, #tpu.memory_space<vmem>>) target(%dma_start3A_94 : memref<80x128xf32, #tpu.memory_space<hbm>>) target_semaphore(%run_scoped3A : memref<!tpu.dma_semaphore, #tpu.memory_space<semaphore_mem>>)
        %dma_wait3A = arith.constant 0 : i32
        %dma_wait3A_95 = tpu.memref_slice %arg4[%arg0, %mul3A_88, %dma_wait3A] : memref<2x10000x128xf32, #tpu.memory_space<hbm>> -> memref<1x80x128xf32, #tpu.memory_space<hbm>>
        %dma_wait3A_96 = tpu.memref_squeeze %dma_wait3A_95 : memref<1x80x128xf32, #tpu.memory_space<hbm>> -> memref<80x128xf32, #tpu.memory_space<hbm>>
        %dma_wait3A_97 = arith.constant 0 : i32
        %dma_wait3A_98 = tpu.memref_slice %arg4[%arg0, %mul3A_88, %dma_wait3A_97] : memref<2x10000x128xf32, #tpu.memory_space<hbm>> -> memref<1x80x128xf32, #tpu.memory_space<hbm>>
        %dma_wait3A_99 = tpu.memref_squeeze %dma_wait3A_98 : memref<1x80x128xf32, #tpu.memory_space<hbm>> -> memref<80x128xf32, #tpu.memory_space<hbm>>
        tpu.wait_dma2 semaphore(%run_scoped3A : memref<!tpu.dma_semaphore, #tpu.memory_space<semaphore_mem>>) src(%arg7 : memref<80x128xf32, #tpu.memory_space<vmem>>) dst(%dma_wait3A_99 : memref<80x128xf32, #tpu.memory_space<hbm>>)
        tpu.yield
      }) : () -> ()
      %while3A_89 = arith.constant 0 : i32
      scf.yield %while3A_89 : i32
    }
    return
  }
}

module attributes {stable_mosaic.version = 14 : i64} {
  func.func @_dense_body(%arg0: i32, %arg1: memref<2x2000x128xf32, #tpu.memory_space<vmem>>, %arg2: memref<2x2000x128xf32, #tpu.memory_space<vmem>>, %arg3: memref<2000x128xf32, #tpu.memory_space<vmem>>, %arg4: memref<128x128xf32, #tpu.memory_space<vmem>>, %arg5: memref<128x128xf32, #tpu.memory_space<vmem>>, %arg6: memref<1x128xf32, #tpu.memory_space<vmem>>, %arg7: memref<2000x128xf32, #tpu.memory_space<vmem>>) attributes {dimension_semantics = [#tpu.dimension_semantics<arbitrary>], iteration_bounds = array<i64: 5>, scalar_prefetch = 0 : i64, scratch_operands = 0 : i64, tpu.core_type = #tpu.core_type<tc>, window_params = [{transform_indices = @transform_0, window_bounds = array<i64: 2, 2000, 128>}, {transform_indices = @transform_1, window_bounds = array<i64: 2, 2000, 128>}, {transform_indices = @transform_2, window_bounds = array<i64: 2000, 128>}, {pipeline_mode = #tpu.pipeline_mode<synchronous>, transform_indices = @transform_3, window_bounds = array<i64: 128, 128>}, {pipeline_mode = #tpu.pipeline_mode<synchronous>, transform_indices = @transform_4, window_bounds = array<i64: 128, 128>}, {pipeline_mode = #tpu.pipeline_mode<synchronous>, transform_indices = @transform_5, window_bounds = array<i64: 1, 128>}, {transform_indices = @transform_6, window_bounds = array<i64: 2000, 128>}]} {
    %get3A = arith.constant 0 : index
    %get3A_0 = arith.constant 0 : index
    %get3A_1 = arith.constant 0 : index
    %get3A_2 = vector.load %arg1[%get3A, %get3A_0, %get3A_1] : memref<2x2000x128xf32, #tpu.memory_space<vmem>>, vector<1x2000x128xf32>
    %get3A_3 = vector.shape_cast %get3A_2 : vector<1x2000x128xf32> to vector<2000x128xf32>
    %get3A_4 = arith.constant 1 : index
    %get3A_5 = arith.constant 0 : index
    %get3A_6 = arith.constant 0 : index
    %get3A_7 = vector.load %arg1[%get3A_4, %get3A_5, %get3A_6] : memref<2x2000x128xf32, #tpu.memory_space<vmem>>, vector<1x2000x128xf32>
    %get3A_8 = vector.shape_cast %get3A_7 : vector<1x2000x128xf32> to vector<2000x128xf32>
    %add3A = arith.addf %get3A_3, %get3A_8 : vector<2000x128xf32>
    %get3A_9 = arith.constant 0 : index
    %get3A_10 = arith.constant 0 : index
    %get3A_11 = arith.constant 0 : index
    %get3A_12 = vector.load %arg2[%get3A_9, %get3A_10, %get3A_11] : memref<2x2000x128xf32, #tpu.memory_space<vmem>>, vector<1x2000x1xf32>
    %get3A_13 = vector.shape_cast %get3A_12 : vector<1x2000x1xf32> to vector<2000x1xf32>
    %get3A_14 = arith.constant 1 : index
    %get3A_15 = arith.constant 0 : index
    %get3A_16 = arith.constant 0 : index
    %get3A_17 = vector.load %arg2[%get3A_14, %get3A_15, %get3A_16] : memref<2x2000x128xf32, #tpu.memory_space<vmem>>, vector<1x2000x1xf32>
    %get3A_18 = vector.shape_cast %get3A_17 : vector<1x2000x1xf32> to vector<2000x1xf32>
    %add3A_19 = arith.addf %get3A_13, %get3A_18 : vector<2000x1xf32>
    %max3A = arith.constant 1.000000e+00 : f32
    %max3A_20 = vector.broadcast %max3A : f32 to vector<2000x1xf32>
    %max3A_21 = arith.maximumf %add3A_19, %max3A_20 : vector<2000x1xf32>
    %div3A = vector.broadcast %max3A_21 : vector<2000x1xf32> to vector<2000x128xf32>
    %div3A_22 = arith.divf %add3A, %div3A : vector<2000x128xf32>
    %get3A_23 = arith.constant 0 : index
    %get3A_24 = arith.constant 0 : index
    %get3A_25 = vector.load %arg4[%get3A_23, %get3A_24] : memref<128x128xf32, #tpu.memory_space<vmem>>, vector<128x128xf32>
    %dot_general3A = arith.constant dense<0.000000e+00> : vector<2000x128xf32>
    %dot_general3A_26 = tpu.matmul %div3A_22, %get3A_25, %dot_general3A {dimension_numbers = #tpu.dot_dimension_numbers<[1], [0], [0], [1], [0, 0, 1, 1], [], []>, transpose_lhs_hint = false} : vector<2000x128xf32>, vector<128x128xf32>, vector<2000x128xf32> -> vector<2000x128xf32>
    %get3A_27 = arith.constant 0 : index
    %get3A_28 = arith.constant 0 : index
    %get3A_29 = vector.load %arg3[%get3A_27, %get3A_28] : memref<2000x128xf32, #tpu.memory_space<vmem>>, vector<2000x128xf32>
    %get3A_30 = arith.constant 0 : index
    %get3A_31 = arith.constant 0 : index
    %get3A_32 = vector.load %arg5[%get3A_30, %get3A_31] : memref<128x128xf32, #tpu.memory_space<vmem>>, vector<128x128xf32>
    %dot_general3A_33 = arith.constant dense<0.000000e+00> : vector<2000x128xf32>
    %dot_general3A_34 = tpu.matmul %get3A_29, %get3A_32, %dot_general3A_33 {dimension_numbers = #tpu.dot_dimension_numbers<[1], [0], [0], [1], [0, 0, 1, 1], [], []>, transpose_lhs_hint = false} : vector<2000x128xf32>, vector<128x128xf32>, vector<2000x128xf32> -> vector<2000x128xf32>
    %add3A_35 = arith.addf %dot_general3A_26, %dot_general3A_34 : vector<2000x128xf32>
    %get3A_36 = arith.constant 0 : index
    %get3A_37 = arith.constant 0 : index
    %get3A_38 = vector.load %arg6[%get3A_36, %get3A_37] : memref<1x128xf32, #tpu.memory_space<vmem>>, vector<1x128xf32>
    %add3A_39 = vector.broadcast %get3A_38 : vector<1x128xf32> to vector<2000x128xf32>
    %add3A_40 = arith.addf %add3A_35, %add3A_39 : vector<2000x128xf32>
    %max3A_41 = arith.constant 0.000000e+00 : f32
    %max3A_42 = vector.broadcast %max3A_41 : f32 to vector<2000x128xf32>
    %max3A_43 = arith.maximumf %add3A_40, %max3A_42 : vector<2000x128xf32>
    %swap3A = arith.constant 0 : index
    %swap3A_44 = arith.constant 0 : index
    %swap3A_45 = vector.load %arg7[%swap3A, %swap3A_44] : memref<2000x128xf32, #tpu.memory_space<vmem>>, vector<2000x128xf32>
    tpu.vector_store %arg7[%swap3A, %swap3A_44], %max3A_43 {strides = array<i32>} : memref<2000x128xf32, #tpu.memory_space<vmem>>, vector<2000x128xf32>,
    return
  }
  func.func @transform_0(%arg0: i32) -> (i32, i32, i32) {
    %c0_i32 = arith.constant 0 : i32
    %c0_i32_0 = arith.constant 0 : i32
    %c0_i32_1 = arith.constant 0 : i32
    return %c0_i32, %arg0, %c0_i32_0 : i32, i32, i32
  }
  func.func @transform_1(%arg0: i32) -> (i32, i32, i32) {
    %c0_i32 = arith.constant 0 : i32
    %c0_i32_0 = arith.constant 0 : i32
    %c0_i32_1 = arith.constant 0 : i32
    return %c0_i32, %arg0, %c0_i32_0 : i32, i32, i32
  }
  func.func @transform_2(%arg0: i32) -> (i32, i32) {
    %c0_i32 = arith.constant 0 : i32
    %c0_i32_0 = arith.constant 0 : i32
    return %arg0, %c0_i32 : i32, i32
  }
  func.func @transform_3(%arg0: i32) -> (i32, i32) {
    %c0_i32 = arith.constant 0 : i32
    %c0_i32_0 = arith.constant 0 : i32
    %c0_i32_1 = arith.constant 0 : i32
    return %c0_i32, %c0_i32_0 : i32, i32
  }
  func.func @transform_4(%arg0: i32) -> (i32, i32) {
    %c0_i32 = arith.constant 0 : i32
    %c0_i32_0 = arith.constant 0 : i32
    %c0_i32_1 = arith.constant 0 : i32
    return %c0_i32, %c0_i32_0 : i32, i32
  }
  func.func @transform_5(%arg0: i32) -> (i32, i32) {
    %c0_i32 = arith.constant 0 : i32
    %c0_i32_0 = arith.constant 0 : i32
    %c0_i32_1 = arith.constant 0 : i32
    return %c0_i32, %c0_i32_0 : i32, i32
  }
  func.func @transform_6(%arg0: i32) -> (i32, i32) {
    %c0_i32 = arith.constant 0 : i32
    %c0_i32_0 = arith.constant 0 : i32
    return %arg0, %c0_i32 : i32, i32
  }
}

module attributes {stable_mosaic.version = 14 : i64} {
  func.func @_dense_body(%arg0: i32, %arg1: memref<2x2000x128xf32, #tpu.memory_space<vmem>>, %arg2: memref<2x2000x128xf32, #tpu.memory_space<vmem>>, %arg3: memref<2000x128xf32, #tpu.memory_space<vmem>>, %arg4: memref<128x128xf32, #tpu.memory_space<vmem>>, %arg5: memref<128x128xf32, #tpu.memory_space<vmem>>, %arg6: memref<1x128xf32, #tpu.memory_space<vmem>>, %arg7: memref<2000x128xf32, #tpu.memory_space<vmem>>) attributes {dimension_semantics = [#tpu.dimension_semantics<arbitrary>], iteration_bounds = array<i64: 5>, scalar_prefetch = 0 : i64, scratch_operands = 0 : i64, tpu.core_type = #tpu.core_type<tc>, window_params = [{transform_indices = @transform_0, window_bounds = array<i64: 2, 2000, 128>}, {transform_indices = @transform_1, window_bounds = array<i64: 2, 2000, 128>}, {transform_indices = @transform_2, window_bounds = array<i64: 2000, 128>}, {pipeline_mode = #tpu.pipeline_mode<synchronous>, transform_indices = @transform_3, window_bounds = array<i64: 128, 128>}, {pipeline_mode = #tpu.pipeline_mode<synchronous>, transform_indices = @transform_4, window_bounds = array<i64: 128, 128>}, {pipeline_mode = #tpu.pipeline_mode<synchronous>, transform_indices = @transform_5, window_bounds = array<i64: 1, 128>}, {transform_indices = @transform_6, window_bounds = array<i64: 2000, 128>}]} {
    %get3A = arith.constant 0 : index
    %get3A_0 = arith.constant 0 : index
    %get3A_1 = arith.constant 0 : index
    %get3A_2 = vector.load %arg1[%get3A, %get3A_0, %get3A_1] : memref<2x2000x128xf32, #tpu.memory_space<vmem>>, vector<1x2000x128xf32>
    %get3A_3 = vector.shape_cast %get3A_2 : vector<1x2000x128xf32> to vector<2000x128xf32>
    %get3A_4 = arith.constant 1 : index
    %get3A_5 = arith.constant 0 : index
    %get3A_6 = arith.constant 0 : index
    %get3A_7 = vector.load %arg1[%get3A_4, %get3A_5, %get3A_6] : memref<2x2000x128xf32, #tpu.memory_space<vmem>>, vector<1x2000x128xf32>
    %get3A_8 = vector.shape_cast %get3A_7 : vector<1x2000x128xf32> to vector<2000x128xf32>
    %add3A = arith.addf %get3A_3, %get3A_8 : vector<2000x128xf32>
    %get3A_9 = arith.constant 0 : index
    %get3A_10 = arith.constant 0 : index
    %get3A_11 = arith.constant 0 : index
    %get3A_12 = vector.load %arg2[%get3A_9, %get3A_10, %get3A_11] : memref<2x2000x128xf32, #tpu.memory_space<vmem>>, vector<1x2000x1xf32>
    %get3A_13 = vector.shape_cast %get3A_12 : vector<1x2000x1xf32> to vector<2000x1xf32>
    %get3A_14 = arith.constant 1 : index
    %get3A_15 = arith.constant 0 : index
    %get3A_16 = arith.constant 0 : index
    %get3A_17 = vector.load %arg2[%get3A_14, %get3A_15, %get3A_16] : memref<2x2000x128xf32, #tpu.memory_space<vmem>>, vector<1x2000x1xf32>
    %get3A_18 = vector.shape_cast %get3A_17 : vector<1x2000x1xf32> to vector<2000x1xf32>
    %add3A_19 = arith.addf %get3A_13, %get3A_18 : vector<2000x1xf32>
    %max3A = arith.constant 1.000000e+00 : f32
    %max3A_20 = vector.broadcast %max3A : f32 to vector<2000x1xf32>
    %max3A_21 = arith.maximumf %add3A_19, %max3A_20 : vector<2000x1xf32>
    %div3A = vector.broadcast %max3A_21 : vector<2000x1xf32> to vector<2000x128xf32>
    %div3A_22 = arith.divf %add3A, %div3A : vector<2000x128xf32>
    %get3A_23 = arith.constant 0 : index
    %get3A_24 = arith.constant 0 : index
    %get3A_25 = vector.load %arg4[%get3A_23, %get3A_24] : memref<128x128xf32, #tpu.memory_space<vmem>>, vector<128x128xf32>
    %dot_general3A = arith.constant dense<0.000000e+00> : vector<2000x128xf32>
    %dot_general3A_26 = tpu.matmul %div3A_22, %get3A_25, %dot_general3A {dimension_numbers = #tpu.dot_dimension_numbers<[1], [0], [0], [1], [0, 0, 1, 1], [], []>, transpose_lhs_hint = false} : vector<2000x128xf32>, vector<128x128xf32>, vector<2000x128xf32> -> vector<2000x128xf32>
    %get3A_27 = arith.constant 0 : index
    %get3A_28 = arith.constant 0 : index
    %get3A_29 = vector.load %arg3[%get3A_27, %get3A_28] : memref<2000x128xf32, #tpu.memory_space<vmem>>, vector<2000x128xf32>
    %get3A_30 = arith.constant 0 : index
    %get3A_31 = arith.constant 0 : index
    %get3A_32 = vector.load %arg5[%get3A_30, %get3A_31] : memref<128x128xf32, #tpu.memory_space<vmem>>, vector<128x128xf32>
    %dot_general3A_33 = arith.constant dense<0.000000e+00> : vector<2000x128xf32>
    %dot_general3A_34 = tpu.matmul %get3A_29, %get3A_32, %dot_general3A_33 {dimension_numbers = #tpu.dot_dimension_numbers<[1], [0], [0], [1], [0, 0, 1, 1], [], []>, transpose_lhs_hint = false} : vector<2000x128xf32>, vector<128x128xf32>, vector<2000x128xf32> -> vector<2000x128xf32>
    %add3A_35 = arith.addf %dot_general3A_26, %dot_general3A_34 : vector<2000x128xf32>
    %get3A_36 = arith.constant 0 : index
    %get3A_37 = arith.constant 0 : index
    %get3A_38 = vector.load %arg6[%get3A_36, %get3A_37] : memref<1x128xf32, #tpu.memory_space<vmem>>, vector<1x128xf32>
    %add3A_39 = vector.broadcast %get3A_38 : vector<1x128xf32> to vector<2000x128xf32>
    %add3A_40 = arith.addf %add3A_35, %add3A_39 : vector<2000x128xf32>
    %reduce_max3A = arith.constant dense<0xFF800000> : vector<2000xf32>
    %reduce_max3A_41 = vector.multi_reduction <maximumf>, %add3A_40, %reduce_max3A [1] : vector<2000x128xf32> to vector<2000xf32>
    %broadcast_in_dim3A = vector.shape_cast %reduce_max3A_41 : vector<2000xf32> to vector<2000x1xf32>
    %sub3A = vector.broadcast %broadcast_in_dim3A : vector<2000x1xf32> to vector<2000x128xf32>
    %sub3A_42 = arith.subf %add3A_40, %sub3A : vector<2000x128xf32>
    %exp3A = math.exp %sub3A_42 : vector<2000x128xf32>
    %reduce_sum3A = arith.constant dense<0.000000e+00> : vector<2000xf32>
    %reduce_sum3A_43 = vector.multi_reduction <add>, %exp3A, %reduce_sum3A [1] : vector<2000x128xf32> to vector<2000xf32>
    %broadcast_in_dim3A_44 = vector.shape_cast %reduce_sum3A_43 : vector<2000xf32> to vector<2000x1xf32>
    %log3A = math.log %broadcast_in_dim3A_44 : vector<2000x1xf32>
    %sub3A_45 = vector.broadcast %broadcast_in_dim3A : vector<2000x1xf32> to vector<2000x128xf32>
    %sub3A_46 = arith.subf %add3A_40, %sub3A_45 : vector<2000x128xf32>
    %sub3A_47 = vector.broadcast %log3A : vector<2000x1xf32> to vector<2000x128xf32>
    %sub3A_48 = arith.subf %sub3A_46, %sub3A_47 : vector<2000x128xf32>
    %swap3A = arith.constant 0 : index
    %swap3A_49 = arith.constant 0 : index
    %swap3A_50 = vector.load %arg7[%swap3A, %swap3A_49] : memref<2000x128xf32, #tpu.memory_space<vmem>>, vector<2000x128xf32>
    tpu.vector_store %arg7[%swap3A, %swap3A_49], %sub3A_48 {strides = array<i32>} : memref<2000x128xf32, #tpu.memory_space<vmem>>, vector<2000x128xf32>,
    return
  }
  func.func @transform_0(%arg0: i32) -> (i32, i32, i32) {
    %c0_i32 = arith.constant 0 : i32
    %c0_i32_0 = arith.constant 0 : i32
    %c0_i32_1 = arith.constant 0 : i32
    return %c0_i32, %arg0, %c0_i32_0 : i32, i32, i32
  }
  func.func @transform_1(%arg0: i32) -> (i32, i32, i32) {
    %c0_i32 = arith.constant 0 : i32
    %c0_i32_0 = arith.constant 0 : i32
    %c0_i32_1 = arith.constant 0 : i32
    return %c0_i32, %arg0, %c0_i32_0 : i32, i32, i32
  }
  func.func @transform_2(%arg0: i32) -> (i32, i32) {
    %c0_i32 = arith.constant 0 : i32
    %c0_i32_0 = arith.constant 0 : i32
    return %arg0, %c0_i32 : i32, i32
  }
  func.func @transform_3(%arg0: i32) -> (i32, i32) {
    %c0_i32 = arith.constant 0 : i32
    %c0_i32_0 = arith.constant 0 : i32
    %c0_i32_1 = arith.constant 0 : i32
    return %c0_i32, %c0_i32_0 : i32, i32
  }
  func.func @transform_4(%arg0: i32) -> (i32, i32) {
    %c0_i32 = arith.constant 0 : i32
    %c0_i32_0 = arith.constant 0 : i32
    %c0_i32_1 = arith.constant 0 : i32
    return %c0_i32, %c0_i32_0 : i32, i32
  }
  func.func @transform_5(%arg0: i32) -> (i32, i32) {
    %c0_i32 = arith.constant 0 : i32
    %c0_i32_0 = arith.constant 0 : i32
    %c0_i32_1 = arith.constant 0 : i32
    return %c0_i32, %c0_i32_0 : i32, i32
  }
  func.func @transform_6(%arg0: i32) -> (i32, i32) {
    %c0_i32 = arith.constant 0 : i32
    %c0_i32_0 = arith.constant 0 : i32
    return %arg0, %c0_i32 : i32, i32
  }
}

</mosaic_0001>

<sc_bundles>
// kernel: kernel.11.cloned.1.call-start
scs
__scs_entry_jumppad:
0x0: {  	(pc) =	sbr.rel $0x88, $3  }
0x1: {  	(tag) =	ssettag $0x0;
	lr =	simm.s32 $0x1  }
0x2: {  	[smem:$0x3F96] =	sst lr;
	_ =	strace $0xD0000000  }
0x3: {  	_ = 	snop  }
0x4: {  	_ = 	snop  }
0x5: {  	_ = 	snop  }
0x6: {  	_ = 	snop  }
0x7: {  	_ = 	snop  }
__scs_overlays_trampoline_lowered:
0x8: {  	[smem:$0x3FA5] =	sst s0  }
0x9: {  	[smem:$0x3FA6] =	sst s1  }
0xa: {  	[smem:$0x3FA7] =	sst s2  }
0xb: {  	[smem:$0x3FA8] =	sst s3  }
0xc: {  	[smem:$0x3FA9] =	sst s4  }
0xd: {  	[smem:$0x3FAA] =	sst s5  }
0xe: {  	[smem:$0x3FAB] =	sst s6  }
0xf: {  	[smem:$0x3FAC] =	sst s7  }
0x10: {  	[smem:$0x3FAD] =	sst s8  }
0x11: {  	[smem:$0x3FAE] =	sst s9;
	s0 =	simm.s32 @!p0 $0x0  }
0x12: {  	s1 =	sld [smem:$0x3F94];
	s0 =	simm.s32 @p0 $0x1  }
0x13: {  	[smem:$0x3FAF] =	sst s0;
	s0 =	simm.s32 @!p1 $0x0  }
0x14: {  	s2 =	sld [smem:$0x3F93];
	s0 =	simm.s32 @p1 $0x1  }
0x15: {  	[smem:$0x3FB0] =	sst s0;
	s0 =	simm.s32 @!p2 $0x0  }
0x16: {  	s3 =	sld [smem:$0x3FDB];
	s0 =	simm.s32 @p2 $0x1  }
0x17: {  	s4 =	simm.s32 $0x1BF5;
	[smem:$0x3FB2] =	sst s0  }
0x18: {  	s0 =	sld [smem:$0x3F95];
	_ =	swait.ge [sflag:s4], $0x0  }
0x19: {  	s7 =	sld [smem:$0x3F96]  }
0x1a: {  	s8 =	sadd.s32 $0xFFFFE003, lr  }
0x1b: {  	s9 =	sadd.s32 $0xFFFFFEF7, lr;
	s5 =	simm.s32 $0xFFFFFFFF;
	p2 =	slt.u32 s8, $0xFFFFF086  }
0x1c: {  	p1 =	slt.u32 s9, $0xF7A;
	s5 =	simm.s32 @!p2 $0x0  }
0x1d: {  	s5 =	simm.s32 @p1 $0x1;
	p0 =	seq.s32 s7, s2  }
0x1e: {  	s7 =	smul.u32 @!p0 $0xF7A, s2;
	p2 =	seq.s32 @!p0 s5, $0x0  }
0x1f: {  	s9 =	smul.u32 $0xF7A, s1;
	s8 =	simm.s32 @!p0 $0x1BF5;
	p2 =	por !p2, p0  }
0x20: {  	[sflag:s8] =	ssyncset.s32 @!p0 $0xFFFFF086;
	s6 =	sadd.s32 @!p0 s3, s7;
	s7 =	simm.s32 @!p0 $0x108  }
0x21: {  	s3 =	sadd.s32 s3, s9;
	s6 =	sadd.s32 @!p0 $0x88, s6;
	s7 =	simm.s32 @p2 $0x1082  }
0x22: {  	[simem:s7], [sflag:s8] =	dma.local @!p0 [hbm:s6], $0xF7A  }
0x23: {  	s9 =	sor.u32 $0xD0000000, s2;
	s6 =	simm.s32 $0x108;
	_ =	swait.ge @!p0 [sflag:s8], $0x0  }
0x24: {  	s3 =	sadd.s32 $0x88, s3;
	s6 =	simm.s32 @!p1 $0x1082;
	[sflag:s4] =	ssyncset.s32 $0xFFFFF086  }
0x25: {  	[simem:s6], [sflag:s4] =	dma.local [hbm:s3], $0xF7A  }
0x26: {  	[smem:$0x3F96] =	sst s1;
	(tag) =	ssettag s2;
	_ =	strace s9  }
0x27: {  	s1 =	sld [smem:$0x3FA6]  }
0x28: {  	s2 =	sld [smem:$0x3FA7]  }
0x29: {  	s4 =	sld [smem:$0x3FA9]  }
0x2a: {  	p0 =	seq.s32 s5, $0x0;
	s5 =	sld [smem:$0x3FAA]  }
0x2b: {  	s6 =	sld [smem:$0x3FAB]  }
0x2c: {  	s7 =	sld [smem:$0x3FAC]  }
0x2d: {  	s3 =	simm.s32 $0x108;
	s8 =	sld [smem:$0x3FAD]  }
0x2e: {  	s3 =	simm.s32 @!p0 $0x1082;
	s9 =	sld [smem:$0x3FAE]  }
0x2f: {  	lr =	sadd.s32 s0, s3;
	s0 =	sld [smem:$0x3FA5]  }
0x30: {  	s3 =	sld [smem:$0x3FA8]  }
0x31: {  	[smem:$0x3FB1] =	sst s10  }
0x32: {  	s10 =	sld [smem:$0x3FAF];
	_ =	sdelay $0x3  }
0x33: {  	p0 =	seq.s32 s10, $0x1;
	s10 =	sld [smem:$0x3FB1];
	_ =	sdelay $0x3  }
0x34: {  	[smem:$0x3FB1] =	sst s10  }
0x35: {  	s10 =	sld [smem:$0x3FB0];
	_ =	sdelay $0x3  }
0x36: {  	p1 =	seq.s32 s10, $0x1;
	s10 =	sld [smem:$0x3FB1];
	_ =	sdelay $0x3  }
0x37: {  	[smem:$0x3FB1] =	sst s10  }
0x38: {  	s10 =	sld [smem:$0x3FB2]  }
0x39: {  	_ = 	snop;
	(pc) =	sbr.ind lr, $3  }
0x3a: {  	_ = 	snop  }
0x3b: {  	_ = 	snop  }
0x3c: {  	p2 =	seq.s32 s10, $0x1;
	s10 =	sld [smem:$0x3FB1]  }
0x3d: {  	_ =	shalt  }
0x3e: {  	_ =	shalt  }
0x3f: {  	_ =	shalt  }
0x40: {  	_ =	shalt  }
0x41: {  	_ =	shalt  }
0x42: {  	_ =	shalt  }
0x43: {  	_ =	shalt  }
0x44: {  	_ =	shalt  }
0x45: {  	_ =	shalt  }
0x46: {  	_ =	shalt  }
0x47: {  	_ =	shalt  }
0x48: {  	_ =	shalt  }
0x49: {  	_ =	shalt  }
0x4a: {  	_ =	shalt  }
0x4b: {  	_ =	shalt  }
0x4c: {  	_ =	shalt  }
0x4d: {  	_ =	shalt  }
0x4e: {  	_ =	shalt  }
0x4f: {  	_ =	shalt  }
0x50: {  	_ =	shalt  }
0x51: {  	_ =	shalt  }
0x52: {  	_ =	shalt  }
0x53: {  	_ =	shalt  }
0x54: {  	_ =	shalt  }
0x55: {  	_ =	shalt  }
0x56: {  	_ =	shalt  }
0x57: {  	_ =	shalt  }
0x58: {  	_ =	shalt  }
0x59: {  	_ =	shalt  }
0x5a: {  	_ =	shalt  }
0x5b: {  	_ =	shalt  }
0x5c: {  	_ =	shalt  }
0x5d: {  	_ =	shalt  }
0x5e: {  	_ =	shalt  }
0x5f: {  	_ =	shalt  }
0x60: {  	_ =	shalt  }
0x61: {  	_ =	shalt  }
0x62: {  	_ =	shalt  }
0x63: {  	_ =	shalt  }
0x64: {  	_ =	shalt  }
0x65: {  	_ =	shalt  }
0x66: {  	_ =	shalt  }
0x67: {  	_ =	shalt  }
0x68: {  	_ =	shalt  }
0x69: {  	_ =	shalt  }
0x6a: {  	_ =	shalt  }
0x6b: {  	_ =	shalt  }
0x6c: {  	_ =	shalt  }
0x6d: {  	_ =	shalt  }
0x6e: {  	_ =	shalt  }
0x6f: {  	_ =	shalt  }
0x70: {  	_ =	shalt  }
0x71: {  	_ =	shalt  }
0x72: {  	_ =	shalt  }
0x73: {  	_ =	shalt  }
0x74: {  	_ =	shalt  }
0x75: {  	_ =	shalt  }
0x76: {  	_ =	shalt  }
0x77: {  	_ =	shalt  }
0x78: {  	_ =	shalt  }
0x79: {  	_ =	shalt  }
0x7a: {  	_ =	shalt  }
0x7b: {  	_ =	shalt  }
0x7c: {  	_ =	shalt  }
0x7d: {  	_ =	shalt  }
0x7e: {  	_ =	shalt  }
0x7f: {  	_ =	shalt  }
0x80: {  	_ =	shalt  }
0x81: {  	_ =	shalt  }
0x82: {  	_ =	shalt  }
0x83: {  	_ =	shalt  }
0x84: {  	_ =	shalt  }
0x85: {  	_ =	shalt  }
0x86: {  	_ =	shalt  }
0x87: {  	_ =	shalt  }
.Lfunc_end0:
.L_simem_size_0:
called_computation.1_lowered:
.L_overlay_start_0:
0x88: {  	s2 =	sld [smem:$0x3FD9]  }
0x89: {  	s3 =	sld [smem:$0x3FFE];
	_ =	sdelay $0x1  }
0x8a: {  	s1 =	srdreg.scid  }
0x8b: {  	s0 =	sand.u32 $0x1, s1  }
0x8c: {  	s17 =	sshll.u32 s0, $0xA;
	s2 =	sadd.s32 s3, s2  }
0x8d: {  	s2 =	sadd.s32 s2, s17  }
0x8e: {  	[smem:$0x3FBD] =	sst s2  }
0x8f: {  	_ = 	snop  }
0x90: {  	s2 =	sld [smem:$0x3FD0];
	(tm) =	ssettm $0x1  }
0x91: {  	s18 =	sld [smem:$0x3FFB];
	_ =	sdelay $0x3  }
0x92: {  	_ =	strace s18  }
0x93: {  	s3 =	sld [smem:$0x3FFC];
	_ =	sdelay $0x3  }
0x94: {  	_ =	strace s3  }
0x95: {  	s3 =	sld [smem:$0x3FFD];
	_ =	sdelay $0x3  }
0x96: {  	_ =	strace s3  }
0x97: {  	_ =	strace $0x8FFFFFFF  }
0x98: {  	s19 =	sld [smem:$0x3FDB];
	_ =	sdelay $0x1  }
0x99: {  	s4 =	simm.s32 $_scs_section_size  }
0x9a: {  	s5 =	simm.s32 $_size__tile_overlayer_lowered;
	s6 =	simm.s32 $_tile_overlayer_lowered  }
0x9b: {  	s22 =	simm.s32 $0x1BFF;
	s21 =	sshll.u32 s6, $0x1;
	s3 =	sadd.s32 s4, s19  }
0x9c: {  	s7 =	simm.s32 $0x0;
	s20 =	sshll.u32 s5, $0x1;
	s5 =	sadd.s32 s21, s3  }
0x9d: {  	[timem:s7], [sflag:s22] =	dma.local [hbm:s5], s20  }
0x9e: {  	_ =	swait.ge [sflag:s22], s20  }
0x9f: {  	s4 =	ssub.s32 $0x0, s20;
	[sflag:s22] =	ssyncset.done $0x0  }
0xa0: {  	[sflag:s22] =	ssyncadd.s32 s4;
	_ =	sdelay $0x1  }
0xa1: {  	s23 =	simm.s32 $0x1B8B  }
0xa2: {  	_ =	swait.ge [sflag:s23], $0x1  }
0xa3: {  	[sflag:s23] =	ssyncset.done $0x0  }
0xa4: {  	s25 =	simm.s32 $0x1B8E;
	s24 =	sld [smem:$0x3FFE];
	[sflag:s23] =	ssyncadd.s32 $0xFFFFFFFF  }
0xa5: {  	s26 =	simm.s32 $execute0_lowered;
	[smem:$0x3FD2] =	sst s25  }
0xa6: {  	s5 =	sshll.u32 s26, $0x1;
	_ =	strace $0x80000046;
	[dreg:$0x1] =	wrdreg $0xFFFFFFFF  }
0xa7: {  	s28 =	simm.s32 $_size_execute0_lowered;
	s3 =	sadd.s32 s3, s5;
	[dreg:$0x0] =	wrdreg $0x0  }
0xa8: {  	s5 =	sshll.u32 s28, $0x1;
	[dreg:$0x2] =	wrdreg s3  }
0xa9: {  	[dreg:$0x3] =	wrdreg s5  }
0xaa: {  	[dreg:$0x4] =	wrdreg $0xC0  }
0xab: {  	_ =	task [dreg:s7], $0x5FFFF  }
0xac: {  	[dreg:$0x1] =	wrdreg $0xFFFFFFFF  }
0xad: {  	[dreg:$0x0] =	wrdreg $0x60  }
0xae: {  	[dreg:$0x2] =	wrdreg s2  }
0xaf: {  	[dreg:$0x3] =	wrdreg s24  }
0xb0: {  	[dreg:$0x4] =	wrdreg $0x29000  }
0xb1: {  	[dreg:$0x5] =	wrdreg $0xB  }
0xb2: {  	_ =	task.clear_ibuf [dreg:s7], $0x6FFFF;
	_ =	strace $0x90000046  }
0xb3: {  	s29 =	simm.s32 $0xB;
	_ =	strace $0x80000048  }
0xb4: {  	_ =	swait.ge [sflag:s29], $0x1  }
0xb5: {  	[sflag:s29] =	ssyncadd.s32 $0xFFFFFFFF  }
0xb6: {  	_ =	strace $0x90000048  }
0xb7: {  	_ =	sfence  }
0xb8: {  	s30 =	sld [smem:$0x0];
	_ =	sdelay $0x2  }
0xb9: {  	s31 =	sshll.u32 s1, $0xD;
	s1 =	sshrl.u32 s1, $0x2  }
0xba: {  	s3 =	sand.u32 $0x4000, s31;
	s1 =	sadd.s32 s1, s30  }
0xbb: {  	s0 =	sor.u32 s3, s0;
	s1 =	sshll.u32 s1, $0x11  }
0xbc: {  	s0 =	sor.u32 s1, s0  }
0xbd: {  	s0 =	sadd.s32 $0x8F2B, s0  }
0xbe: {  	[sflag:s0] =	ssyncadd.remote.s32 $0x1  }
0xbf: {  	_ =	sfence.sel $0xFFFF  }
0xc0: {  	[dreg:$0x0] =	wrdreg $0xFFFFFFFF;
	(pc) =	sbr.abs _section_cstart, $3  }
0xc1: {  	[dreg:$0x1] =	wrdreg $0xFFFFFFFF  }
0xc2: {  	_ =	task.clear_ibuf [dreg:s7], $0x2FFFF;
	_ =	strace $0x9FFFFFFF  }
0xc3: {  	(tm) =	ssettm $0x7FFFFFFF  }
tec
execute0_lowered:
.L_overlay_start_1:
0x0: {  	(tag) =	ssettag $0x1  }
0x1: {  	s2 =	rddreg [dreg:$0x0]  }
0x2: {  	s5 =	rddreg [dreg:$0x1]  }
0x3: {  	s3 =	rddreg [dreg:$0x2];
	s1 =	stileid.u32  }
0x4: {  	s0 =	rddreg [dreg:$0x3];
	s4 =	simm.s32 $0x0;
	s7 =	srdreg.scid  }
0x5: {  	s17 =	simm.s32 $0x0;
	s6 =	smul.u32 $0x7D, s1;
	[smem:$0x7FF] =	sst s4  }
0x6: {  	s7 =	sand.u32 $0x1, s7;
	s10 =	sadd.s32 $0x3200, s5;
	s13 =	smul.u32 $0x4E20, s1  }
0x7: {  	s5 =	sadd.s32 $0x16C00, s5;
	_ =	strace $0x80000047;
	s28 =	smul.u32 $0x2710, s7  }
0x8: {  	s8 =	ssub.s32 $0x2, s7;
	s15 =	smul.u32 $0x138800, s7;
	s12 =	sshrl.u32 s6, $0x4  }
0x9: {  	s11 =	sshrl.u32 s8, $0x1;
	s6 =	sadd.s32 $0x7D, s6;
	s9 =	smul.u32 $0xA000, s12  }
0xa: {  	s8 =	ssub.s32 s8, s11;
	s14 =	sshrl.u32 s6, $0x4;
	s30 =	sadd.s32 s28, s13  }
0xb: {  	s16 =	smul.u32 $0x2800, s12;
	s6 =	smax.u32 s8, $0x1;
	s7 =	ssub.s32 s14, s12  }
.Ltmp0:
0xc: {  	s11 =	sshrl.u32 s30, $0x3;
	s13 =	sadd.s32 $0x4E200, s30;
	(pc) =	sbr.rel .LBB2_1-.Ltmp0, $4  }
0xd: {  	p0 =	sle.u32 s14, s12;
	s12 =	simm.s32 $0x100;
	s14 =	simm.s32 $0x80  }
0xe: {  	s29 =	sshrl.u32 s9, $0x2;
	s9 =	sadd.s32 s11, s10;
	s31 =	sshrl.u32 s13, $0x3  }
0xf: {  	s11 =	sadd.s32 s16, s15;
	s13 =	simm.s32 $0x2;
	s15 =	simm.s32 $0x50  }
0x10: {  	v0 =	vimm.f32 $0.0e+00;
	s16 =	simm.s32 $0x1;
	s8 =	sadd.s32 s29, s3;
	s10 =	sadd.s32 s31, s10  }
.LBB2_12:
0x11: {  	[sflag:s13] =	ssyncadd.s32 $0xFFFFD800  }
.LBB2_13:
0x12: {  	s17 =	sadd.s32 $0x1, s17  }
0x13: {  	p1 =	sne.s32 s17, s6  }
.Ltmp1:
0x14: {  	_ = 	snop;
	(pc) =	sbr.rel @!p1 .LBB2_14-.Ltmp1, $1  }
0x15: {  	_ =	sdelay $0x3  }
.LBB2_1:
0x16: {  	s18 =	simm.s32 $0x0;
	s19 =	simm.s32 $0x200  }
.LBB2_2:
0x17: {  	p1 =	sne.s32 s19, $0x9E00;
	[tilespmem:s18+$0x170] =	vst v0  }
0x18: {  	[tilespmem:s18+$0x100] =	vst v0  }
0x19: {  	[tilespmem:s18+$0x110] =	vst v0  }
.Ltmp2:
0x1a: {  	[tilespmem:s18+$0x120] =	vst v0;
	(pc) =	sbr.rel @p1 .LBB2_2-.Ltmp2, $4  }
0x1b: {  	[tilespmem:s18+$0x130] =	vst v0  }
0x1c: {  	[tilespmem:s18+$0x140] =	vst v0  }
0x1d: {  	[tilespmem:s18+$0x150] =	vst v0  }
0x1e: {  	[tilespmem:s18+$0x160] =	vst v0;
	s18 =	sshra.s32 s19, $0x2;
	s19 =	sadd.s32 $0x200, s19  }
0x1f: {  	[tilespmem:s18+$0x170] =	vst v0  }
0x20: {  	[tilespmem:s18+$0x100] =	vst v0  }
0x21: {  	[tilespmem:s18+$0x110] =	vst v0  }
.Ltmp3:
0x22: {  	[tilespmem:s18+$0x120] =	vst v0;
	(pc) =	sbr.rel @p0 .LBB2_7-.Ltmp3, $4  }
0x23: {  	[tilespmem:s18+$0x130] =	vst v0  }
0x24: {  	[tilespmem:s18+$0x140] =	vst v0  }
0x25: {  	[tilespmem:s18+$0x150] =	vst v0  }
0x26: {  	[tilespmem:s18+$0x160] =	vst v0  }
0x27: {  	p1 =	sne.s32 s7, $0x1  }
.Ltmp4:
0x28: {  	_ = 	snop;
	(pc) =	sbr.rel @!p1 .LBB2_6-.Ltmp4, $4  }
0x29: {  	_ = 	snop  }
0x2a: {  	[spmem:s8] =	stream.linear.scatter [tilespmem:s12], [sflag:$0x2], $0x2800, $0x38;
	[tilespmem:$0x16180] =	vst v63  }
0x2b: {  	_ =	swait.ge [sflag:s13], $0x2800  }
0x2c: {  	s18 =	sadd.s32 $0xFFFFFFFF, s7;
	s19 =	smov.u32 s8;
	[sflag:s13] =	ssyncset.done $0x0  }
.LBB2_5:
0x2d: {  	p1 =	sne.s32 s18, $0x1;
	[sflag:s13] =	ssyncadd.s32 $0xFFFFD800;
	s19 =	sadd.s32 $0x2800, s19  }
.Ltmp5:
0x2e: {  	s18 =	sadd.s32 $0xFFFFFFFF, s18;
	(pc) =	sbr.rel @p1 .LBB2_5-.Ltmp5, $4  }
0x2f: {  	_ = 	snop  }
0x30: {  	[spmem:s19] =	stream.linear.scatter [tilespmem:s12], [sflag:$0x2], $0x2800, $0x38;
	[tilespmem:$0x16180] =	vst v63  }
0x31: {  	_ =	swait.ge [sflag:s13], $0x2800  }
0x32: {  	[sflag:s13] =	ssyncset.done $0x0  }
.LBB2_6:
0x33: {  	[sflag:s13] =	ssyncadd.s32 $0xFFFFD800  }
.LBB2_7:
0x34: {  	[bflag:$0x0] =	sbarrier.arrive $0xFFFF;
	s18 =	sadd.s32 $0x0, s9  }
0x35: {  	[tilespmem:s4], [sflag:$0x2] =	stream.linear.gather [hbm4b:s18+s4], $0x50, $0x38;
	[tilespmem:$0x16180] =	vst v63  }
0x36: {  	_ =	swait.ge [sflag:s13], $0x50  }
0x37: {  	[sflag:s13] =	ssyncset.done $0x0  }
0x38: {  	s31 =	sadd.s32 $0x0, s10;
	[sflag:s13] =	ssyncadd.s32 $0xFFFFFFB0  }
0x39: {  	[tilespmem:s14], [sflag:$0x2] =	stream.linear.gather [hbm4b:s31+s4], $0x50, $0x38;
	[tilespmem:$0x16180] =	vst v63  }
0x3a: {  	_ =	swait.ge [sflag:s13], $0x50  }
0x3b: {  	[sflag:s13] =	ssyncset.done $0x0  }
0x3c: {  	[sflag:s13] =	ssyncadd.s32 $0xFFFFFFB0  }
0x3d: {  	[tilespmem:s12], [sflag:$0x1] =	stream.indirect.gather [hbm4b:s2+s15], $0x80, s4, s15, $0xb8;
	[tilespmem:$0x16180] =	vst v63  }
0x3e: {  	_ =	swait.ge [sflag:s16], $0x2800  }
0x3f: {  	[sflag:s16] =	ssyncset.done $0x0  }
0x40: {  	[sflag:s16] =	ssyncadd.s32 $0xFFFFD800  }
0x41: {  	[spmem:s3] =	stream.indirect.scatter.add.f32 [tilespmem:s12], [sflag:$0x2], $0x80, s14, s15, $0xb8;
	[tilespmem:$0x16180] =	vst v63  }
0x42: {  	_ =	swait.ge [sflag:s13], $0x2800  }
0x43: {  	s19 =	simm.s32 $0x14;
	s18 =	simm.s32 $0xA;
	[sflag:s13] =	ssyncset.done $0x0  }
.LBB2_8:
0x44: {  	s20 =	sadd.s32 s18, s9  }
0x45: {  	[sflag:s13] =	ssyncadd.s32 $0xFFFFD800;
	s21 =	smov.u32 s19;
	s22 =	sadd.s32 $0xA, s19  }
0x46: {  	[tilespmem:s4], [sflag:$0x2] =	stream.linear.gather [hbm4b:s20+s4], $0x50, $0x38;
	[tilespmem:$0x16180] =	vst v63  }
0x47: {  	p1 =	sne.s32 s19, $0x4D8;
	_ =	swait.ge [sflag:s13], $0x50  }
0x48: {  	[sflag:s13] =	ssyncset.done $0x0  }
0x49: {  	s19 =	sadd.s32 s18, s10;
	s18 =	smov.u32 s21;
	[sflag:s13] =	ssyncadd.s32 $0xFFFFFFB0  }
0x4a: {  	[tilespmem:s14], [sflag:$0x2] =	stream.linear.gather [hbm4b:s19+s4], $0x50, $0x38;
	[tilespmem:$0x16180] =	vst v63  }
0x4b: {  	_ =	swait.ge [sflag:s13], $0x50  }
0x4c: {  	[sflag:s13] =	ssyncset.done $0x0  }
0x4d: {  	[sflag:s13] =	ssyncadd.s32 $0xFFFFFFB0  }
0x4e: {  	[tilespmem:s12], [sflag:$0x1] =	stream.indirect.gather [hbm4b:s2+s15], $0x80, s4, s15, $0xb8;
	[tilespmem:$0x16180] =	vst v63  }
0x4f: {  	_ =	swait.ge [sflag:s16], $0x2800  }
.Ltmp6:
0x50: {  	[sflag:s16] =	ssyncset.done $0x0;
	(pc) =	sbr.rel @p1 .LBB2_8-.Ltmp6, $4  }
0x51: {  	[sflag:s16] =	ssyncadd.s32 $0xFFFFD800  }
0x52: {  	[spmem:s3] =	stream.indirect.scatter.add.f32 [tilespmem:s12], [sflag:$0x2], $0x80, s14, s15, $0xb8;
	[tilespmem:$0x16180] =	vst v63  }
0x53: {  	_ =	swait.ge [sflag:s13], $0x2800  }
0x54: {  	s19 =	smov.u32 s22;
	[sflag:s13] =	ssyncset.done $0x0  }
0x55: {  	s19 =	sadd.s32 s18, s9;
	[sflag:s13] =	ssyncadd.s32 $0xFFFFD800  }
0x56: {  	[tilespmem:s4], [sflag:$0x2] =	stream.linear.gather [hbm4b:s19+s4], $0x50, $0x38;
	[tilespmem:$0x16180] =	vst v63  }
0x57: {  	_ =	swait.ge [sflag:s13], $0x50  }
0x58: {  	[sflag:s13] =	ssyncset.done $0x0  }
0x59: {  	s31 =	sadd.s32 s18, s10;
	[sflag:s13] =	ssyncadd.s32 $0xFFFFFFB0  }
0x5a: {  	[tilespmem:s14], [sflag:$0x2] =	stream.linear.gather [hbm4b:s31+s4], $0x50, $0x38;
	[tilespmem:$0x16180] =	vst v63  }
0x5b: {  	_ =	swait.ge [sflag:s13], $0x50  }
0x5c: {  	[sflag:s13] =	ssyncset.done $0x0  }
0x5d: {  	[sflag:s13] =	ssyncadd.s32 $0xFFFFFFB0  }
0x5e: {  	[tilespmem:s12], [sflag:$0x1] =	stream.indirect.gather [hbm4b:s2+s15], $0x80, s4, s15, $0xb8;
	[tilespmem:$0x16180] =	vst v63  }
0x5f: {  	_ =	swait.ge [sflag:s16], $0x2800  }
0x60: {  	[sflag:s16] =	ssyncset.done $0x0  }
0x61: {  	[sflag:s16] =	ssyncadd.s32 $0xFFFFD800  }
0x62: {  	[spmem:s3] =	stream.indirect.scatter.add.f32 [tilespmem:s12], [sflag:$0x2], $0x80, s14, s15, $0xb8;
	[tilespmem:$0x16180] =	vst v63  }
.Ltmp7:
0x63: {  	_ =	swait.ge [sflag:s13], $0x2800;
	(pc) =	sbr.rel @p0 .LBB2_13-.Ltmp7, $3  }
0x64: {  	[sflag:s13] =	ssyncset.done $0x0  }
0x65: {  	[sflag:s13] =	ssyncadd.s32 $0xFFFFD800  }
0x66: {  	[bflag:$0x0] =	sbarrier.arrive $0xFFFF;
	_ =	sdelay $0x1  }
0x67: {  	[tilespmem:s12], [sflag:$0x2] =	stream.linear.gather [spmem:s8], $0x2800, $0x38;
	[tilespmem:$0x16180] =	vst v63  }
0x68: {  	p1 =	sne.s32 s7, $0x1;
	_ =	swait.ge [sflag:s13], $0x2800  }
.Ltmp8:
0x69: {  	s18 =	sshrl.u32 s11, $0x3;
	[sflag:s13] =	ssyncset.done $0x0;
	(pc) =	sbr.rel @!p1 .LBB2_12-.Ltmp8, $4  }
0x6a: {  	s18 =	sadd.s32 s5, s18;
	[sflag:s13] =	ssyncadd.s32 $0xFFFFD800  }
0x6b: {  	[hbm4b:s18+s4] =	stream.linear.scatter [tilespmem:s12], [sflag:$0x2], $0x2800, $0x38;
	[tilespmem:$0x16180] =	vst v63  }
0x6c: {  	s19 =	smov.u32 s11;
	_ =	swait.ge [sflag:s13], $0x2800  }
0x6d: {  	s20 =	smov.u32 s8;
	s18 =	sadd.s32 $0xFFFFFFFF, s7;
	[sflag:s13] =	ssyncset.done $0x0  }
.LBB2_11:
0x6e: {  	[sflag:s13] =	ssyncadd.s32 $0xFFFFD800;
	s19 =	sadd.s32 $0x2800, s19;
	s20 =	sadd.s32 $0x2800, s20  }
0x6f: {  	[tilespmem:s12], [sflag:$0x2] =	stream.linear.gather [spmem:s20], $0x2800, $0x38;
	[tilespmem:$0x16180] =	vst v63  }
0x70: {  	p1 =	sne.s32 s18, $0x1;
	s18 =	sadd.s32 $0xFFFFFFFF, s18;
	_ =	swait.ge [sflag:s13], $0x2800  }
.Ltmp9:
0x71: {  	s21 =	sshrl.u32 s19, $0x3;
	[sflag:s13] =	ssyncset.done $0x0;
	(pc) =	sbr.rel @p1 .LBB2_11-.Ltmp9, $4  }
0x72: {  	s21 =	sadd.s32 s5, s21;
	[sflag:s13] =	ssyncadd.s32 $0xFFFFD800  }
0x73: {  	[hbm4b:s21+s4] =	stream.linear.scatter [tilespmem:s12], [sflag:$0x2], $0x2800, $0x38;
	[tilespmem:$0x16180] =	vst v63  }
0x74: {  	_ =	swait.ge [sflag:s13], $0x2800  }
0x75: {  	[sflag:s13] =	ssyncset.done $0x0  }
.Ltmp10:
0x76: {  	_ = 	snop;
	(pc) =	sbr.rel .LBB2_12-.Ltmp10, $1  }
0x77: {  	_ =	sdelay $0x3  }
.LBB2_14:
0x78: {  	_ =	sfence.sel $0x180000  }
0x79: {  	[bflag:$0x0] =	sbarrier.arrive $0xFFFF  }
0x7a: {  	p0 =	sne.s32 s1, $0x0;
	_ =	strace $0x90000047  }
0x7b: {  	s0 =	sadd.s32 @!p0 $0x100000, s0;
	[bflag:$0x2] =	sbarrier.arrive $0xFFFF  }
0x7c: {  	[sflag:s0] =	ssyncadd.tile.s32 @!p0 $0x1;
	_ =	shalt  }
.Lfunc_end2:
_tile_overlayer_lowered:
.L_overlay_start_2:
0x7d: {  	(tag) =	ssettag $0x2  }
0x7e: {  	s0 =	rddreg [dreg:$0x0];
	s2 =	stileid.u32  }
0x7f: {  	s1 =	rddreg [dreg:$0x1];
	p0 =	sne.s32 s2, $0x0  }
0x80: {  	s3 =	rddreg [dreg:$0x2];
	[bflag:$0x3] =	sbarrier.arrive $0xFFFF;
	s2 =	simm.s32 @!p0 $0x1C02  }
0x81: {  	[timem:s3], [sflag:s2] =	dma.local @!p0 [hbm:s0], s1  }
0x82: {  	s0 =	simm.s32 @!p0 $0x2  }
0x83: {  	_ =	swait.ge @!p0 [sflag:s0], s1  }
0x84: {  	s1 =	ssub.s32 @!p0 $0x0, s1;
	[sflag:s0] =	ssyncset.done @!p0 $0x0  }
0x85: {  	[sflag:s0] =	ssyncadd.s32 @!p0 s1  }
0x86: {  	[bflag:$0x3] =	sbarrier.arrive $0xFFFF  }
0x87: {  	_ =	shalt  }

// kernel: kernel.14.cloned.1.call-start
scs
__scs_entry_jumppad:
0x0: {  	(pc) =	sbr.rel $0x88, $3  }
0x1: {  	(tag) =	ssettag $0x0;
	lr =	simm.s32 $0x1  }
0x2: {  	[smem:$0x3F96] =	sst lr;
	_ =	strace $0xD0000000  }
0x3: {  	_ = 	snop  }
0x4: {  	_ = 	snop  }
0x5: {  	_ = 	snop  }
0x6: {  	_ = 	snop  }
0x7: {  	_ = 	snop  }
__scs_overlays_trampoline_lowered:
0x8: {  	[smem:$0x3FA5] =	sst s0  }
0x9: {  	[smem:$0x3FA6] =	sst s1  }
0xa: {  	[smem:$0x3FA7] =	sst s2  }
0xb: {  	[smem:$0x3FA8] =	sst s3  }
0xc: {  	[smem:$0x3FA9] =	sst s4  }
0xd: {  	[smem:$0x3FAA] =	sst s5  }
0xe: {  	[smem:$0x3FAB] =	sst s6  }
0xf: {  	[smem:$0x3FAC] =	sst s7  }
0x10: {  	[smem:$0x3FAD] =	sst s8  }
0x11: {  	[smem:$0x3FAE] =	sst s9;
	s0 =	simm.s32 @!p0 $0x0  }
0x12: {  	s1 =	sld [smem:$0x3F94];
	s0 =	simm.s32 @p0 $0x1  }
0x13: {  	[smem:$0x3FAF] =	sst s0;
	s0 =	simm.s32 @!p1 $0x0  }
0x14: {  	s2 =	sld [smem:$0x3F93];
	s0 =	simm.s32 @p1 $0x1  }
0x15: {  	[smem:$0x3FB0] =	sst s0;
	s0 =	simm.s32 @!p2 $0x0  }
0x16: {  	s3 =	sld [smem:$0x3FDB];
	s0 =	simm.s32 @p2 $0x1  }
0x17: {  	s4 =	simm.s32 $0x1BF5;
	[smem:$0x3FB2] =	sst s0  }
0x18: {  	s0 =	sld [smem:$0x3F95];
	_ =	swait.ge [sflag:s4], $0x0  }
0x19: {  	s7 =	sld [smem:$0x3F96]  }
0x1a: {  	s8 =	sadd.s32 $0xFFFFE003, lr  }
0x1b: {  	s9 =	sadd.s32 $0xFFFFFEF7, lr;
	s5 =	simm.s32 $0xFFFFFFFF;
	p2 =	slt.u32 s8, $0xFFFFF086  }
0x1c: {  	p1 =	slt.u32 s9, $0xF7A;
	s5 =	simm.s32 @!p2 $0x0  }
0x1d: {  	s5 =	simm.s32 @p1 $0x1;
	p0 =	seq.s32 s7, s2  }
0x1e: {  	s7 =	smul.u32 @!p0 $0xF7A, s2;
	p2 =	seq.s32 @!p0 s5, $0x0  }
0x1f: {  	s9 =	smul.u32 $0xF7A, s1;
	s8 =	simm.s32 @!p0 $0x1BF5;
	p2 =	por !p2, p0  }
0x20: {  	[sflag:s8] =	ssyncset.s32 @!p0 $0xFFFFF086;
	s6 =	sadd.s32 @!p0 s3, s7;
	s7 =	simm.s32 @!p0 $0x108  }
0x21: {  	s3 =	sadd.s32 s3, s9;
	s6 =	sadd.s32 @!p0 $0x88, s6;
	s7 =	simm.s32 @p2 $0x1082  }
0x22: {  	[simem:s7], [sflag:s8] =	dma.local @!p0 [hbm:s6], $0xF7A  }
0x23: {  	s9 =	sor.u32 $0xD0000000, s2;
	s6 =	simm.s32 $0x108;
	_ =	swait.ge @!p0 [sflag:s8], $0x0  }
0x24: {  	s3 =	sadd.s32 $0x88, s3;
	s6 =	simm.s32 @!p1 $0x1082;
	[sflag:s4] =	ssyncset.s32 $0xFFFFF086  }
0x25: {  	[simem:s6], [sflag:s4] =	dma.local [hbm:s3], $0xF7A  }
0x26: {  	[smem:$0x3F96] =	sst s1;
	(tag) =	ssettag s2;
	_ =	strace s9  }
0x27: {  	s1 =	sld [smem:$0x3FA6]  }
0x28: {  	s2 =	sld [smem:$0x3FA7]  }
0x29: {  	s4 =	sld [smem:$0x3FA9]  }
0x2a: {  	p0 =	seq.s32 s5, $0x0;
	s5 =	sld [smem:$0x3FAA]  }
0x2b: {  	s6 =	sld [smem:$0x3FAB]  }
0x2c: {  	s7 =	sld [smem:$0x3FAC]  }
0x2d: {  	s3 =	simm.s32 $0x108;
	s8 =	sld [smem:$0x3FAD]  }
0x2e: {  	s3 =	simm.s32 @!p0 $0x1082;
	s9 =	sld [smem:$0x3FAE]  }
0x2f: {  	lr =	sadd.s32 s0, s3;
	s0 =	sld [smem:$0x3FA5]  }
0x30: {  	s3 =	sld [smem:$0x3FA8]  }
0x31: {  	[smem:$0x3FB1] =	sst s10  }
0x32: {  	s10 =	sld [smem:$0x3FAF];
	_ =	sdelay $0x3  }
0x33: {  	p0 =	seq.s32 s10, $0x1;
	s10 =	sld [smem:$0x3FB1];
	_ =	sdelay $0x3  }
0x34: {  	[smem:$0x3FB1] =	sst s10  }
0x35: {  	s10 =	sld [smem:$0x3FB0];
	_ =	sdelay $0x3  }
0x36: {  	p1 =	seq.s32 s10, $0x1;
	s10 =	sld [smem:$0x3FB1];
	_ =	sdelay $0x3  }
0x37: {  	[smem:$0x3FB1] =	sst s10  }
0x38: {  	s10 =	sld [smem:$0x3FB2]  }
0x39: {  	_ = 	snop;
	(pc) =	sbr.ind lr, $3  }
0x3a: {  	_ = 	snop  }
0x3b: {  	_ = 	snop  }
0x3c: {  	p2 =	seq.s32 s10, $0x1;
	s10 =	sld [smem:$0x3FB1]  }
0x3d: {  	_ =	shalt  }
0x3e: {  	_ =	shalt  }
0x3f: {  	_ =	shalt  }
0x40: {  	_ =	shalt  }
0x41: {  	_ =	shalt  }
0x42: {  	_ =	shalt  }
0x43: {  	_ =	shalt  }
0x44: {  	_ =	shalt  }
0x45: {  	_ =	shalt  }
0x46: {  	_ =	shalt  }
0x47: {  	_ =	shalt  }
0x48: {  	_ =	shalt  }
0x49: {  	_ =	shalt  }
0x4a: {  	_ =	shalt  }
0x4b: {  	_ =	shalt  }
0x4c: {  	_ =	shalt  }
0x4d: {  	_ =	shalt  }
0x4e: {  	_ =	shalt  }
0x4f: {  	_ =	shalt  }
0x50: {  	_ =	shalt  }
0x51: {  	_ =	shalt  }
0x52: {  	_ =	shalt  }
0x53: {  	_ =	shalt  }
0x54: {  	_ =	shalt  }
0x55: {  	_ =	shalt  }
0x56: {  	_ =	shalt  }
0x57: {  	_ =	shalt  }
0x58: {  	_ =	shalt  }
0x59: {  	_ =	shalt  }
0x5a: {  	_ =	shalt  }
0x5b: {  	_ =	shalt  }
0x5c: {  	_ =	shalt  }
0x5d: {  	_ =	shalt  }
0x5e: {  	_ =	shalt  }
0x5f: {  	_ =	shalt  }
0x60: {  	_ =	shalt  }
0x61: {  	_ =	shalt  }
0x62: {  	_ =	shalt  }
0x63: {  	_ =	shalt  }
0x64: {  	_ =	shalt  }
0x65: {  	_ =	shalt  }
0x66: {  	_ =	shalt  }
0x67: {  	_ =	shalt  }
0x68: {  	_ =	shalt  }
0x69: {  	_ =	shalt  }
0x6a: {  	_ =	shalt  }
0x6b: {  	_ =	shalt  }
0x6c: {  	_ =	shalt  }
0x6d: {  	_ =	shalt  }
0x6e: {  	_ =	shalt  }
0x6f: {  	_ =	shalt  }
0x70: {  	_ =	shalt  }
0x71: {  	_ =	shalt  }
0x72: {  	_ =	shalt  }
0x73: {  	_ =	shalt  }
0x74: {  	_ =	shalt  }
0x75: {  	_ =	shalt  }
0x76: {  	_ =	shalt  }
0x77: {  	_ =	shalt  }
0x78: {  	_ =	shalt  }
0x79: {  	_ =	shalt  }
0x7a: {  	_ =	shalt  }
0x7b: {  	_ =	shalt  }
0x7c: {  	_ =	shalt  }
0x7d: {  	_ =	shalt  }
0x7e: {  	_ =	shalt  }
0x7f: {  	_ =	shalt  }
0x80: {  	_ =	shalt  }
0x81: {  	_ =	shalt  }
0x82: {  	_ =	shalt  }
0x83: {  	_ =	shalt  }
0x84: {  	_ =	shalt  }
0x85: {  	_ =	shalt  }
0x86: {  	_ =	shalt  }
0x87: {  	_ =	shalt  }
.Lfunc_end0:
.L_simem_size_0:
called_computation.2_lowered:
.L_overlay_start_0:
0x88: {  	s2 =	sld [smem:$0x3FD9]  }
0x89: {  	s3 =	sld [smem:$0x3FFE];
	_ =	sdelay $0x1  }
0x8a: {  	s1 =	srdreg.scid  }
0x8b: {  	s0 =	sand.u32 $0x1, s1  }
0x8c: {  	s17 =	sshll.u32 s0, $0xA;
	s2 =	sadd.s32 s3, s2  }
0x8d: {  	s2 =	sadd.s32 s2, s17  }
0x8e: {  	[smem:$0x3FBD] =	sst s2  }
0x8f: {  	_ = 	snop  }
0x90: {  	(tm) =	ssettm $0x1  }
0x91: {  	s18 =	sld [smem:$0x3FFB];
	_ =	sdelay $0x3  }
0x92: {  	_ =	strace s18  }
0x93: {  	s2 =	sld [smem:$0x3FFC];
	_ =	sdelay $0x3  }
0x94: {  	_ =	strace s2  }
0x95: {  	s2 =	sld [smem:$0x3FFD];
	_ =	sdelay $0x3  }
0x96: {  	_ =	strace s2  }
0x97: {  	_ =	strace $0x8FFFFFFF  }
0x98: {  	s19 =	sld [smem:$0x3FDB];
	_ =	sdelay $0x1  }
0x99: {  	s20 =	simm.s32 $_scs_section_size  }
0x9a: {  	s4 =	simm.s32 $_size__tile_overlayer_lowered;
	s5 =	simm.s32 $_tile_overlayer_lowered  }
0x9b: {  	s6 =	simm.s32 $0x1BFF;
	s21 =	sshll.u32 s5, $0x1;
	s3 =	sadd.s32 s20, s19  }
0x9c: {  	s22 =	simm.s32 $0x0;
	s4 =	sshll.u32 s4, $0x1;
	s5 =	sadd.s32 s21, s3  }
0x9d: {  	[timem:s22], [sflag:s6] =	dma.local [hbm:s5], s4  }
0x9e: {  	_ =	swait.ge [sflag:s6], s4  }
0x9f: {  	s4 =	ssub.s32 $0x0, s4;
	[sflag:s6] =	ssyncset.done $0x0  }
0xa0: {  	[sflag:s6] =	ssyncadd.s32 s4;
	_ =	sdelay $0x1  }
0xa1: {  	s23 =	simm.s32 $0x1B8B  }
0xa2: {  	_ =	swait.ge [sflag:s23], $0x1  }
0xa3: {  	[sflag:s23] =	ssyncset.done $0x0  }
0xa4: {  	[sflag:s23] =	ssyncadd.s32 $0xFFFFFFFF  }
0xa5: {  	s4 =	sld [smem:$0x0]  }
0xa6: {  	s5 =	sand.u32 $0xFFFFFFFE, s1  }
0xa7: {  	p0 =	sne.s32 s1, s5  }
0xa8: {  	s5 =	sshll.u32 @p0 s5, $0xE  }
0xa9: {  	s5 =	sadd.s32 @p0 $0x11B8D, s5;
	s6 =	sshll.u32 @p0 s4, $0x11  }
0xaa: {  	s5 =	sor.u32 @p0 s6, s5  }
0xab: {  	[sflag:s5] =	ssyncadd.remote.s32 @p0 $0x1;
	_ =	sdelay $0x1  }
0xac: {  	s5 =	simm.s32 @p0 $0x1B8D  }
0xad: {  	_ =	swait.eq @p0 [sflag:s5], $0x1  }
0xae: {  	[sflag:s5] =	ssyncadd.s32 @p0 $0xFFFFFFFF  }
0xaf: {  	s6 =	sshll.u32 @!p0 s1, $0xE  }
0xb0: {  	s6 =	sor.u32 @!p0 $0x4000, s6;
	s5 =	simm.s32 @!p0 $0x1B8D  }
0xb1: {  	s4 =	sshll.u32 @!p0 s4, $0x11;
	s6 =	sadd.s32 @!p0 $0x11B8D, s6;
	_ =	swait.eq @!p0 [sflag:s5], $0x1  }
0xb2: {  	s4 =	sor.u32 @!p0 s4, s6;
	[sflag:s5] =	ssyncadd.s32 @!p0 $0xFFFFFFFF  }
0xb3: {  	s25 =	simm.s32 $0x1B8E;
	s24 =	sld [smem:$0x3FFE];
	[sflag:s4] =	ssyncadd.remote.s32 @!p0 $0x1  }
0xb4: {  	s26 =	simm.s32 $execute0_lowered;
	[smem:$0x3FD2] =	sst s25  }
0xb5: {  	s5 =	sshll.u32 s26, $0x1;
	_ =	strace $0x8000004F;
	[dreg:$0x1] =	wrdreg $0xFFFFFFFF  }
0xb6: {  	s28 =	simm.s32 $_size_execute0_lowered;
	s3 =	sadd.s32 s3, s5;
	[dreg:$0x0] =	wrdreg $0x0  }
0xb7: {  	s5 =	sshll.u32 s28, $0x1;
	[dreg:$0x2] =	wrdreg s3  }
0xb8: {  	[dreg:$0x3] =	wrdreg s5  }
0xb9: {  	[dreg:$0x4] =	wrdreg $0xC0  }
0xba: {  	_ =	task [dreg:s22], $0x5FFFF  }
0xbb: {  	[dreg:$0x1] =	wrdreg $0xFFFFFFFF  }
0xbc: {  	[dreg:$0x0] =	wrdreg $0x60  }
0xbd: {  	[dreg:$0x2] =	wrdreg s24  }
0xbe: {  	[dreg:$0x3] =	wrdreg $0x29000  }
0xbf: {  	[dreg:$0x4] =	wrdreg $0xA  }
0xc0: {  	_ =	task.clear_ibuf [dreg:s22], $0x5FFFF;
	_ =	strace $0x9000004F  }
0xc1: {  	s29 =	simm.s32 $0xA;
	_ =	strace $0x80000051  }
0xc2: {  	_ =	swait.ge [sflag:s29], $0x1  }
0xc3: {  	[sflag:s29] =	ssyncadd.s32 $0xFFFFFFFF  }
0xc4: {  	_ =	strace $0x90000051  }
0xc5: {  	_ =	sfence  }
0xc6: {  	s30 =	sld [smem:$0x0];
	_ =	sdelay $0x2  }
0xc7: {  	s31 =	sshll.u32 s1, $0xD;
	s1 =	sshrl.u32 s1, $0x2  }
0xc8: {  	s4 =	sand.u32 $0x4000, s31;
	s1 =	sadd.s32 s1, s30  }
0xc9: {  	s0 =	sor.u32 s4, s0;
	s1 =	sshll.u32 s1, $0x11  }
0xca: {  	s0 =	sor.u32 s1, s0  }
0xcb: {  	s0 =	sadd.s32 $0x8F2B, s0  }
0xcc: {  	[sflag:s0] =	ssyncadd.remote.s32 $0x1  }
0xcd: {  	_ =	sfence.sel $0xFFFF  }
0xce: {  	[dreg:$0x0] =	wrdreg $0xFFFFFFFF;
	(pc) =	sbr.abs _section_cstart, $3  }
0xcf: {  	[dreg:$0x1] =	wrdreg $0xFFFFFFFF  }
0xd0: {  	_ =	task.clear_ibuf [dreg:s22], $0x2FFFF;
	_ =	strace $0x9FFFFFFF  }
0xd1: {  	(tm) =	ssettm $0x7FFFFFFF  }
tec
execute0_lowered:
.L_overlay_start_1:
0x0: {  	(tag) =	ssettag $0x1  }
0x1: {  	s5 =	rddreg [dreg:$0x0]  }
0x2: {  	s2 =	rddreg [dreg:$0x1]  }
0x3: {  	s0 =	rddreg [dreg:$0x2];
	s3 =	simm.s32 $0x0  }
0x4: {  	s1 =	stileid.u32;
	s7 =	srdreg.scid;
	s17 =	simm.s32 $0x0  }
0x5: {  	[smem:$0x7FF] =	sst s3;
	s6 =	smul.u32 $0x7D, s1;
	s4 =	sadd.s32 $0x3200, s5  }
0x6: {  	s7 =	sand.u32 $0x1, s7;
	s10 =	sadd.s32 $0xB3000, s5;
	s13 =	smul.u32 $0x4E20, s1  }
0x7: {  	s5 =	sadd.s32 $0x2A400, s5;
	_ =	strace $0x80000050;
	s28 =	smul.u32 $0x2710, s7  }
0x8: {  	s8 =	ssub.s32 $0x2, s7;
	s15 =	smul.u32 $0x138800, s7;
	s12 =	sshrl.u32 s6, $0x4  }
0x9: {  	s11 =	sshrl.u32 s8, $0x1;
	s6 =	sadd.s32 $0x7D, s6;
	s9 =	smul.u32 $0xA000, s12  }
0xa: {  	s8 =	ssub.s32 s8, s11;
	s14 =	sshrl.u32 s6, $0x4;
	s30 =	sadd.s32 s28, s13  }
0xb: {  	s16 =	smul.u32 $0x2800, s12;
	s6 =	smax.u32 s8, $0x1;
	s7 =	ssub.s32 s14, s12  }
.Ltmp0:
0xc: {  	s11 =	sshrl.u32 s30, $0x3;
	s13 =	sadd.s32 $0x4E200, s30;
	(pc) =	sbr.rel .LBB2_1-.Ltmp0, $4  }
0xd: {  	p0 =	sle.u32 s14, s12;
	s12 =	simm.s32 $0x100;
	s14 =	simm.s32 $0x80  }
0xe: {  	s29 =	sshrl.u32 s9, $0x2;
	s9 =	sadd.s32 s11, s10;
	s31 =	sshrl.u32 s13, $0x3  }
0xf: {  	s11 =	sadd.s32 s16, s15;
	s13 =	simm.s32 $0x2;
	s15 =	simm.s32 $0x50  }
0x10: {  	v0 =	vimm.f32 $0.0e+00;
	s16 =	simm.s32 $0x1;
	s8 =	sadd.s32 s29, s2;
	s10 =	sadd.s32 s31, s10  }
.LBB2_12:
0x11: {  	[sflag:s13] =	ssyncadd.s32 $0xFFFFD800  }
.LBB2_13:
0x12: {  	s17 =	sadd.s32 $0x1, s17  }
0x13: {  	p1 =	sne.s32 s17, s6  }
.Ltmp1:
0x14: {  	_ = 	snop;
	(pc) =	sbr.rel @!p1 .LBB2_14-.Ltmp1, $1  }
0x15: {  	_ =	sdelay $0x3  }
.LBB2_1:
0x16: {  	s18 =	simm.s32 $0x0;
	s19 =	simm.s32 $0x200  }
.LBB2_2:
0x17: {  	p1 =	sne.s32 s19, $0x9E00;
	[tilespmem:s18+$0x170] =	vst v0  }
0x18: {  	[tilespmem:s18+$0x100] =	vst v0  }
0x19: {  	[tilespmem:s18+$0x110] =	vst v0  }
.Ltmp2:
0x1a: {  	[tilespmem:s18+$0x120] =	vst v0;
	(pc) =	sbr.rel @p1 .LBB2_2-.Ltmp2, $4  }
0x1b: {  	[tilespmem:s18+$0x130] =	vst v0  }
0x1c: {  	[tilespmem:s18+$0x140] =	vst v0  }
0x1d: {  	[tilespmem:s18+$0x150] =	vst v0  }
0x1e: {  	[tilespmem:s18+$0x160] =	vst v0;
	s18 =	sshra.s32 s19, $0x2;
	s19 =	sadd.s32 $0x200, s19  }
0x1f: {  	[tilespmem:s18+$0x170] =	vst v0  }
0x20: {  	[tilespmem:s18+$0x100] =	vst v0  }
0x21: {  	[tilespmem:s18+$0x110] =	vst v0  }
.Ltmp3:
0x22: {  	[tilespmem:s18+$0x120] =	vst v0;
	(pc) =	sbr.rel @p0 .LBB2_7-.Ltmp3, $4  }
0x23: {  	[tilespmem:s18+$0x130] =	vst v0  }
0x24: {  	[tilespmem:s18+$0x140] =	vst v0  }
0x25: {  	[tilespmem:s18+$0x150] =	vst v0  }
0x26: {  	[tilespmem:s18+$0x160] =	vst v0  }
0x27: {  	p1 =	sne.s32 s7, $0x1  }
.Ltmp4:
0x28: {  	_ = 	snop;
	(pc) =	sbr.rel @!p1 .LBB2_6-.Ltmp4, $4  }
0x29: {  	_ = 	snop  }
0x2a: {  	[spmem:s8] =	stream.linear.scatter [tilespmem:s12], [sflag:$0x2], $0x2800, $0x38;
	[tilespmem:$0x16180] =	vst v63  }
0x2b: {  	_ =	swait.ge [sflag:s13], $0x2800  }
0x2c: {  	s18 =	sadd.s32 $0xFFFFFFFF, s7;
	s19 =	smov.u32 s8;
	[sflag:s13] =	ssyncset.done $0x0  }
.LBB2_5:
0x2d: {  	p1 =	sne.s32 s18, $0x1;
	[sflag:s13] =	ssyncadd.s32 $0xFFFFD800;
	s19 =	sadd.s32 $0x2800, s19  }
.Ltmp5:
0x2e: {  	s18 =	sadd.s32 $0xFFFFFFFF, s18;
	(pc) =	sbr.rel @p1 .LBB2_5-.Ltmp5, $4  }
0x2f: {  	_ = 	snop  }
0x30: {  	[spmem:s19] =	stream.linear.scatter [tilespmem:s12], [sflag:$0x2], $0x2800, $0x38;
	[tilespmem:$0x16180] =	vst v63  }
0x31: {  	_ =	swait.ge [sflag:s13], $0x2800  }
0x32: {  	[sflag:s13] =	ssyncset.done $0x0  }
.LBB2_6:
0x33: {  	[sflag:s13] =	ssyncadd.s32 $0xFFFFD800  }
.LBB2_7:
0x34: {  	[bflag:$0x0] =	sbarrier.arrive $0xFFFF;
	s18 =	sadd.s32 $0x0, s9  }
0x35: {  	[tilespmem:s3], [sflag:$0x2] =	stream.linear.gather [hbm4b:s18+s3], $0x50, $0x38;
	[tilespmem:$0x16180] =	vst v63  }
0x36: {  	_ =	swait.ge [sflag:s13], $0x50  }
0x37: {  	[sflag:s13] =	ssyncset.done $0x0  }
0x38: {  	s31 =	sadd.s32 $0x0, s10;
	[sflag:s13] =	ssyncadd.s32 $0xFFFFFFB0  }
0x39: {  	[tilespmem:s14], [sflag:$0x2] =	stream.linear.gather [hbm4b:s31+s3], $0x50, $0x38;
	[tilespmem:$0x16180] =	vst v63  }
0x3a: {  	_ =	swait.ge [sflag:s13], $0x50  }
0x3b: {  	[sflag:s13] =	ssyncset.done $0x0  }
0x3c: {  	[sflag:s13] =	ssyncadd.s32 $0xFFFFFFB0  }
0x3d: {  	[tilespmem:s12], [sflag:$0x1] =	stream.indirect.gather [hbm4b:s4+s15], $0x80, s3, s15, $0xb8;
	[tilespmem:$0x16180] =	vst v63  }
0x3e: {  	_ =	swait.ge [sflag:s16], $0x2800  }
0x3f: {  	[sflag:s16] =	ssyncset.done $0x0  }
0x40: {  	[sflag:s16] =	ssyncadd.s32 $0xFFFFD800  }
0x41: {  	[spmem:s2] =	stream.indirect.scatter.add.f32 [tilespmem:s12], [sflag:$0x2], $0x80, s14, s15, $0xb8;
	[tilespmem:$0x16180] =	vst v63  }
0x42: {  	_ =	swait.ge [sflag:s13], $0x2800  }
0x43: {  	s19 =	simm.s32 $0x14;
	s18 =	simm.s32 $0xA;
	[sflag:s13] =	ssyncset.done $0x0  }
.LBB2_8:
0x44: {  	s20 =	sadd.s32 s18, s9  }
0x45: {  	[sflag:s13] =	ssyncadd.s32 $0xFFFFD800;
	s21 =	smov.u32 s19;
	s22 =	sadd.s32 $0xA, s19  }
0x46: {  	[tilespmem:s3], [sflag:$0x2] =	stream.linear.gather [hbm4b:s20+s3], $0x50, $0x38;
	[tilespmem:$0x16180] =	vst v63  }
0x47: {  	p1 =	sne.s32 s19, $0x4D8;
	_ =	swait.ge [sflag:s13], $0x50  }
0x48: {  	[sflag:s13] =	ssyncset.done $0x0  }
0x49: {  	s19 =	sadd.s32 s18, s10;
	s18 =	smov.u32 s21;
	[sflag:s13] =	ssyncadd.s32 $0xFFFFFFB0  }
0x4a: {  	[tilespmem:s14], [sflag:$0x2] =	stream.linear.gather [hbm4b:s19+s3], $0x50, $0x38;
	[tilespmem:$0x16180] =	vst v63  }
0x4b: {  	_ =	swait.ge [sflag:s13], $0x50  }
0x4c: {  	[sflag:s13] =	ssyncset.done $0x0  }
0x4d: {  	[sflag:s13] =	ssyncadd.s32 $0xFFFFFFB0  }
0x4e: {  	[tilespmem:s12], [sflag:$0x1] =	stream.indirect.gather [hbm4b:s4+s15], $0x80, s3, s15, $0xb8;
	[tilespmem:$0x16180] =	vst v63  }
0x4f: {  	_ =	swait.ge [sflag:s16], $0x2800  }
.Ltmp6:
0x50: {  	[sflag:s16] =	ssyncset.done $0x0;
	(pc) =	sbr.rel @p1 .LBB2_8-.Ltmp6, $4  }
0x51: {  	[sflag:s16] =	ssyncadd.s32 $0xFFFFD800  }
0x52: {  	[spmem:s2] =	stream.indirect.scatter.add.f32 [tilespmem:s12], [sflag:$0x2], $0x80, s14, s15, $0xb8;
	[tilespmem:$0x16180] =	vst v63  }
0x53: {  	_ =	swait.ge [sflag:s13], $0x2800  }
0x54: {  	s19 =	smov.u32 s22;
	[sflag:s13] =	ssyncset.done $0x0  }
0x55: {  	s19 =	sadd.s32 s18, s9;
	[sflag:s13] =	ssyncadd.s32 $0xFFFFD800  }
0x56: {  	[tilespmem:s3], [sflag:$0x2] =	stream.linear.gather [hbm4b:s19+s3], $0x50, $0x38;
	[tilespmem:$0x16180] =	vst v63  }
0x57: {  	_ =	swait.ge [sflag:s13], $0x50  }
0x58: {  	[sflag:s13] =	ssyncset.done $0x0  }
0x59: {  	s31 =	sadd.s32 s18, s10;
	[sflag:s13] =	ssyncadd.s32 $0xFFFFFFB0  }
0x5a: {  	[tilespmem:s14], [sflag:$0x2] =	stream.linear.gather [hbm4b:s31+s3], $0x50, $0x38;
	[tilespmem:$0x16180] =	vst v63  }
0x5b: {  	_ =	swait.ge [sflag:s13], $0x50  }
0x5c: {  	[sflag:s13] =	ssyncset.done $0x0  }
0x5d: {  	[sflag:s13] =	ssyncadd.s32 $0xFFFFFFB0  }
0x5e: {  	[tilespmem:s12], [sflag:$0x1] =	stream.indirect.gather [hbm4b:s4+s15], $0x80, s3, s15, $0xb8;
	[tilespmem:$0x16180] =	vst v63  }
0x5f: {  	_ =	swait.ge [sflag:s16], $0x2800  }
0x60: {  	[sflag:s16] =	ssyncset.done $0x0  }
0x61: {  	[sflag:s16] =	ssyncadd.s32 $0xFFFFD800  }
0x62: {  	[spmem:s2] =	stream.indirect.scatter.add.f32 [tilespmem:s12], [sflag:$0x2], $0x80, s14, s15, $0xb8;
	[tilespmem:$0x16180] =	vst v63  }
.Ltmp7:
0x63: {  	_ =	swait.ge [sflag:s13], $0x2800;
	(pc) =	sbr.rel @p0 .LBB2_13-.Ltmp7, $3  }
0x64: {  	[sflag:s13] =	ssyncset.done $0x0  }
0x65: {  	[sflag:s13] =	ssyncadd.s32 $0xFFFFD800  }
0x66: {  	[bflag:$0x0] =	sbarrier.arrive $0xFFFF;
	_ =	sdelay $0x1  }
0x67: {  	[tilespmem:s12], [sflag:$0x2] =	stream.linear.gather [spmem:s8], $0x2800, $0x38;
	[tilespmem:$0x16180] =	vst v63  }
0x68: {  	p1 =	sne.s32 s7, $0x1;
	_ =	swait.ge [sflag:s13], $0x2800  }
.Ltmp8:
0x69: {  	s18 =	sshrl.u32 s11, $0x3;
	[sflag:s13] =	ssyncset.done $0x0;
	(pc) =	sbr.rel @!p1 .LBB2_12-.Ltmp8, $4  }
0x6a: {  	s18 =	sadd.s32 s5, s18;
	[sflag:s13] =	ssyncadd.s32 $0xFFFFD800  }
0x6b: {  	[hbm4b:s18+s3] =	stream.linear.scatter [tilespmem:s12], [sflag:$0x2], $0x2800, $0x38;
	[tilespmem:$0x16180] =	vst v63  }
0x6c: {  	s19 =	smov.u32 s11;
	_ =	swait.ge [sflag:s13], $0x2800  }
0x6d: {  	s20 =	smov.u32 s8;
	s18 =	sadd.s32 $0xFFFFFFFF, s7;
	[sflag:s13] =	ssyncset.done $0x0  }
.LBB2_11:
0x6e: {  	[sflag:s13] =	ssyncadd.s32 $0xFFFFD800;
	s19 =	sadd.s32 $0x2800, s19;
	s20 =	sadd.s32 $0x2800, s20  }
0x6f: {  	[tilespmem:s12], [sflag:$0x2] =	stream.linear.gather [spmem:s20], $0x2800, $0x38;
	[tilespmem:$0x16180] =	vst v63  }
0x70: {  	p1 =	sne.s32 s18, $0x1;
	s18 =	sadd.s32 $0xFFFFFFFF, s18;
	_ =	swait.ge [sflag:s13], $0x2800  }
.Ltmp9:
0x71: {  	s21 =	sshrl.u32 s19, $0x3;
	[sflag:s13] =	ssyncset.done $0x0;
	(pc) =	sbr.rel @p1 .LBB2_11-.Ltmp9, $4  }
0x72: {  	s21 =	sadd.s32 s5, s21;
	[sflag:s13] =	ssyncadd.s32 $0xFFFFD800  }
0x73: {  	[hbm4b:s21+s3] =	stream.linear.scatter [tilespmem:s12], [sflag:$0x2], $0x2800, $0x38;
	[tilespmem:$0x16180] =	vst v63  }
0x74: {  	_ =	swait.ge [sflag:s13], $0x2800  }
0x75: {  	[sflag:s13] =	ssyncset.done $0x0  }
.Ltmp10:
0x76: {  	_ = 	snop;
	(pc) =	sbr.rel .LBB2_12-.Ltmp10, $1  }
0x77: {  	_ =	sdelay $0x3  }
.LBB2_14:
0x78: {  	_ =	sfence.sel $0x180000  }
0x79: {  	[bflag:$0x0] =	sbarrier.arrive $0xFFFF  }
0x7a: {  	p0 =	sne.s32 s1, $0x0;
	_ =	strace $0x90000050  }
0x7b: {  	s0 =	sadd.s32 @!p0 $0x100000, s0;
	[bflag:$0x2] =	sbarrier.arrive $0xFFFF  }
0x7c: {  	[sflag:s0] =	ssyncadd.tile.s32 @!p0 $0x1;
	_ =	shalt  }
.Lfunc_end2:
_tile_overlayer_lowered:
.L_overlay_start_2:
0x7d: {  	(tag) =	ssettag $0x2  }
0x7e: {  	s0 =	rddreg [dreg:$0x0];
	s2 =	stileid.u32  }
0x7f: {  	s1 =	rddreg [dreg:$0x1];
	p0 =	sne.s32 s2, $0x0  }
0x80: {  	s3 =	rddreg [dreg:$0x2];
	[bflag:$0x3] =	sbarrier.arrive $0xFFFF;
	s2 =	simm.s32 @!p0 $0x1C02  }
0x81: {  	[timem:s3], [sflag:s2] =	dma.local @!p0 [hbm:s0], s1  }
0x82: {  	s0 =	simm.s32 @!p0 $0x2  }
0x83: {  	_ =	swait.ge @!p0 [sflag:s0], s1  }
0x84: {  	s1 =	ssub.s32 @!p0 $0x0, s1;
	[sflag:s0] =	ssyncset.done @!p0 $0x0  }
0x85: {  	[sflag:s0] =	ssyncadd.s32 @!p0 s1  }
0x86: {  	[bflag:$0x3] =	sbarrier.arrive $0xFFFF  }
0x87: {  	_ =	shalt  }

// kernel: kernel.17.cloned.1.call-start
scs
__scs_entry_jumppad:
0x0: {  	(pc) =	sbr.rel $0x88, $3  }
0x1: {  	(tag) =	ssettag $0x0;
	lr =	simm.s32 $0x1  }
0x2: {  	[smem:$0x3F96] =	sst lr;
	_ =	strace $0xD0000000  }
0x3: {  	_ = 	snop  }
0x4: {  	_ = 	snop  }
0x5: {  	_ = 	snop  }
0x6: {  	_ = 	snop  }
0x7: {  	_ = 	snop  }
__scs_overlays_trampoline_lowered:
0x8: {  	[smem:$0x3FA5] =	sst s0  }
0x9: {  	[smem:$0x3FA6] =	sst s1  }
0xa: {  	[smem:$0x3FA7] =	sst s2  }
0xb: {  	[smem:$0x3FA8] =	sst s3  }
0xc: {  	[smem:$0x3FA9] =	sst s4  }
0xd: {  	[smem:$0x3FAA] =	sst s5  }
0xe: {  	[smem:$0x3FAB] =	sst s6  }
0xf: {  	[smem:$0x3FAC] =	sst s7  }
0x10: {  	[smem:$0x3FAD] =	sst s8  }
0x11: {  	[smem:$0x3FAE] =	sst s9;
	s0 =	simm.s32 @!p0 $0x0  }
0x12: {  	s1 =	sld [smem:$0x3F94];
	s0 =	simm.s32 @p0 $0x1  }
0x13: {  	[smem:$0x3FAF] =	sst s0;
	s0 =	simm.s32 @!p1 $0x0  }
0x14: {  	s2 =	sld [smem:$0x3F93];
	s0 =	simm.s32 @p1 $0x1  }
0x15: {  	[smem:$0x3FB0] =	sst s0;
	s0 =	simm.s32 @!p2 $0x0  }
0x16: {  	s3 =	sld [smem:$0x3FDB];
	s0 =	simm.s32 @p2 $0x1  }
0x17: {  	s4 =	simm.s32 $0x1BF5;
	[smem:$0x3FB2] =	sst s0  }
0x18: {  	s0 =	sld [smem:$0x3F95];
	_ =	swait.ge [sflag:s4], $0x0  }
0x19: {  	s7 =	sld [smem:$0x3F96]  }
0x1a: {  	s8 =	sadd.s32 $0xFFFFE003, lr  }
0x1b: {  	s9 =	sadd.s32 $0xFFFFFEF7, lr;
	s5 =	simm.s32 $0xFFFFFFFF;
	p2 =	slt.u32 s8, $0xFFFFF086  }
0x1c: {  	p1 =	slt.u32 s9, $0xF7A;
	s5 =	simm.s32 @!p2 $0x0  }
0x1d: {  	s5 =	simm.s32 @p1 $0x1;
	p0 =	seq.s32 s7, s2  }
0x1e: {  	s7 =	smul.u32 @!p0 $0xF7A, s2;
	p2 =	seq.s32 @!p0 s5, $0x0  }
0x1f: {  	s9 =	smul.u32 $0xF7A, s1;
	s8 =	simm.s32 @!p0 $0x1BF5;
	p2 =	por !p2, p0  }
0x20: {  	[sflag:s8] =	ssyncset.s32 @!p0 $0xFFFFF086;
	s6 =	sadd.s32 @!p0 s3, s7;
	s7 =	simm.s32 @!p0 $0x108  }
0x21: {  	s3 =	sadd.s32 s3, s9;
	s6 =	sadd.s32 @!p0 $0x88, s6;
	s7 =	simm.s32 @p2 $0x1082  }
0x22: {  	[simem:s7], [sflag:s8] =	dma.local @!p0 [hbm:s6], $0xF7A  }
0x23: {  	s9 =	sor.u32 $0xD0000000, s2;
	s6 =	simm.s32 $0x108;
	_ =	swait.ge @!p0 [sflag:s8], $0x0  }
0x24: {  	s3 =	sadd.s32 $0x88, s3;
	s6 =	simm.s32 @!p1 $0x1082;
	[sflag:s4] =	ssyncset.s32 $0xFFFFF086  }
0x25: {  	[simem:s6], [sflag:s4] =	dma.local [hbm:s3], $0xF7A  }
0x26: {  	[smem:$0x3F96] =	sst s1;
	(tag) =	ssettag s2;
	_ =	strace s9  }
0x27: {  	s1 =	sld [smem:$0x3FA6]  }
0x28: {  	s2 =	sld [smem:$0x3FA7]  }
0x29: {  	s4 =	sld [smem:$0x3FA9]  }
0x2a: {  	p0 =	seq.s32 s5, $0x0;
	s5 =	sld [smem:$0x3FAA]  }
0x2b: {  	s6 =	sld [smem:$0x3FAB]  }
0x2c: {  	s7 =	sld [smem:$0x3FAC]  }
0x2d: {  	s3 =	simm.s32 $0x108;
	s8 =	sld [smem:$0x3FAD]  }
0x2e: {  	s3 =	simm.s32 @!p0 $0x1082;
	s9 =	sld [smem:$0x3FAE]  }
0x2f: {  	lr =	sadd.s32 s0, s3;
	s0 =	sld [smem:$0x3FA5]  }
0x30: {  	s3 =	sld [smem:$0x3FA8]  }
0x31: {  	[smem:$0x3FB1] =	sst s10  }
0x32: {  	s10 =	sld [smem:$0x3FAF];
	_ =	sdelay $0x3  }
0x33: {  	p0 =	seq.s32 s10, $0x1;
	s10 =	sld [smem:$0x3FB1];
	_ =	sdelay $0x3  }
0x34: {  	[smem:$0x3FB1] =	sst s10  }
0x35: {  	s10 =	sld [smem:$0x3FB0];
	_ =	sdelay $0x3  }
0x36: {  	p1 =	seq.s32 s10, $0x1;
	s10 =	sld [smem:$0x3FB1];
	_ =	sdelay $0x3  }
0x37: {  	[smem:$0x3FB1] =	sst s10  }
0x38: {  	s10 =	sld [smem:$0x3FB2]  }
0x39: {  	_ = 	snop;
	(pc) =	sbr.ind lr, $3  }
0x3a: {  	_ = 	snop  }
0x3b: {  	_ = 	snop  }
0x3c: {  	p2 =	seq.s32 s10, $0x1;
	s10 =	sld [smem:$0x3FB1]  }
0x3d: {  	_ =	shalt  }
0x3e: {  	_ =	shalt  }
0x3f: {  	_ =	shalt  }
0x40: {  	_ =	shalt  }
0x41: {  	_ =	shalt  }
0x42: {  	_ =	shalt  }
0x43: {  	_ =	shalt  }
0x44: {  	_ =	shalt  }
0x45: {  	_ =	shalt  }
0x46: {  	_ =	shalt  }
0x47: {  	_ =	shalt  }
0x48: {  	_ =	shalt  }
0x49: {  	_ =	shalt  }
0x4a: {  	_ =	shalt  }
0x4b: {  	_ =	shalt  }
0x4c: {  	_ =	shalt  }
0x4d: {  	_ =	shalt  }
0x4e: {  	_ =	shalt  }
0x4f: {  	_ =	shalt  }
0x50: {  	_ =	shalt  }
0x51: {  	_ =	shalt  }
0x52: {  	_ =	shalt  }
0x53: {  	_ =	shalt  }
0x54: {  	_ =	shalt  }
0x55: {  	_ =	shalt  }
0x56: {  	_ =	shalt  }
0x57: {  	_ =	shalt  }
0x58: {  	_ =	shalt  }
0x59: {  	_ =	shalt  }
0x5a: {  	_ =	shalt  }
0x5b: {  	_ =	shalt  }
0x5c: {  	_ =	shalt  }
0x5d: {  	_ =	shalt  }
0x5e: {  	_ =	shalt  }
0x5f: {  	_ =	shalt  }
0x60: {  	_ =	shalt  }
0x61: {  	_ =	shalt  }
0x62: {  	_ =	shalt  }
0x63: {  	_ =	shalt  }
0x64: {  	_ =	shalt  }
0x65: {  	_ =	shalt  }
0x66: {  	_ =	shalt  }
0x67: {  	_ =	shalt  }
0x68: {  	_ =	shalt  }
0x69: {  	_ =	shalt  }
0x6a: {  	_ =	shalt  }
0x6b: {  	_ =	shalt  }
0x6c: {  	_ =	shalt  }
0x6d: {  	_ =	shalt  }
0x6e: {  	_ =	shalt  }
0x6f: {  	_ =	shalt  }
0x70: {  	_ =	shalt  }
0x71: {  	_ =	shalt  }
0x72: {  	_ =	shalt  }
0x73: {  	_ =	shalt  }
0x74: {  	_ =	shalt  }
0x75: {  	_ =	shalt  }
0x76: {  	_ =	shalt  }
0x77: {  	_ =	shalt  }
0x78: {  	_ =	shalt  }
0x79: {  	_ =	shalt  }
0x7a: {  	_ =	shalt  }
0x7b: {  	_ =	shalt  }
0x7c: {  	_ =	shalt  }
0x7d: {  	_ =	shalt  }
0x7e: {  	_ =	shalt  }
0x7f: {  	_ =	shalt  }
0x80: {  	_ =	shalt  }
0x81: {  	_ =	shalt  }
0x82: {  	_ =	shalt  }
0x83: {  	_ =	shalt  }
0x84: {  	_ =	shalt  }
0x85: {  	_ =	shalt  }
0x86: {  	_ =	shalt  }
0x87: {  	_ =	shalt  }
.Lfunc_end0:
.L_simem_size_0:
called_computation.3_lowered:
.L_overlay_start_0:
0x88: {  	s2 =	sld [smem:$0x3FD9]  }
0x89: {  	s3 =	sld [smem:$0x3FFE];
	_ =	sdelay $0x1  }
0x8a: {  	s1 =	srdreg.scid  }
0x8b: {  	s0 =	sand.u32 $0x1, s1  }
0x8c: {  	s17 =	sshll.u32 s0, $0xA;
	s2 =	sadd.s32 s3, s2  }
0x8d: {  	s2 =	sadd.s32 s2, s17  }
0x8e: {  	[smem:$0x3FBD] =	sst s2  }
0x8f: {  	_ = 	snop  }
0x90: {  	s18 =	sld [smem:$0x3FD0];
	(tm) =	ssettm $0x1  }
0x91: {  	s19 =	sld [smem:$0x3FFB];
	_ =	sdelay $0x3  }
0x92: {  	_ =	strace s19  }
0x93: {  	s2 =	sld [smem:$0x3FFC];
	_ =	sdelay $0x3  }
0x94: {  	_ =	strace s2  }
0x95: {  	s2 =	sld [smem:$0x3FFD];
	_ =	sdelay $0x3  }
0x96: {  	_ =	strace s2  }
0x97: {  	_ =	strace $0x8FFFFFFF  }
0x98: {  	s20 =	sld [smem:$0x3FDB];
	_ =	sdelay $0x1  }
0x99: {  	s4 =	simm.s32 $_scs_section_size  }
0x9a: {  	s5 =	simm.s32 $_size__tile_overlayer_lowered;
	s6 =	simm.s32 $_tile_overlayer_lowered  }
0x9b: {  	s7 =	simm.s32 $0x1BFF;
	s21 =	sshll.u32 s6, $0x1;
	s4 =	sadd.s32 s4, s20  }
0x9c: {  	s22 =	simm.s32 $0x0;
	s5 =	sshll.u32 s5, $0x1;
	s6 =	sadd.s32 s21, s4  }
0x9d: {  	[timem:s22], [sflag:s7] =	dma.local [hbm:s6], s5  }
0x9e: {  	_ =	swait.ge [sflag:s7], s5  }
0x9f: {  	s5 =	ssub.s32 $0x0, s5;
	[sflag:s7] =	ssyncset.done $0x0  }
0xa0: {  	[sflag:s7] =	ssyncadd.s32 s5;
	_ =	sdelay $0x1  }
0xa1: {  	s23 =	simm.s32 $0x1B8B  }
0xa2: {  	_ =	swait.ge [sflag:s23], $0x1  }
0xa3: {  	[sflag:s23] =	ssyncset.done $0x0  }
0xa4: {  	[sflag:s23] =	ssyncadd.s32 $0xFFFFFFFF  }
0xa5: {  	s5 =	sld [smem:$0x0]  }
0xa6: {  	s6 =	sand.u32 $0xFFFFFFFE, s1  }
0xa7: {  	p0 =	sne.s32 s1, s6  }
0xa8: {  	s6 =	sshll.u32 @p0 s6, $0xE  }
0xa9: {  	s6 =	sadd.s32 @p0 $0x11B8D, s6;
	s7 =	sshll.u32 @p0 s5, $0x11  }
0xaa: {  	s6 =	sor.u32 @p0 s7, s6  }
0xab: {  	[sflag:s6] =	ssyncadd.remote.s32 @p0 $0x1;
	_ =	sdelay $0x1  }
0xac: {  	s6 =	simm.s32 @p0 $0x1B8D  }
0xad: {  	_ =	swait.eq @p0 [sflag:s6], $0x1  }
0xae: {  	[sflag:s6] =	ssyncadd.s32 @p0 $0xFFFFFFFF  }
0xaf: {  	s7 =	sshll.u32 @!p0 s1, $0xE  }
0xb0: {  	s7 =	sor.u32 @!p0 $0x4000, s7;
	s6 =	simm.s32 @!p0 $0x1B8D  }
0xb1: {  	s5 =	sshll.u32 @!p0 s5, $0x11;
	s7 =	sadd.s32 @!p0 $0x11B8D, s7;
	_ =	swait.eq @!p0 [sflag:s6], $0x1  }
0xb2: {  	s5 =	sor.u32 @!p0 s5, s7;
	[sflag:s6] =	ssyncadd.s32 @!p0 $0xFFFFFFFF  }
0xb3: {  	s25 =	simm.s32 $0x1B8E;
	s24 =	sld [smem:$0x3FFE];
	[sflag:s5] =	ssyncadd.remote.s32 @!p0 $0x1  }
0xb4: {  	s26 =	simm.s32 $execute0_lowered;
	[smem:$0x3FD2] =	sst s25  }
0xb5: {  	s6 =	sshll.u32 s26, $0x1;
	_ =	strace $0x8000004C;
	[dreg:$0x1] =	wrdreg $0xFFFFFFFF  }
0xb6: {  	s28 =	simm.s32 $_size_execute0_lowered;
	s4 =	sadd.s32 s4, s6;
	[dreg:$0x0] =	wrdreg $0x0  }
0xb7: {  	s6 =	sshll.u32 s28, $0x1;
	[dreg:$0x2] =	wrdreg s4  }
0xb8: {  	[dreg:$0x3] =	wrdreg s6  }
0xb9: {  	[dreg:$0x4] =	wrdreg $0xC0  }
0xba: {  	_ =	task [dreg:s22], $0x5FFFF  }
0xbb: {  	[dreg:$0x1] =	wrdreg $0xFFFFFFFF  }
0xbc: {  	[dreg:$0x0] =	wrdreg $0x60  }
0xbd: {  	[dreg:$0x2] =	wrdreg s18  }
0xbe: {  	[dreg:$0x3] =	wrdreg s24  }
0xbf: {  	[dreg:$0x4] =	wrdreg $0x29000  }
0xc0: {  	[dreg:$0x5] =	wrdreg $0x9  }
0xc1: {  	_ =	task.clear_ibuf [dreg:s22], $0x6FFFF;
	_ =	strace $0x9000004C  }
0xc2: {  	s29 =	simm.s32 $0x9;
	_ =	strace $0x8000004E  }
0xc3: {  	_ =	swait.ge [sflag:s29], $0x1  }
0xc4: {  	[sflag:s29] =	ssyncadd.s32 $0xFFFFFFFF  }
0xc5: {  	_ =	strace $0x9000004E  }
0xc6: {  	_ =	sfence  }
0xc7: {  	s30 =	sld [smem:$0x0];
	_ =	sdelay $0x2  }
0xc8: {  	s31 =	sshll.u32 s1, $0xD;
	s1 =	sshrl.u32 s1, $0x2  }
0xc9: {  	s4 =	sand.u32 $0x4000, s31;
	s1 =	sadd.s32 s1, s30  }
0xca: {  	s0 =	sor.u32 s4, s0;
	s1 =	sshll.u32 s1, $0x11  }
0xcb: {  	s0 =	sor.u32 s1, s0  }
0xcc: {  	s0 =	sadd.s32 $0x8F2B, s0  }
0xcd: {  	[sflag:s0] =	ssyncadd.remote.s32 $0x1  }
0xce: {  	_ =	sfence.sel $0xFFFF  }
0xcf: {  	[dreg:$0x0] =	wrdreg $0xFFFFFFFF;
	(pc) =	sbr.abs _section_cstart, $3  }
0xd0: {  	[dreg:$0x1] =	wrdreg $0xFFFFFFFF  }
0xd1: {  	_ =	task.clear_ibuf [dreg:s22], $0x2FFFF;
	_ =	strace $0x9FFFFFFF  }
0xd2: {  	(tm) =	ssettm $0x7FFFFFFF  }
0xd3: {  	_ =	shalt  }
tec
execute0_lowered:
.L_overlay_start_1:
0x0: {  	(tag) =	ssettag $0x1  }
0x1: {  	s2 =	rddreg [dreg:$0x0]  }
0x2: {  	s5 =	rddreg [dreg:$0x1]  }
0x3: {  	s3 =	rddreg [dreg:$0x2];
	s1 =	stileid.u32  }
0x4: {  	s0 =	rddreg [dreg:$0x3];
	s4 =	simm.s32 $0x0;
	s7 =	srdreg.scid  }
0x5: {  	s17 =	simm.s32 $0x0;
	s6 =	smul.u32 $0x7D, s1;
	[smem:$0x7FF] =	sst s4  }
0x6: {  	s7 =	sand.u32 $0x1, s7;
	s10 =	sadd.s32 $0xB3000, s5;
	s13 =	smul.u32 $0x4E20, s1  }
0x7: {  	s5 =	sadd.s32 $0xC6A00, s5;
	_ =	strace $0x8000004D;
	s28 =	smul.u32 $0x2710, s7  }
0x8: {  	s8 =	ssub.s32 $0x2, s7;
	s15 =	smul.u32 $0x138800, s7;
	s12 =	sshrl.u32 s6, $0x4  }
0x9: {  	s11 =	sshrl.u32 s8, $0x1;
	s6 =	sadd.s32 $0x7D, s6;
	s9 =	smul.u32 $0xA000, s12  }
0xa: {  	s8 =	ssub.s32 s8, s11;
	s14 =	sshrl.u32 s6, $0x4;
	s30 =	sadd.s32 s28, s13  }
0xb: {  	s16 =	smul.u32 $0x2800, s12;
	s6 =	smax.u32 s8, $0x1;
	s7 =	ssub.s32 s14, s12  }
.Ltmp0:
0xc: {  	s11 =	sshrl.u32 s30, $0x3;
	s13 =	sadd.s32 $0x4E200, s30;
	(pc) =	sbr.rel .LBB2_1-.Ltmp0, $4  }
0xd: {  	p0 =	sle.u32 s14, s12;
	s12 =	simm.s32 $0x100;
	s14 =	simm.s32 $0x80  }
0xe: {  	s29 =	sshrl.u32 s9, $0x2;
	s9 =	sadd.s32 s11, s10;
	s31 =	sshrl.u32 s13, $0x3  }
0xf: {  	s11 =	sadd.s32 s16, s15;
	s13 =	simm.s32 $0x2;
	s15 =	simm.s32 $0x50  }
0x10: {  	v0 =	vimm.f32 $0.0e+00;
	s16 =	simm.s32 $0x1;
	s8 =	sadd.s32 s29, s3;
	s10 =	sadd.s32 s31, s10  }
.LBB2_12:
0x11: {  	[sflag:s13] =	ssyncadd.s32 $0xFFFFD800  }
.LBB2_13:
0x12: {  	s17 =	sadd.s32 $0x1, s17  }
0x13: {  	p1 =	sne.s32 s17, s6  }
.Ltmp1:
0x14: {  	_ = 	snop;
	(pc) =	sbr.rel @!p1 .LBB2_14-.Ltmp1, $1  }
0x15: {  	_ =	sdelay $0x3  }
.LBB2_1:
0x16: {  	s18 =	simm.s32 $0x0;
	s19 =	simm.s32 $0x200  }
.LBB2_2:
0x17: {  	p1 =	sne.s32 s19, $0x9E00;
	[tilespmem:s18+$0x170] =	vst v0  }
0x18: {  	[tilespmem:s18+$0x100] =	vst v0  }
0x19: {  	[tilespmem:s18+$0x110] =	vst v0  }
.Ltmp2:
0x1a: {  	[tilespmem:s18+$0x120] =	vst v0;
	(pc) =	sbr.rel @p1 .LBB2_2-.Ltmp2, $4  }
0x1b: {  	[tilespmem:s18+$0x130] =	vst v0  }
0x1c: {  	[tilespmem:s18+$0x140] =	vst v0  }
0x1d: {  	[tilespmem:s18+$0x150] =	vst v0  }
0x1e: {  	[tilespmem:s18+$0x160] =	vst v0;
	s18 =	sshra.s32 s19, $0x2;
	s19 =	sadd.s32 $0x200, s19  }
0x1f: {  	[tilespmem:s18+$0x170] =	vst v0  }
0x20: {  	[tilespmem:s18+$0x100] =	vst v0  }
0x21: {  	[tilespmem:s18+$0x110] =	vst v0  }
.Ltmp3:
0x22: {  	[tilespmem:s18+$0x120] =	vst v0;
	(pc) =	sbr.rel @p0 .LBB2_7-.Ltmp3, $4  }
0x23: {  	[tilespmem:s18+$0x130] =	vst v0  }
0x24: {  	[tilespmem:s18+$0x140] =	vst v0  }
0x25: {  	[tilespmem:s18+$0x150] =	vst v0  }
0x26: {  	[tilespmem:s18+$0x160] =	vst v0  }
0x27: {  	p1 =	sne.s32 s7, $0x1  }
.Ltmp4:
0x28: {  	_ = 	snop;
	(pc) =	sbr.rel @!p1 .LBB2_6-.Ltmp4, $4  }
0x29: {  	_ = 	snop  }
0x2a: {  	[spmem:s8] =	stream.linear.scatter [tilespmem:s12], [sflag:$0x2], $0x2800, $0x38;
	[tilespmem:$0x16180] =	vst v63  }
0x2b: {  	_ =	swait.ge [sflag:s13], $0x2800  }
0x2c: {  	s18 =	sadd.s32 $0xFFFFFFFF, s7;
	s19 =	smov.u32 s8;
	[sflag:s13] =	ssyncset.done $0x0  }
.LBB2_5:
0x2d: {  	p1 =	sne.s32 s18, $0x1;
	[sflag:s13] =	ssyncadd.s32 $0xFFFFD800;
	s19 =	sadd.s32 $0x2800, s19  }
.Ltmp5:
0x2e: {  	s18 =	sadd.s32 $0xFFFFFFFF, s18;
	(pc) =	sbr.rel @p1 .LBB2_5-.Ltmp5, $4  }
0x2f: {  	_ = 	snop  }
0x30: {  	[spmem:s19] =	stream.linear.scatter [tilespmem:s12], [sflag:$0x2], $0x2800, $0x38;
	[tilespmem:$0x16180] =	vst v63  }
0x31: {  	_ =	swait.ge [sflag:s13], $0x2800  }
0x32: {  	[sflag:s13] =	ssyncset.done $0x0  }
.LBB2_6:
0x33: {  	[sflag:s13] =	ssyncadd.s32 $0xFFFFD800  }
.LBB2_7:
0x34: {  	[bflag:$0x0] =	sbarrier.arrive $0xFFFF;
	s18 =	sadd.s32 $0x0, s9  }
0x35: {  	[tilespmem:s4], [sflag:$0x2] =	stream.linear.gather [hbm4b:s18+s4], $0x50, $0x38;
	[tilespmem:$0x16180] =	vst v63  }
0x36: {  	_ =	swait.ge [sflag:s13], $0x50  }
0x37: {  	[sflag:s13] =	ssyncset.done $0x0  }
0x38: {  	s31 =	sadd.s32 $0x0, s10;
	[sflag:s13] =	ssyncadd.s32 $0xFFFFFFB0  }
0x39: {  	[tilespmem:s14], [sflag:$0x2] =	stream.linear.gather [hbm4b:s31+s4], $0x50, $0x38;
	[tilespmem:$0x16180] =	vst v63  }
0x3a: {  	_ =	swait.ge [sflag:s13], $0x50  }
0x3b: {  	[sflag:s13] =	ssyncset.done $0x0  }
0x3c: {  	[sflag:s13] =	ssyncadd.s32 $0xFFFFFFB0  }
0x3d: {  	[tilespmem:s12], [sflag:$0x1] =	stream.indirect.gather [hbm4b:s2+s15], $0x80, s4, s15, $0xb8;
	[tilespmem:$0x16180] =	vst v63  }
0x3e: {  	_ =	swait.ge [sflag:s16], $0x2800  }
0x3f: {  	[sflag:s16] =	ssyncset.done $0x0  }
0x40: {  	[sflag:s16] =	ssyncadd.s32 $0xFFFFD800  }
0x41: {  	[spmem:s3] =	stream.indirect.scatter.add.f32 [tilespmem:s12], [sflag:$0x2], $0x80, s14, s15, $0xb8;
	[tilespmem:$0x16180] =	vst v63  }
0x42: {  	_ =	swait.ge [sflag:s13], $0x2800  }
0x43: {  	s19 =	simm.s32 $0x14;
	s18 =	simm.s32 $0xA;
	[sflag:s13] =	ssyncset.done $0x0  }
.LBB2_8:
0x44: {  	s20 =	sadd.s32 s18, s9  }
0x45: {  	[sflag:s13] =	ssyncadd.s32 $0xFFFFD800;
	s21 =	smov.u32 s19;
	s22 =	sadd.s32 $0xA, s19  }
0x46: {  	[tilespmem:s4], [sflag:$0x2] =	stream.linear.gather [hbm4b:s20+s4], $0x50, $0x38;
	[tilespmem:$0x16180] =	vst v63  }
0x47: {  	p1 =	sne.s32 s19, $0x4D8;
	_ =	swait.ge [sflag:s13], $0x50  }
0x48: {  	[sflag:s13] =	ssyncset.done $0x0  }
0x49: {  	s19 =	sadd.s32 s18, s10;
	s18 =	smov.u32 s21;
	[sflag:s13] =	ssyncadd.s32 $0xFFFFFFB0  }
0x4a: {  	[tilespmem:s14], [sflag:$0x2] =	stream.linear.gather [hbm4b:s19+s4], $0x50, $0x38;
	[tilespmem:$0x16180] =	vst v63  }
0x4b: {  	_ =	swait.ge [sflag:s13], $0x50  }
0x4c: {  	[sflag:s13] =	ssyncset.done $0x0  }
0x4d: {  	[sflag:s13] =	ssyncadd.s32 $0xFFFFFFB0  }
0x4e: {  	[tilespmem:s12], [sflag:$0x1] =	stream.indirect.gather [hbm4b:s2+s15], $0x80, s4, s15, $0xb8;
	[tilespmem:$0x16180] =	vst v63  }
0x4f: {  	_ =	swait.ge [sflag:s16], $0x2800  }
.Ltmp6:
0x50: {  	[sflag:s16] =	ssyncset.done $0x0;
	(pc) =	sbr.rel @p1 .LBB2_8-.Ltmp6, $4  }
0x51: {  	[sflag:s16] =	ssyncadd.s32 $0xFFFFD800  }
0x52: {  	[spmem:s3] =	stream.indirect.scatter.add.f32 [tilespmem:s12], [sflag:$0x2], $0x80, s14, s15, $0xb8;
	[tilespmem:$0x16180] =	vst v63  }
0x53: {  	_ =	swait.ge [sflag:s13], $0x2800  }
0x54: {  	s19 =	smov.u32 s22;
	[sflag:s13] =	ssyncset.done $0x0  }
0x55: {  	s19 =	sadd.s32 s18, s9;
	[sflag:s13] =	ssyncadd.s32 $0xFFFFD800  }
0x56: {  	[tilespmem:s4], [sflag:$0x2] =	stream.linear.gather [hbm4b:s19+s4], $0x50, $0x38;
	[tilespmem:$0x16180] =	vst v63  }
0x57: {  	_ =	swait.ge [sflag:s13], $0x50  }
0x58: {  	[sflag:s13] =	ssyncset.done $0x0  }
0x59: {  	s31 =	sadd.s32 s18, s10;
	[sflag:s13] =	ssyncadd.s32 $0xFFFFFFB0  }
0x5a: {  	[tilespmem:s14], [sflag:$0x2] =	stream.linear.gather [hbm4b:s31+s4], $0x50, $0x38;
	[tilespmem:$0x16180] =	vst v63  }
0x5b: {  	_ =	swait.ge [sflag:s13], $0x50  }
0x5c: {  	[sflag:s13] =	ssyncset.done $0x0  }
0x5d: {  	[sflag:s13] =	ssyncadd.s32 $0xFFFFFFB0  }
0x5e: {  	[tilespmem:s12], [sflag:$0x1] =	stream.indirect.gather [hbm4b:s2+s15], $0x80, s4, s15, $0xb8;
	[tilespmem:$0x16180] =	vst v63  }
0x5f: {  	_ =	swait.ge [sflag:s16], $0x2800  }
0x60: {  	[sflag:s16] =	ssyncset.done $0x0  }
0x61: {  	[sflag:s16] =	ssyncadd.s32 $0xFFFFD800  }
0x62: {  	[spmem:s3] =	stream.indirect.scatter.add.f32 [tilespmem:s12], [sflag:$0x2], $0x80, s14, s15, $0xb8;
	[tilespmem:$0x16180] =	vst v63  }
.Ltmp7:
0x63: {  	_ =	swait.ge [sflag:s13], $0x2800;
	(pc) =	sbr.rel @p0 .LBB2_13-.Ltmp7, $3  }
0x64: {  	[sflag:s13] =	ssyncset.done $0x0  }
0x65: {  	[sflag:s13] =	ssyncadd.s32 $0xFFFFD800  }
0x66: {  	[bflag:$0x0] =	sbarrier.arrive $0xFFFF;
	_ =	sdelay $0x1  }
0x67: {  	[tilespmem:s12], [sflag:$0x2] =	stream.linear.gather [spmem:s8], $0x2800, $0x38;
	[tilespmem:$0x16180] =	vst v63  }
0x68: {  	p1 =	sne.s32 s7, $0x1;
	_ =	swait.ge [sflag:s13], $0x2800  }
.Ltmp8:
0x69: {  	s18 =	sshrl.u32 s11, $0x3;
	[sflag:s13] =	ssyncset.done $0x0;
	(pc) =	sbr.rel @!p1 .LBB2_12-.Ltmp8, $4  }
0x6a: {  	s18 =	sadd.s32 s5, s18;
	[sflag:s13] =	ssyncadd.s32 $0xFFFFD800  }
0x6b: {  	[hbm4b:s18+s4] =	stream.linear.scatter [tilespmem:s12], [sflag:$0x2], $0x2800, $0x38;
	[tilespmem:$0x16180] =	vst v63  }
0x6c: {  	s19 =	smov.u32 s11;
	_ =	swait.ge [sflag:s13], $0x2800  }
0x6d: {  	s20 =	smov.u32 s8;
	s18 =	sadd.s32 $0xFFFFFFFF, s7;
	[sflag:s13] =	ssyncset.done $0x0  }
.LBB2_11:
0x6e: {  	[sflag:s13] =	ssyncadd.s32 $0xFFFFD800;
	s19 =	sadd.s32 $0x2800, s19;
	s20 =	sadd.s32 $0x2800, s20  }
0x6f: {  	[tilespmem:s12], [sflag:$0x2] =	stream.linear.gather [spmem:s20], $0x2800, $0x38;
	[tilespmem:$0x16180] =	vst v63  }
0x70: {  	p1 =	sne.s32 s18, $0x1;
	s18 =	sadd.s32 $0xFFFFFFFF, s18;
	_ =	swait.ge [sflag:s13], $0x2800  }
.Ltmp9:
0x71: {  	s21 =	sshrl.u32 s19, $0x3;
	[sflag:s13] =	ssyncset.done $0x0;
	(pc) =	sbr.rel @p1 .LBB2_11-.Ltmp9, $4  }
0x72: {  	s21 =	sadd.s32 s5, s21;
	[sflag:s13] =	ssyncadd.s32 $0xFFFFD800  }
0x73: {  	[hbm4b:s21+s4] =	stream.linear.scatter [tilespmem:s12], [sflag:$0x2], $0x2800, $0x38;
	[tilespmem:$0x16180] =	vst v63  }
0x74: {  	_ =	swait.ge [sflag:s13], $0x2800  }
0x75: {  	[sflag:s13] =	ssyncset.done $0x0  }
.Ltmp10:
0x76: {  	_ = 	snop;
	(pc) =	sbr.rel .LBB2_12-.Ltmp10, $1  }
0x77: {  	_ =	sdelay $0x3  }
.LBB2_14:
0x78: {  	_ =	sfence.sel $0x180000  }
0x79: {  	[bflag:$0x0] =	sbarrier.arrive $0xFFFF  }
0x7a: {  	p0 =	sne.s32 s1, $0x0;
	_ =	strace $0x9000004D  }
0x7b: {  	s0 =	sadd.s32 @!p0 $0x100000, s0;
	[bflag:$0x2] =	sbarrier.arrive $0xFFFF  }
0x7c: {  	[sflag:s0] =	ssyncadd.tile.s32 @!p0 $0x1;
	_ =	shalt  }
.Lfunc_end2:
_tile_overlayer_lowered:
.L_overlay_start_2:
0x7d: {  	(tag) =	ssettag $0x2  }
0x7e: {  	s0 =	rddreg [dreg:$0x0];
	s2 =	stileid.u32  }
0x7f: {  	s1 =	rddreg [dreg:$0x1];
	p0 =	sne.s32 s2, $0x0  }
0x80: {  	s3 =	rddreg [dreg:$0x2];
	[bflag:$0x3] =	sbarrier.arrive $0xFFFF;
	s2 =	simm.s32 @!p0 $0x1C02  }
0x81: {  	[timem:s3], [sflag:s2] =	dma.local @!p0 [hbm:s0], s1  }
0x82: {  	s0 =	simm.s32 @!p0 $0x2  }
0x83: {  	_ =	swait.ge @!p0 [sflag:s0], s1  }
0x84: {  	s1 =	ssub.s32 @!p0 $0x0, s1;
	[sflag:s0] =	ssyncset.done @!p0 $0x0  }
0x85: {  	[sflag:s0] =	ssyncadd.s32 @!p0 s1  }
0x86: {  	[bflag:$0x3] =	sbarrier.arrive $0xFFFF  }
0x87: {  	_ =	shalt  }

// kernel: kernel.8.cloned.1.call-start
scs
__scs_entry_jumppad:
0x0: {  	(pc) =	sbr.rel $0x88, $3  }
0x1: {  	(tag) =	ssettag $0x0;
	lr =	simm.s32 $0x1  }
0x2: {  	[smem:$0x3F96] =	sst lr;
	_ =	strace $0xD0000000  }
0x3: {  	_ = 	snop  }
0x4: {  	_ = 	snop  }
0x5: {  	_ = 	snop  }
0x6: {  	_ = 	snop  }
0x7: {  	_ = 	snop  }
__scs_overlays_trampoline_lowered:
0x8: {  	[smem:$0x3FA5] =	sst s0  }
0x9: {  	[smem:$0x3FA6] =	sst s1  }
0xa: {  	[smem:$0x3FA7] =	sst s2  }
0xb: {  	[smem:$0x3FA8] =	sst s3  }
0xc: {  	[smem:$0x3FA9] =	sst s4  }
0xd: {  	[smem:$0x3FAA] =	sst s5  }
0xe: {  	[smem:$0x3FAB] =	sst s6  }
0xf: {  	[smem:$0x3FAC] =	sst s7  }
0x10: {  	[smem:$0x3FAD] =	sst s8  }
0x11: {  	[smem:$0x3FAE] =	sst s9;
	s0 =	simm.s32 @!p0 $0x0  }
0x12: {  	s1 =	sld [smem:$0x3F94];
	s0 =	simm.s32 @p0 $0x1  }
0x13: {  	[smem:$0x3FAF] =	sst s0;
	s0 =	simm.s32 @!p1 $0x0  }
0x14: {  	s2 =	sld [smem:$0x3F93];
	s0 =	simm.s32 @p1 $0x1  }
0x15: {  	[smem:$0x3FB0] =	sst s0;
	s0 =	simm.s32 @!p2 $0x0  }
0x16: {  	s3 =	sld [smem:$0x3FDB];
	s0 =	simm.s32 @p2 $0x1  }
0x17: {  	s4 =	simm.s32 $0x1BF5;
	[smem:$0x3FB2] =	sst s0  }
0x18: {  	s0 =	sld [smem:$0x3F95];
	_ =	swait.ge [sflag:s4], $0x0  }
0x19: {  	s7 =	sld [smem:$0x3F96]  }
0x1a: {  	s8 =	sadd.s32 $0xFFFFE003, lr  }
0x1b: {  	s9 =	sadd.s32 $0xFFFFFEF7, lr;
	s5 =	simm.s32 $0xFFFFFFFF;
	p2 =	slt.u32 s8, $0xFFFFF086  }
0x1c: {  	p1 =	slt.u32 s9, $0xF7A;
	s5 =	simm.s32 @!p2 $0x0  }
0x1d: {  	s5 =	simm.s32 @p1 $0x1;
	p0 =	seq.s32 s7, s2  }
0x1e: {  	s7 =	smul.u32 @!p0 $0xF7A, s2;
	p2 =	seq.s32 @!p0 s5, $0x0  }
0x1f: {  	s9 =	smul.u32 $0xF7A, s1;
	s8 =	simm.s32 @!p0 $0x1BF5;
	p2 =	por !p2, p0  }
0x20: {  	[sflag:s8] =	ssyncset.s32 @!p0 $0xFFFFF086;
	s6 =	sadd.s32 @!p0 s3, s7;
	s7 =	simm.s32 @!p0 $0x108  }
0x21: {  	s3 =	sadd.s32 s3, s9;
	s6 =	sadd.s32 @!p0 $0x88, s6;
	s7 =	simm.s32 @p2 $0x1082  }
0x22: {  	[simem:s7], [sflag:s8] =	dma.local @!p0 [hbm:s6], $0xF7A  }
0x23: {  	s9 =	sor.u32 $0xD0000000, s2;
	s6 =	simm.s32 $0x108;
	_ =	swait.ge @!p0 [sflag:s8], $0x0  }
0x24: {  	s3 =	sadd.s32 $0x88, s3;
	s6 =	simm.s32 @!p1 $0x1082;
	[sflag:s4] =	ssyncset.s32 $0xFFFFF086  }
0x25: {  	[simem:s6], [sflag:s4] =	dma.local [hbm:s3], $0xF7A  }
0x26: {  	[smem:$0x3F96] =	sst s1;
	(tag) =	ssettag s2;
	_ =	strace s9  }
0x27: {  	s1 =	sld [smem:$0x3FA6]  }
0x28: {  	s2 =	sld [smem:$0x3FA7]  }
0x29: {  	s4 =	sld [smem:$0x3FA9]  }
0x2a: {  	p0 =	seq.s32 s5, $0x0;
	s5 =	sld [smem:$0x3FAA]  }
0x2b: {  	s6 =	sld [smem:$0x3FAB]  }
0x2c: {  	s7 =	sld [smem:$0x3FAC]  }
0x2d: {  	s3 =	simm.s32 $0x108;
	s8 =	sld [smem:$0x3FAD]  }
0x2e: {  	s3 =	simm.s32 @!p0 $0x1082;
	s9 =	sld [smem:$0x3FAE]  }
0x2f: {  	lr =	sadd.s32 s0, s3;
	s0 =	sld [smem:$0x3FA5]  }
0x30: {  	s3 =	sld [smem:$0x3FA8]  }
0x31: {  	[smem:$0x3FB1] =	sst s10  }
0x32: {  	s10 =	sld [smem:$0x3FAF];
	_ =	sdelay $0x3  }
0x33: {  	p0 =	seq.s32 s10, $0x1;
	s10 =	sld [smem:$0x3FB1];
	_ =	sdelay $0x3  }
0x34: {  	[smem:$0x3FB1] =	sst s10  }
0x35: {  	s10 =	sld [smem:$0x3FB0];
	_ =	sdelay $0x3  }
0x36: {  	p1 =	seq.s32 s10, $0x1;
	s10 =	sld [smem:$0x3FB1];
	_ =	sdelay $0x3  }
0x37: {  	[smem:$0x3FB1] =	sst s10  }
0x38: {  	s10 =	sld [smem:$0x3FB2]  }
0x39: {  	_ = 	snop;
	(pc) =	sbr.ind lr, $3  }
0x3a: {  	_ = 	snop  }
0x3b: {  	_ = 	snop  }
0x3c: {  	p2 =	seq.s32 s10, $0x1;
	s10 =	sld [smem:$0x3FB1]  }
0x3d: {  	_ =	shalt  }
0x3e: {  	_ =	shalt  }
0x3f: {  	_ =	shalt  }
0x40: {  	_ =	shalt  }
0x41: {  	_ =	shalt  }
0x42: {  	_ =	shalt  }
0x43: {  	_ =	shalt  }
0x44: {  	_ =	shalt  }
0x45: {  	_ =	shalt  }
0x46: {  	_ =	shalt  }
0x47: {  	_ =	shalt  }
0x48: {  	_ =	shalt  }
0x49: {  	_ =	shalt  }
0x4a: {  	_ =	shalt  }
0x4b: {  	_ =	shalt  }
0x4c: {  	_ =	shalt  }
0x4d: {  	_ =	shalt  }
0x4e: {  	_ =	shalt  }
0x4f: {  	_ =	shalt  }
0x50: {  	_ =	shalt  }
0x51: {  	_ =	shalt  }
0x52: {  	_ =	shalt  }
0x53: {  	_ =	shalt  }
0x54: {  	_ =	shalt  }
0x55: {  	_ =	shalt  }
0x56: {  	_ =	shalt  }
0x57: {  	_ =	shalt  }
0x58: {  	_ =	shalt  }
0x59: {  	_ =	shalt  }
0x5a: {  	_ =	shalt  }
0x5b: {  	_ =	shalt  }
0x5c: {  	_ =	shalt  }
0x5d: {  	_ =	shalt  }
0x5e: {  	_ =	shalt  }
0x5f: {  	_ =	shalt  }
0x60: {  	_ =	shalt  }
0x61: {  	_ =	shalt  }
0x62: {  	_ =	shalt  }
0x63: {  	_ =	shalt  }
0x64: {  	_ =	shalt  }
0x65: {  	_ =	shalt  }
0x66: {  	_ =	shalt  }
0x67: {  	_ =	shalt  }
0x68: {  	_ =	shalt  }
0x69: {  	_ =	shalt  }
0x6a: {  	_ =	shalt  }
0x6b: {  	_ =	shalt  }
0x6c: {  	_ =	shalt  }
0x6d: {  	_ =	shalt  }
0x6e: {  	_ =	shalt  }
0x6f: {  	_ =	shalt  }
0x70: {  	_ =	shalt  }
0x71: {  	_ =	shalt  }
0x72: {  	_ =	shalt  }
0x73: {  	_ =	shalt  }
0x74: {  	_ =	shalt  }
0x75: {  	_ =	shalt  }
0x76: {  	_ =	shalt  }
0x77: {  	_ =	shalt  }
0x78: {  	_ =	shalt  }
0x79: {  	_ =	shalt  }
0x7a: {  	_ =	shalt  }
0x7b: {  	_ =	shalt  }
0x7c: {  	_ =	shalt  }
0x7d: {  	_ =	shalt  }
0x7e: {  	_ =	shalt  }
0x7f: {  	_ =	shalt  }
0x80: {  	_ =	shalt  }
0x81: {  	_ =	shalt  }
0x82: {  	_ =	shalt  }
0x83: {  	_ =	shalt  }
0x84: {  	_ =	shalt  }
0x85: {  	_ =	shalt  }
0x86: {  	_ =	shalt  }
0x87: {  	_ =	shalt  }
.Lfunc_end0:
.L_simem_size_0:
called_computation_lowered:
.L_overlay_start_0:
0x88: {  	s2 =	sld [smem:$0x3FD9]  }
0x89: {  	s3 =	sld [smem:$0x3FFE];
	_ =	sdelay $0x1  }
0x8a: {  	s1 =	srdreg.scid  }
0x8b: {  	s0 =	sand.u32 $0x1, s1  }
0x8c: {  	s17 =	sshll.u32 s0, $0xA;
	s2 =	sadd.s32 s3, s2  }
0x8d: {  	s2 =	sadd.s32 s2, s17  }
0x8e: {  	[smem:$0x3FBD] =	sst s2  }
0x8f: {  	_ = 	snop  }
0x90: {  	s18 =	sld [smem:$0x3FC9];
	(tm) =	ssettm $0x1  }
0x91: {  	s19 =	sld [smem:$0x3FFB];
	_ =	sdelay $0x3  }
0x92: {  	_ =	strace s19  }
0x93: {  	s2 =	sld [smem:$0x3FFC];
	_ =	sdelay $0x3  }
0x94: {  	_ =	strace s2  }
0x95: {  	s2 =	sld [smem:$0x3FFD];
	_ =	sdelay $0x3  }
0x96: {  	_ =	strace s2  }
0x97: {  	_ =	strace $0x8FFFFFFF  }
0x98: {  	s20 =	sld [smem:$0x3FDB];
	_ =	sdelay $0x1  }
0x99: {  	s4 =	simm.s32 $_scs_section_size  }
0x9a: {  	s5 =	simm.s32 $_size__tile_overlayer_lowered;
	s6 =	simm.s32 $_tile_overlayer_lowered  }
0x9b: {  	s7 =	simm.s32 $0x1BFF;
	s21 =	sshll.u32 s6, $0x1;
	s4 =	sadd.s32 s4, s20  }
0x9c: {  	s22 =	simm.s32 $0x0;
	s5 =	sshll.u32 s5, $0x1;
	s6 =	sadd.s32 s21, s4  }
0x9d: {  	[timem:s22], [sflag:s7] =	dma.local [hbm:s6], s5  }
0x9e: {  	_ =	swait.ge [sflag:s7], s5  }
0x9f: {  	s5 =	ssub.s32 $0x0, s5;
	[sflag:s7] =	ssyncset.done $0x0  }
0xa0: {  	[sflag:s7] =	ssyncadd.s32 s5;
	_ =	sdelay $0x1  }
0xa1: {  	s23 =	simm.s32 $0x1B8B  }
0xa2: {  	_ =	swait.ge [sflag:s23], $0x1  }
0xa3: {  	[sflag:s23] =	ssyncset.done $0x0  }
0xa4: {  	[sflag:s23] =	ssyncadd.s32 $0xFFFFFFFF  }
0xa5: {  	s5 =	sld [smem:$0x0]  }
0xa6: {  	s6 =	sand.u32 $0xFFFFFFFE, s1  }
0xa7: {  	p0 =	sne.s32 s1, s6  }
0xa8: {  	s6 =	sshll.u32 @p0 s6, $0xE  }
0xa9: {  	s6 =	sadd.s32 @p0 $0x11B8D, s6;
	s7 =	sshll.u32 @p0 s5, $0x11  }
0xaa: {  	s6 =	sor.u32 @p0 s7, s6  }
0xab: {  	[sflag:s6] =	ssyncadd.remote.s32 @p0 $0x1;
	_ =	sdelay $0x1  }
0xac: {  	s6 =	simm.s32 @p0 $0x1B8D  }
0xad: {  	_ =	swait.eq @p0 [sflag:s6], $0x1  }
0xae: {  	[sflag:s6] =	ssyncadd.s32 @p0 $0xFFFFFFFF  }
0xaf: {  	s7 =	sshll.u32 @!p0 s1, $0xE  }
0xb0: {  	s7 =	sor.u32 @!p0 $0x4000, s7;
	s6 =	simm.s32 @!p0 $0x1B8D  }
0xb1: {  	s5 =	sshll.u32 @!p0 s5, $0x11;
	s7 =	sadd.s32 @!p0 $0x11B8D, s7;
	_ =	swait.eq @!p0 [sflag:s6], $0x1  }
0xb2: {  	s5 =	sor.u32 @!p0 s5, s7;
	[sflag:s6] =	ssyncadd.s32 @!p0 $0xFFFFFFFF  }
0xb3: {  	s25 =	simm.s32 $0x1B8E;
	s24 =	sld [smem:$0x3FFE];
	[sflag:s5] =	ssyncadd.remote.s32 @!p0 $0x1  }
0xb4: {  	s26 =	simm.s32 $execute0_lowered;
	[smem:$0x3FD2] =	sst s25  }
0xb5: {  	s6 =	sshll.u32 s26, $0x1;
	_ =	strace $0x80000049;
	[dreg:$0x1] =	wrdreg $0xFFFFFFFF  }
0xb6: {  	s28 =	simm.s32 $_size_execute0_lowered;
	s4 =	sadd.s32 s4, s6;
	[dreg:$0x0] =	wrdreg $0x0  }
0xb7: {  	s6 =	sshll.u32 s28, $0x1;
	[dreg:$0x2] =	wrdreg s4  }
0xb8: {  	[dreg:$0x3] =	wrdreg s6  }
0xb9: {  	[dreg:$0x4] =	wrdreg $0xC0  }
0xba: {  	_ =	task [dreg:s22], $0x5FFFF  }
0xbb: {  	[dreg:$0x1] =	wrdreg $0xFFFFFFFF  }
0xbc: {  	[dreg:$0x0] =	wrdreg $0x60  }
0xbd: {  	[dreg:$0x2] =	wrdreg s18  }
0xbe: {  	[dreg:$0x3] =	wrdreg s24  }
0xbf: {  	[dreg:$0x4] =	wrdreg $0x29000  }
0xc0: {  	[dreg:$0x5] =	wrdreg $0xA  }
0xc1: {  	_ =	task.clear_ibuf [dreg:s22], $0x6FFFF;
	_ =	strace $0x90000049  }
0xc2: {  	s29 =	simm.s32 $0xA;
	_ =	strace $0x8000004B  }
0xc3: {  	_ =	swait.ge [sflag:s29], $0x1  }
0xc4: {  	[sflag:s29] =	ssyncadd.s32 $0xFFFFFFFF  }
0xc5: {  	_ =	strace $0x9000004B  }
0xc6: {  	_ =	sfence  }
0xc7: {  	s30 =	sld [smem:$0x0];
	_ =	sdelay $0x2  }
0xc8: {  	s31 =	sshll.u32 s1, $0xD;
	s1 =	sshrl.u32 s1, $0x2  }
0xc9: {  	s4 =	sand.u32 $0x4000, s31;
	s1 =	sadd.s32 s1, s30  }
0xca: {  	s0 =	sor.u32 s4, s0;
	s1 =	sshll.u32 s1, $0x11  }
0xcb: {  	s0 =	sor.u32 s1, s0  }
0xcc: {  	s0 =	sadd.s32 $0x8F2B, s0  }
0xcd: {  	[sflag:s0] =	ssyncadd.remote.s32 $0x1  }
0xce: {  	_ =	sfence.sel $0xFFFF  }
0xcf: {  	[dreg:$0x0] =	wrdreg $0xFFFFFFFF;
	(pc) =	sbr.abs _section_cstart, $3  }
0xd0: {  	[dreg:$0x1] =	wrdreg $0xFFFFFFFF  }
0xd1: {  	_ =	task.clear_ibuf [dreg:s22], $0x2FFFF;
	_ =	strace $0x9FFFFFFF  }
0xd2: {  	(tm) =	ssettm $0x7FFFFFFF  }
0xd3: {  	_ =	shalt  }
tec
execute0_lowered:
.L_overlay_start_1:
0x0: {  	(tag) =	ssettag $0x1  }
0x1: {  	s2 =	rddreg [dreg:$0x0]  }
0x2: {  	s5 =	rddreg [dreg:$0x1]  }
0x3: {  	s3 =	rddreg [dreg:$0x2];
	s1 =	stileid.u32  }
0x4: {  	s0 =	rddreg [dreg:$0x3];
	s4 =	simm.s32 $0x0;
	s7 =	srdreg.scid  }
0x5: {  	s17 =	simm.s32 $0x0;
	s6 =	smul.u32 $0x7D, s1;
	[smem:$0x7FF] =	sst s4  }
0x6: {  	s7 =	sand.u32 $0x1, s7;
	s10 =	sadd.s32 $0x3200, s5;
	s13 =	smul.u32 $0x4E20, s1  }
0x7: {  	s5 =	sadd.s32 $0x64E00, s5;
	_ =	strace $0x8000004A;
	s28 =	smul.u32 $0x2710, s7  }
0x8: {  	s8 =	ssub.s32 $0x2, s7;
	s15 =	smul.u32 $0x138800, s7;
	s12 =	sshrl.u32 s6, $0x4  }
0x9: {  	s11 =	sshrl.u32 s8, $0x1;
	s6 =	sadd.s32 $0x7D, s6;
	s9 =	smul.u32 $0xA000, s12  }
0xa: {  	s8 =	ssub.s32 s8, s11;
	s14 =	sshrl.u32 s6, $0x4;
	s30 =	sadd.s32 s28, s13  }
0xb: {  	s16 =	smul.u32 $0x2800, s12;
	s6 =	smax.u32 s8, $0x1;
	s7 =	ssub.s32 s14, s12  }
.Ltmp0:
0xc: {  	s11 =	sshrl.u32 s30, $0x3;
	s13 =	sadd.s32 $0x4E200, s30;
	(pc) =	sbr.rel .LBB2_1-.Ltmp0, $4  }
0xd: {  	p0 =	sle.u32 s14, s12;
	s12 =	simm.s32 $0x100;
	s14 =	simm.s32 $0x80  }
0xe: {  	s29 =	sshrl.u32 s9, $0x2;
	s9 =	sadd.s32 s11, s10;
	s31 =	sshrl.u32 s13, $0x3  }
0xf: {  	s11 =	sadd.s32 s16, s15;
	s13 =	simm.s32 $0x2;
	s15 =	simm.s32 $0x50  }
0x10: {  	v0 =	vimm.f32 $0.0e+00;
	s16 =	simm.s32 $0x1;
	s8 =	sadd.s32 s29, s3;
	s10 =	sadd.s32 s31, s10  }
.LBB2_12:
0x11: {  	[sflag:s13] =	ssyncadd.s32 $0xFFFFD800  }
.LBB2_13:
0x12: {  	s17 =	sadd.s32 $0x1, s17  }
0x13: {  	p1 =	sne.s32 s17, s6  }
.Ltmp1:
0x14: {  	_ = 	snop;
	(pc) =	sbr.rel @!p1 .LBB2_14-.Ltmp1, $1  }
0x15: {  	_ =	sdelay $0x3  }
.LBB2_1:
0x16: {  	s18 =	simm.s32 $0x0;
	s19 =	simm.s32 $0x200  }
.LBB2_2:
0x17: {  	p1 =	sne.s32 s19, $0x9E00;
	[tilespmem:s18+$0x170] =	vst v0  }
0x18: {  	[tilespmem:s18+$0x100] =	vst v0  }
0x19: {  	[tilespmem:s18+$0x110] =	vst v0  }
.Ltmp2:
0x1a: {  	[tilespmem:s18+$0x120] =	vst v0;
	(pc) =	sbr.rel @p1 .LBB2_2-.Ltmp2, $4  }
0x1b: {  	[tilespmem:s18+$0x130] =	vst v0  }
0x1c: {  	[tilespmem:s18+$0x140] =	vst v0  }
0x1d: {  	[tilespmem:s18+$0x150] =	vst v0  }
0x1e: {  	[tilespmem:s18+$0x160] =	vst v0;
	s18 =	sshra.s32 s19, $0x2;
	s19 =	sadd.s32 $0x200, s19  }
0x1f: {  	[tilespmem:s18+$0x170] =	vst v0  }
0x20: {  	[tilespmem:s18+$0x100] =	vst v0  }
0x21: {  	[tilespmem:s18+$0x110] =	vst v0  }
.Ltmp3:
0x22: {  	[tilespmem:s18+$0x120] =	vst v0;
	(pc) =	sbr.rel @p0 .LBB2_7-.Ltmp3, $4  }
0x23: {  	[tilespmem:s18+$0x130] =	vst v0  }
0x24: {  	[tilespmem:s18+$0x140] =	vst v0  }
0x25: {  	[tilespmem:s18+$0x150] =	vst v0  }
0x26: {  	[tilespmem:s18+$0x160] =	vst v0  }
0x27: {  	p1 =	sne.s32 s7, $0x1  }
.Ltmp4:
0x28: {  	_ = 	snop;
	(pc) =	sbr.rel @!p1 .LBB2_6-.Ltmp4, $4  }
0x29: {  	_ = 	snop  }
0x2a: {  	[spmem:s8] =	stream.linear.scatter [tilespmem:s12], [sflag:$0x2], $0x2800, $0x38;
	[tilespmem:$0x16180] =	vst v63  }
0x2b: {  	_ =	swait.ge [sflag:s13], $0x2800  }
0x2c: {  	s18 =	sadd.s32 $0xFFFFFFFF, s7;
	s19 =	smov.u32 s8;
	[sflag:s13] =	ssyncset.done $0x0  }
.LBB2_5:
0x2d: {  	p1 =	sne.s32 s18, $0x1;
	[sflag:s13] =	ssyncadd.s32 $0xFFFFD800;
	s19 =	sadd.s32 $0x2800, s19  }
.Ltmp5:
0x2e: {  	s18 =	sadd.s32 $0xFFFFFFFF, s18;
	(pc) =	sbr.rel @p1 .LBB2_5-.Ltmp5, $4  }
0x2f: {  	_ = 	snop  }
0x30: {  	[spmem:s19] =	stream.linear.scatter [tilespmem:s12], [sflag:$0x2], $0x2800, $0x38;
	[tilespmem:$0x16180] =	vst v63  }
0x31: {  	_ =	swait.ge [sflag:s13], $0x2800  }
0x32: {  	[sflag:s13] =	ssyncset.done $0x0  }
.LBB2_6:
0x33: {  	[sflag:s13] =	ssyncadd.s32 $0xFFFFD800  }
.LBB2_7:
0x34: {  	[bflag:$0x0] =	sbarrier.arrive $0xFFFF;
	s18 =	sadd.s32 $0x0, s9  }
0x35: {  	[tilespmem:s4], [sflag:$0x2] =	stream.linear.gather [hbm4b:s18+s4], $0x50, $0x38;
	[tilespmem:$0x16180] =	vst v63  }
0x36: {  	_ =	swait.ge [sflag:s13], $0x50  }
0x37: {  	[sflag:s13] =	ssyncset.done $0x0  }
0x38: {  	s31 =	sadd.s32 $0x0, s10;
	[sflag:s13] =	ssyncadd.s32 $0xFFFFFFB0  }
0x39: {  	[tilespmem:s14], [sflag:$0x2] =	stream.linear.gather [hbm4b:s31+s4], $0x50, $0x38;
	[tilespmem:$0x16180] =	vst v63  }
0x3a: {  	_ =	swait.ge [sflag:s13], $0x50  }
0x3b: {  	[sflag:s13] =	ssyncset.done $0x0  }
0x3c: {  	[sflag:s13] =	ssyncadd.s32 $0xFFFFFFB0  }
0x3d: {  	[tilespmem:s12], [sflag:$0x1] =	stream.indirect.gather [hbm4b:s2+s15], $0x80, s4, s15, $0xb8;
	[tilespmem:$0x16180] =	vst v63  }
0x3e: {  	_ =	swait.ge [sflag:s16], $0x2800  }
0x3f: {  	[sflag:s16] =	ssyncset.done $0x0  }
0x40: {  	[sflag:s16] =	ssyncadd.s32 $0xFFFFD800  }
0x41: {  	[spmem:s3] =	stream.indirect.scatter.add.f32 [tilespmem:s12], [sflag:$0x2], $0x80, s14, s15, $0xb8;
	[tilespmem:$0x16180] =	vst v63  }
0x42: {  	_ =	swait.ge [sflag:s13], $0x2800  }
0x43: {  	s19 =	simm.s32 $0x14;
	s18 =	simm.s32 $0xA;
	[sflag:s13] =	ssyncset.done $0x0  }
.LBB2_8:
0x44: {  	s20 =	sadd.s32 s18, s9  }
0x45: {  	[sflag:s13] =	ssyncadd.s32 $0xFFFFD800;
	s21 =	smov.u32 s19;
	s22 =	sadd.s32 $0xA, s19  }
0x46: {  	[tilespmem:s4], [sflag:$0x2] =	stream.linear.gather [hbm4b:s20+s4], $0x50, $0x38;
	[tilespmem:$0x16180] =	vst v63  }
0x47: {  	p1 =	sne.s32 s19, $0x4D8;
	_ =	swait.ge [sflag:s13], $0x50  }
0x48: {  	[sflag:s13] =	ssyncset.done $0x0  }
0x49: {  	s19 =	sadd.s32 s18, s10;
	s18 =	smov.u32 s21;
	[sflag:s13] =	ssyncadd.s32 $0xFFFFFFB0  }
0x4a: {  	[tilespmem:s14], [sflag:$0x2] =	stream.linear.gather [hbm4b:s19+s4], $0x50, $0x38;
	[tilespmem:$0x16180] =	vst v63  }
0x4b: {  	_ =	swait.ge [sflag:s13], $0x50  }
0x4c: {  	[sflag:s13] =	ssyncset.done $0x0  }
0x4d: {  	[sflag:s13] =	ssyncadd.s32 $0xFFFFFFB0  }
0x4e: {  	[tilespmem:s12], [sflag:$0x1] =	stream.indirect.gather [hbm4b:s2+s15], $0x80, s4, s15, $0xb8;
	[tilespmem:$0x16180] =	vst v63  }
0x4f: {  	_ =	swait.ge [sflag:s16], $0x2800  }
.Ltmp6:
0x50: {  	[sflag:s16] =	ssyncset.done $0x0;
	(pc) =	sbr.rel @p1 .LBB2_8-.Ltmp6, $4  }
0x51: {  	[sflag:s16] =	ssyncadd.s32 $0xFFFFD800  }
0x52: {  	[spmem:s3] =	stream.indirect.scatter.add.f32 [tilespmem:s12], [sflag:$0x2], $0x80, s14, s15, $0xb8;
	[tilespmem:$0x16180] =	vst v63  }
0x53: {  	_ =	swait.ge [sflag:s13], $0x2800  }
0x54: {  	s19 =	smov.u32 s22;
	[sflag:s13] =	ssyncset.done $0x0  }
0x55: {  	s19 =	sadd.s32 s18, s9;
	[sflag:s13] =	ssyncadd.s32 $0xFFFFD800  }
0x56: {  	[tilespmem:s4], [sflag:$0x2] =	stream.linear.gather [hbm4b:s19+s4], $0x50, $0x38;
	[tilespmem:$0x16180] =	vst v63  }
0x57: {  	_ =	swait.ge [sflag:s13], $0x50  }
0x58: {  	[sflag:s13] =	ssyncset.done $0x0  }
0x59: {  	s31 =	sadd.s32 s18, s10;
	[sflag:s13] =	ssyncadd.s32 $0xFFFFFFB0  }
0x5a: {  	[tilespmem:s14], [sflag:$0x2] =	stream.linear.gather [hbm4b:s31+s4], $0x50, $0x38;
	[tilespmem:$0x16180] =	vst v63  }
0x5b: {  	_ =	swait.ge [sflag:s13], $0x50  }
0x5c: {  	[sflag:s13] =	ssyncset.done $0x0  }
0x5d: {  	[sflag:s13] =	ssyncadd.s32 $0xFFFFFFB0  }
0x5e: {  	[tilespmem:s12], [sflag:$0x1] =	stream.indirect.gather [hbm4b:s2+s15], $0x80, s4, s15, $0xb8;
	[tilespmem:$0x16180] =	vst v63  }
0x5f: {  	_ =	swait.ge [sflag:s16], $0x2800  }
0x60: {  	[sflag:s16] =	ssyncset.done $0x0  }
0x61: {  	[sflag:s16] =	ssyncadd.s32 $0xFFFFD800  }
0x62: {  	[spmem:s3] =	stream.indirect.scatter.add.f32 [tilespmem:s12], [sflag:$0x2], $0x80, s14, s15, $0xb8;
	[tilespmem:$0x16180] =	vst v63  }
.Ltmp7:
0x63: {  	_ =	swait.ge [sflag:s13], $0x2800;
	(pc) =	sbr.rel @p0 .LBB2_13-.Ltmp7, $3  }
0x64: {  	[sflag:s13] =	ssyncset.done $0x0  }
0x65: {  	[sflag:s13] =	ssyncadd.s32 $0xFFFFD800  }
0x66: {  	[bflag:$0x0] =	sbarrier.arrive $0xFFFF;
	_ =	sdelay $0x1  }
0x67: {  	[tilespmem:s12], [sflag:$0x2] =	stream.linear.gather [spmem:s8], $0x2800, $0x38;
	[tilespmem:$0x16180] =	vst v63  }
0x68: {  	p1 =	sne.s32 s7, $0x1;
	_ =	swait.ge [sflag:s13], $0x2800  }
.Ltmp8:
0x69: {  	s18 =	sshrl.u32 s11, $0x3;
	[sflag:s13] =	ssyncset.done $0x0;
	(pc) =	sbr.rel @!p1 .LBB2_12-.Ltmp8, $4  }
0x6a: {  	s18 =	sadd.s32 s5, s18;
	[sflag:s13] =	ssyncadd.s32 $0xFFFFD800  }
0x6b: {  	[hbm4b:s18+s4] =	stream.linear.scatter [tilespmem:s12], [sflag:$0x2], $0x2800, $0x38;
	[tilespmem:$0x16180] =	vst v63  }
0x6c: {  	s19 =	smov.u32 s11;
	_ =	swait.ge [sflag:s13], $0x2800  }
0x6d: {  	s20 =	smov.u32 s8;
	s18 =	sadd.s32 $0xFFFFFFFF, s7;
	[sflag:s13] =	ssyncset.done $0x0  }
.LBB2_11:
0x6e: {  	[sflag:s13] =	ssyncadd.s32 $0xFFFFD800;
	s19 =	sadd.s32 $0x2800, s19;
	s20 =	sadd.s32 $0x2800, s20  }
0x6f: {  	[tilespmem:s12], [sflag:$0x2] =	stream.linear.gather [spmem:s20], $0x2800, $0x38;
	[tilespmem:$0x16180] =	vst v63  }
0x70: {  	p1 =	sne.s32 s18, $0x1;
	s18 =	sadd.s32 $0xFFFFFFFF, s18;
	_ =	swait.ge [sflag:s13], $0x2800  }
.Ltmp9:
0x71: {  	s21 =	sshrl.u32 s19, $0x3;
	[sflag:s13] =	ssyncset.done $0x0;
	(pc) =	sbr.rel @p1 .LBB2_11-.Ltmp9, $4  }
0x72: {  	s21 =	sadd.s32 s5, s21;
	[sflag:s13] =	ssyncadd.s32 $0xFFFFD800  }
0x73: {  	[hbm4b:s21+s4] =	stream.linear.scatter [tilespmem:s12], [sflag:$0x2], $0x2800, $0x38;
	[tilespmem:$0x16180] =	vst v63  }
0x74: {  	_ =	swait.ge [sflag:s13], $0x2800  }
0x75: {  	[sflag:s13] =	ssyncset.done $0x0  }
.Ltmp10:
0x76: {  	_ = 	snop;
	(pc) =	sbr.rel .LBB2_12-.Ltmp10, $1  }
0x77: {  	_ =	sdelay $0x3  }
.LBB2_14:
0x78: {  	_ =	sfence.sel $0x180000  }
0x79: {  	[bflag:$0x0] =	sbarrier.arrive $0xFFFF  }
0x7a: {  	p0 =	sne.s32 s1, $0x0;
	_ =	strace $0x9000004A  }
0x7b: {  	s0 =	sadd.s32 @!p0 $0x100000, s0;
	[bflag:$0x2] =	sbarrier.arrive $0xFFFF  }
0x7c: {  	[sflag:s0] =	ssyncadd.tile.s32 @!p0 $0x1;
	_ =	shalt  }
.Lfunc_end2:
_tile_overlayer_lowered:
.L_overlay_start_2:
0x7d: {  	(tag) =	ssettag $0x2  }
0x7e: {  	s0 =	rddreg [dreg:$0x0];
	s2 =	stileid.u32  }
0x7f: {  	s1 =	rddreg [dreg:$0x1];
	p0 =	sne.s32 s2, $0x0  }
0x80: {  	s3 =	rddreg [dreg:$0x2];
	[bflag:$0x3] =	sbarrier.arrive $0xFFFF;
	s2 =	simm.s32 @!p0 $0x1C02  }
0x81: {  	[timem:s3], [sflag:s2] =	dma.local @!p0 [hbm:s0], s1  }
0x82: {  	s0 =	simm.s32 @!p0 $0x2  }
0x83: {  	_ =	swait.ge @!p0 [sflag:s0], s1  }
0x84: {  	s1 =	ssub.s32 @!p0 $0x0, s1;
	[sflag:s0] =	ssyncset.done @!p0 $0x0  }
0x85: {  	[sflag:s0] =	ssyncadd.s32 @!p0 s1  }
0x86: {  	[bflag:$0x3] =	sbarrier.arrive $0xFFFF  }
0x87: {  	_ =	shalt  }

</sc_bundles>
